<compile_context>
chip_gen: v7x
topology: tpu7x:2x2x1
jax: 0.10.2.dev20260603
libtpu: 0.0.44.dev20260713+nightly
codegen_flags: <defaults>
</compile_context>

<pallas_src>
import functools

import jax
import jax.numpy as jnp
from jax import lax
from jax.experimental import pallas as pl
from jax.experimental.pallas import tpu as pltpu
from jax.experimental.pallas import tpu_sc as plsc

NC = 2
NS = 16
NW = NC * NS
LANES = 16
EB = 512


def _dense_body(x_ref, wl_ref, bl_ref, wr_ref, br_ref, xl_ref, xr_ref):
    x = x_ref[...]
    xl_ref[...] = jnp.dot(x, wl_ref[...],
                          preferred_element_type=jnp.float32) + bl_ref[...]
    xr_ref[...] = jnp.dot(x, wr_ref[...],
                          preferred_element_type=jnp.float32) + br_ref[...]


def _conv_body(x_ref, w0_ref, w1_ref, w2_ref, cb_ref, x2_ref):
    x = x_ref[...]
    a0 = jnp.dot(x, w0_ref[...], preferred_element_type=jnp.float32)
    a1 = jnp.dot(x, w1_ref[...], preferred_element_type=jnp.float32)
    a2 = jnp.dot(x, w2_ref[...], preferred_element_type=jnp.float32)
    z = jnp.zeros((1, a0.shape[1]), jnp.float32)
    c = a1 + jnp.concatenate([z, a0[:-1]], axis=0) \
           + jnp.concatenate([a2[1:], z], axis=0) + cb_ref[...]
    x2_ref[...] = jnp.maximum(c, 0.0)


def _sc_edges_body(xl_hbm, xr_hbm, src_hbm, dst_hbm, att_hbm, znf_hbm,
                   zn4_hbm, numer_out, denom_out, p_out,
                   acc_sp, den_sp,
                   att_v, src_v, dst_v, xlr, xrr, pmat, sem1, sem2,
                   semd, semp):
    n = acc_sp.shape[0]
    e_total = p_out.shape[0]
    cid = lax.axis_index("c")
    sid = lax.axis_index("s")
    wid = sid * NC + cid

    rows = 624
    tail = n - NS * rows
    r0 = sid * rows
    pltpu.sync_copy(znf_hbm.at[pl.ds(r0, rows)], acc_sp.at[pl.ds(r0, rows)])

    @pl.when(sid == 0)
    def _():
        t0 = NS * rows
        pltpu.sync_copy(znf_hbm.at[pl.ds(t0, tail)], acc_sp.at[pl.ds(t0, tail)])

    drows = 2000

    @pl.when(sid < 5)
    def _():
        pltpu.sync_copy(zn4_hbm.at[pl.ds(sid * drows, drows)],
                        den_sp.at[pl.ds(sid * drows, drows)])

    pltpu.sync_copy(att_hbm, att_v)

    @plsc.parallel_loop(0, EB, 1, unroll=4)
    def _(e):
        pmat[e, :] = jnp.zeros((LANES,), jnp.float32)
    plsc.subcore_barrier()

    att_h = [att_v[pl.ds(h * LANES, LANES)] for h in range(4)]
    iota = lax.iota(jnp.int32, LANES)
    lane_last = iota == (LANES - 1)

    nblk = e_total // EB
    nblocks = (nblk - wid + NW - 1) // NW

    def block_body(k, carry):
        bi = wid + k * NW
        base = bi * EB
        cpi1 = pltpu.async_copy(src_hbm.at[pl.ds(base, EB)], src_v, sem1)
        cpi2 = pltpu.async_copy(dst_hbm.at[pl.ds(base, EB)], dst_v, sem2)
        cpi1.wait()
        cpi2.wait()
        cpg1 = pltpu.async_copy(xl_hbm.at[src_v], xlr, sem1)
        cpg2 = pltpu.async_copy(xr_hbm.at[dst_v], xrr, sem2)
        cpg1.wait()
        cpg2.wait()

        @plsc.parallel_loop(0, EB, 1, unroll=4)
        def _(e):
            e_splat = jnp.full((LANES,), e, jnp.int32)
            for h in range(4):
                a = xlr[e, pl.ds(h * LANES, LANES)]
                b = xrr[e, pl.ds(h * LANES, LANES)]
                s = a + b
                t = jnp.maximum(s, s * 0.2)
                cs = plsc.cumsum(t * att_h[h])
                plsc.store_scatter(pmat,
                                   [e_splat, jnp.full((LANES,), h, jnp.int32)],
                                   cs, mask=lane_last)

        @plsc.parallel_loop(0, EB * 4 // LANES, 1, unroll=4)
        def _(i):
            ridx = i * 4 + (iota // 4)
            cidx = iota % 4
            u = plsc.load_gather(pmat, [ridx, cidx])
            plsc.store_scatter(pmat, [ridx, cidx], jnp.exp(u))

        pltpu.sync_copy(pmat, den_sp.at[dst_v], add=True)
        pltpu.sync_copy(pmat, p_out.at[pl.ds(base, EB)])

        @plsc.parallel_loop(0, EB, 1, unroll=4)
        def _(e):
            e_splat = jnp.full((LANES,), e, jnp.int32)
            for h in range(4):
                pv = plsc.load_gather(
                    pmat, [e_splat, jnp.full((LANES,), h, jnp.int32)])
                v = xlr[e, pl.ds(h * LANES, LANES)] * pv
                xlr[e, pl.ds(h * LANES, LANES)] = v
        pltpu.sync_copy(xlr, acc_sp.at[dst_v], add=True)
        return carry

    lax.fori_loop(0, nblocks, block_body, 0)
    plsc.subcore_barrier()

    pltpu.sync_copy(acc_sp.at[pl.ds(r0, rows)],
                    numer_out.at[cid, pl.ds(r0, rows)])

    @pl.when(sid == 0)
    def _():
        t0 = NS * rows
        pltpu.sync_copy(acc_sp.at[pl.ds(t0, tail)],
                        numer_out.at[cid, pl.ds(t0, tail)])

    @pl.when(sid < 5)
    def _():
        pltpu.sync_copy(den_sp.at[pl.ds(sid * drows, drows)],
                        denom_out.at[cid, pl.ds(sid * drows, drows)])


def _post_body(numer_ref, denom_ref, gb_ref, gamma_ref, beta_ref,
               x1_ref, dt_ref):
    n = x1_ref.shape[0]
    num = numer_ref[0] + numer_ref[1]
    den = (denom_ref[0] + denom_ref[1])[:, 0:4]
    dt_ref[...] = den
    dexp = jnp.concatenate(
        [jnp.broadcast_to(den[:, h:h + 1] + 1e-16, (n, LANES))
         for h in range(4)], axis=1)
    x1 = num / dexp + gb_ref[...]
    mu = jnp.mean(x1, axis=0)
    var = jnp.mean((x1 - mu) ** 2, axis=0)
    xb = (x1 - mu) / jnp.sqrt(var + 1e-5) * gamma_ref[...] + beta_ref[...]
    x1_ref[...] = jnp.maximum(xb, 0.01 * xb)


def _sc_alpha_body(p_hbm, dst_hbm, dt_hbm, alpha_out,
                   dt_v, dst_v, pblk, ablk):
    e_total = p_hbm.shape[0]
    cid = lax.axis_index("c")
    sid = lax.axis_index("s")
    wid = sid * NC + cid
    pltpu.sync_copy(dt_hbm, dt_v)
    iota = lax.iota(jnp.int32, LANES)
    nblk = e_total // EB
    nblocks = (nblk - wid + NW - 1) // NW

    def block_body(k, carry):
        bi = wid + k * NW
        base = bi * EB
        pltpu.sync_copy(dst_hbm.at[pl.ds(base, EB)], dst_v)
        pltpu.sync_copy(p_hbm.at[pl.ds(base, EB)], pblk)

        @plsc.parallel_loop(0, EB * 4 // LANES, 1, unroll=4)
        def _(i):
            eidx = i * 4 + (iota // 4)
            hpat = iota % 4
            dstv = plsc.load_gather(dst_v, [eidx])
            dv = plsc.load_gather(dt_v, [dstv, hpat])
            pv = plsc.load_gather(pblk, [eidx, hpat])
            plsc.store_scatter(ablk, [eidx, hpat], pv / (dv + 1e-16))
        pltpu.sync_copy(ablk, alpha_out.at[pl.ds(base, EB)])
        return carry

    lax.fori_loop(0, nblocks, block_body, 0)


def kernel(x, edge_index, Wl, bl, Wr, br, att, gat_bias, conv_w, conv_b,
           bn_gamma, bn_beta):
    n = x.shape[0]
    e_total = edge_index.shape[1]
    f = Wl.shape[1]
    src = edge_index[0]
    dst = edge_index[1]
    w0 = conv_w[:, :, 0].T
    w1 = conv_w[:, :, 1].T
    w2 = conv_w[:, :, 2].T

    xl, xr = pl.pallas_call(
        _dense_body,
        out_shape=(
            jax.ShapeDtypeStruct((n, f), jnp.float32),
            jax.ShapeDtypeStruct((n, f), jnp.float32),
        ),
    )(x, Wl, bl, Wr, br)

    x2 = pl.pallas_call(
        _conv_body,
        out_shape=jax.ShapeDtypeStruct((n, f), jnp.float32),
    )(x, w0, w1, w2, conv_b)

    mesh = plsc.VectorSubcoreMesh(core_axis_name="c", subcore_axis_name="s",
                                  num_cores=NC, num_subcores=NS)

    znf = jnp.zeros((n, f), jnp.float32)
    zn4 = jnp.zeros((n, LANES), jnp.float32)

    sc_edges = pl.kernel(
        _sc_edges_body,
        out_type=(
            jax.ShapeDtypeStruct((NC, n, f), jnp.float32),
            jax.ShapeDtypeStruct((NC, n, LANES), jnp.float32),
            jax.ShapeDtypeStruct((e_total, LANES), jnp.float32),
        ),
        mesh=mesh,
        compiler_params=pltpu.CompilerParams(use_tc_tiling_on_sc=False,
                                             needs_layout_passes=False),
        scratch_types=[
            pltpu.VMEM_SHARED((n, f), jnp.float32),
            pltpu.VMEM_SHARED((n, LANES), jnp.float32),
            pltpu.VMEM((f,), jnp.float32),
            pltpu.VMEM((EB,), jnp.int32),
            pltpu.VMEM((EB,), jnp.int32),
            pltpu.VMEM((EB, f), jnp.float32),
            pltpu.VMEM((EB, f), jnp.float32),
            pltpu.VMEM((EB, LANES), jnp.float32),
            pltpu.SemaphoreType.DMA,
            pltpu.SemaphoreType.DMA,
            pltpu.SemaphoreType.DMA,
            pltpu.SemaphoreType.DMA,
        ],
    )
    numer_p, denom_p, p_un = sc_edges(xl, xr, src, dst, att.reshape(-1),
                                      znf, zn4)

    x1f, dt = pl.pallas_call(
        _post_body,
        out_shape=(
            jax.ShapeDtypeStruct((n, f), jnp.float32),
            jax.ShapeDtypeStruct((n, 4), jnp.float32),
        ),
    )(numer_p, denom_p, gat_bias, bn_gamma, bn_beta)

    sc_alpha = pl.kernel(
        _sc_alpha_body,
        out_type=jax.ShapeDtypeStruct((e_total, 4), jnp.float32),
        mesh=mesh,
        compiler_params=pltpu.CompilerParams(use_tc_tiling_on_sc=False,
                                             needs_layout_passes=False),
        scratch_types=[
            pltpu.VMEM((n, 4), jnp.float32),
            pltpu.VMEM((EB,), jnp.int32),
            pltpu.VMEM((EB, LANES), jnp.float32),
            pltpu.VMEM((EB, 4), jnp.float32),
        ],
    )
    alpha = sc_alpha(p_un, dst, dt)

    out = jnp.concatenate([x1f, x2], axis=1)
    return (out, alpha, edge_index)

# --- scband reference (transcript-rebuilt; emitter-appended) ---
"""Pipeline reference for scband-gcnn-30631706755179 (READ-ONLY COPY).

The authoritative reference and input builder live on the scoring server;
editing this copy changes nothing except your own understanding.
"""

import jax, jax.numpy as jnp
import numpy as np

HIDDEN = 128
HEADS = 4
OUT_C = HIDDEN // 8  # 16 per head; concat -> 64 = HIDDEN//2
N_NODES = 10000
N_EDGES = 320000


def setup_inputs(seed: int = 0) -> dict:
    key = jax.random.key(seed)
    ks = jax.random.split(key, 12)
    inp = {}
    inp["x"] = jax.random.normal(ks[0], (N_NODES, HIDDEN), dtype=jnp.float32)
    inp["edge_index"] = jax.random.randint(ks[1], (2, N_EDGES), 0, N_NODES, dtype=jnp.int32)
    # GATv2Conv params: lin_l, lin_r (in=HIDDEN, out=HEADS*OUT_C), att [HEADS, OUT_C], bias [HEADS*OUT_C]
    s = np.float32(1.0 / np.sqrt(HIDDEN))
    inp["Wl"] = jax.random.normal(ks[2], (HIDDEN, HEADS * OUT_C), dtype=jnp.float32) * s
    inp["bl"] = jnp.zeros((HEADS * OUT_C,), dtype=jnp.float32)
    inp["Wr"] = jax.random.normal(ks[3], (HIDDEN, HEADS * OUT_C), dtype=jnp.float32) * s
    inp["br"] = jnp.zeros((HEADS * OUT_C,), dtype=jnp.float32)
    inp["att"] = jax.random.normal(ks[4], (HEADS, OUT_C), dtype=jnp.float32) * np.float32(1.0 / np.sqrt(OUT_C))
    inp["gat_bias"] = jnp.zeros((HEADS * OUT_C,), dtype=jnp.float32)
    # Conv1d(HIDDEN, HIDDEN//2, kernel_size=3, padding=1): weight [out, in, k]
    inp["conv_w"] = jax.random.normal(ks[5], (HIDDEN // 2, HIDDEN, 3), dtype=jnp.float32) * np.float32(1.0 / np.sqrt(HIDDEN * 3))
    inp["conv_b"] = jnp.zeros((HIDDEN // 2,), dtype=jnp.float32)
    # BatchNorm1d(HIDDEN//2)
    inp["bn_gamma"] = jnp.ones((HIDDEN // 2,), dtype=jnp.float32)
    inp["bn_beta"] = jnp.zeros((HIDDEN // 2,), dtype=jnp.float32)
    return inp


def _gatv2(x, edge_index, Wl, bl, Wr, br, att, gat_bias):
    N = x.shape[0]
    src = edge_index[0]
    dst = edge_index[1]
    xl = (x @ Wl + bl).reshape(N, HEADS, OUT_C)
    xr = (x @ Wr + br).reshape(N, HEADS, OUT_C)
    # GATv2: e_ij = att . leaky_relu(xl[src] + xr[dst]), slope 0.2
    e = jax.nn.leaky_relu(xl[src] + xr[dst], negative_slope=0.2)  # [E, H, C]
    logits = jnp.sum(e * att[None, :, :], axis=-1)  # [E, H]
    m = jax.ops.segment_max(logits, dst, num_segments=N)
    m = jnp.where(jnp.isfinite(m), m, 0.0)
    p = jnp.exp(logits - m[dst])
    denom = jax.ops.segment_sum(p, dst, num_segments=N)
    alpha = p / (denom[dst] + 1e-16)  # [E, H]
    out = jax.ops.segment_sum(xl[src] * alpha[:, :, None], dst, num_segments=N)
    out = out.reshape(N, HEADS * OUT_C) + gat_bias
    return out, alpha


def reference(x, edge_index, Wl, bl, Wr, br, att, gat_bias, conv_w, conv_b, bn_gamma, bn_beta):
    N = x.shape[0]
    x1, alpha = _gatv2(x, edge_index, Wl, bl, Wr, br, att, gat_bias)  # [N, 64]
    # x2 = relu(conv1d(x.T)).T  -- unbatched Conv1d on [C_in=HIDDEN, L=N]
    xt = x.T[None, :, :]  # [1, HIDDEN, N]
    c = jax.lax.conv_general_dilated(xt, conv_w, window_strides=(1,), padding=[(1, 1)],
                                     dimension_numbers=("NCH", "OIH", "NCH"))
    x2 = jax.nn.relu((c[0] + conv_b[:, None]).T)  # [N, 64]
    # x1 = leaky_relu_(bn1(x1)), batchnorm in training mode (batch stats), slope 0.01
    mean = jnp.mean(x1, axis=0)
    var = jnp.var(x1, axis=0)
    x1 = (x1 - mean) / jnp.sqrt(var + 1e-5) * bn_gamma + bn_beta
    x1 = jax.nn.leaky_relu(x1, negative_slope=0.01)
    out = jnp.concatenate([x1, x2], axis=1)  # [N, HIDDEN]
    # Mirrors torch return (x, edge_weights, edge_data); edge_weights=(edge_index, alpha)
    return (out, alpha, edge_index)

if __name__ == "__main__":
    import jax
    _d = setup_inputs()
    print(jax.jit(kernel)(*tuple(_d.values())))

</pallas_src>

<mosaic_0001>
#map = affine_map<(d0, d1) -> (0, 0)>
#map1 = affine_map<(d0, d1) -> (0)>
#map2 = affine_map<(d0, d1) -> (0, 0, 0)>
module attributes {stable_mosaic.version = 14 : i64} {
  func.func @_sc_edges_body(%arg0: i32, %arg1: i32, %arg2: memref<10000x64xf32, #tpu.memory_space<hbm>>, %arg3: memref<10000x64xf32, #tpu.memory_space<hbm>>, %arg4: memref<320000xi32, #tpu.memory_space<hbm>>, %arg5: memref<320000xi32, #tpu.memory_space<hbm>>, %arg6: memref<64xf32, #tpu.memory_space<hbm>>, %arg7: memref<10000x64xf32, #tpu.memory_space<hbm>>, %arg8: memref<10000x16xf32, #tpu.memory_space<hbm>>, %arg9: memref<2x10000x64xf32, #tpu.memory_space<hbm>>, %arg10: memref<2x10000x16xf32, #tpu.memory_space<hbm>>, %arg11: memref<320000x16xf32, #tpu.memory_space<hbm>>, %arg12: memref<10000x64xf32, #tpu.memory_space<vmem_shared>>, %arg13: memref<10000x16xf32, #tpu.memory_space<vmem_shared>>, %arg14: memref<64xf32, #tpu.memory_space<vmem>>, %arg15: memref<512xi32, #tpu.memory_space<vmem>>, %arg16: memref<512xi32, #tpu.memory_space<vmem>>, %arg17: memref<512x64xf32, #tpu.memory_space<vmem>>, %arg18: memref<512x64xf32, #tpu.memory_space<vmem>>, %arg19: memref<512x16xf32, #tpu.memory_space<vmem>>, %arg20: memref<!tpu.dma_semaphore, #tpu.memory_space<semaphore_mem>>, %arg21: memref<!tpu.dma_semaphore, #tpu.memory_space<semaphore_mem>>, %arg22: memref<!tpu.dma_semaphore, #tpu.memory_space<semaphore_mem>>, %arg23: memref<!tpu.dma_semaphore, #tpu.memory_space<semaphore_mem>>) attributes {dimension_semantics = [#tpu.dimension_semantics<core_parallel>, #tpu.dimension_semantics<subcore_parallel>], iteration_bounds = array<i64: 2, 16>, scalar_prefetch = 0 : i64, scratch_operands = 12 : i64, tpu.core_type = #tpu.core_type<sc_vector_subcore>, window_params = [{transform_indices = #map}, {transform_indices = #map}, {transform_indices = #map1}, {transform_indices = #map1}, {transform_indices = #map1}, {transform_indices = #map}, {transform_indices = #map}, {transform_indices = #map2}, {transform_indices = #map2}, {transform_indices = #map}]} {
    %mul3A = arith.constant 2 : i32
    %mul3A_0 = arith.muli %arg1, %mul3A : i32
    %add3A = arith.addi %mul3A_0, %arg0 : i32
    %mul3A_1 = arith.constant 624 : i32
    %mul3A_2 = arith.muli %arg1, %mul3A_1 : i32
    "tpu.region"() ({
      %run_scoped3A = tpu.sem_alloc : memref<!tpu.dma_semaphore, #tpu.memory_space<semaphore_mem>>
      %dma_start3A = arith.constant 0 : i32
      %dma_start3A_63 = tpu.memref_slice %arg12[%mul3A_2, %dma_start3A] : memref<10000x64xf32, #tpu.memory_space<vmem_shared>> -> memref<624x64xf32, #tpu.memory_space<vmem_shared>>
      %dma_start3A_64 = arith.constant 0 : i32
      %dma_start3A_65 = tpu.memref_slice %arg7[%mul3A_2, %dma_start3A_64] : memref<10000x64xf32, #tpu.memory_space<hbm>> -> memref<624x64xf32, #tpu.memory_space<hbm>>
      tpu.enqueue_dma source(%dma_start3A_65 : memref<624x64xf32, #tpu.memory_space<hbm>>) target(%dma_start3A_63 : memref<624x64xf32, #tpu.memory_space<vmem_shared>>) target_semaphore(%run_scoped3A : memref<!tpu.dma_semaphore, #tpu.memory_space<semaphore_mem>>)
      %dma_wait3A = arith.constant 0 : i32
      %dma_wait3A_66 = tpu.memref_slice %arg12[%mul3A_2, %dma_wait3A] : memref<10000x64xf32, #tpu.memory_space<vmem_shared>> -> memref<624x64xf32, #tpu.memory_space<vmem_shared>>
      %dma_wait3A_67 = arith.constant 0 : i32
      %dma_wait3A_68 = tpu.memref_slice %arg7[%mul3A_2, %dma_wait3A_67] : memref<10000x64xf32, #tpu.memory_space<hbm>> -> memref<624x64xf32, #tpu.memory_space<hbm>>
      tpu.wait_dma2 semaphore(%run_scoped3A : memref<!tpu.dma_semaphore, #tpu.memory_space<semaphore_mem>>) src(%dma_wait3A_68 : memref<624x64xf32, #tpu.memory_space<hbm>>) dst(%dma_wait3A_66 : memref<624x64xf32, #tpu.memory_space<vmem_shared>>)
      tpu.yield
    }) : () -> ()
    %eq3A = arith.constant 0 : i32
    %eq3A_3 = arith.cmpi eq, %arg1, %eq3A : i32
    %convert_element_type3A = arith.extui %eq3A_3 : i1 to i32
    %cond3A = arith.constant 0 : i32
    %cond3A_4 = arith.cmpi ne, %convert_element_type3A, %cond3A : i32
    scf.if %cond3A_4 {
      "tpu.region"() ({
        %run_scoped3A = tpu.sem_alloc : memref<!tpu.dma_semaphore, #tpu.memory_space<semaphore_mem>>
        %dma_start3A = arith.constant 9984 : i32
        %dma_start3A_63 = arith.constant 0 : i32
        %dma_start3A_64 = tpu.memref_slice %arg12[%dma_start3A, %dma_start3A_63] : memref<10000x64xf32, #tpu.memory_space<vmem_shared>> -> memref<16x64xf32, #tpu.memory_space<vmem_shared>>
        %dma_start3A_65 = arith.constant 9984 : i32
        %dma_start3A_66 = arith.constant 0 : i32
        %dma_start3A_67 = tpu.memref_slice %arg7[%dma_start3A_65, %dma_start3A_66] : memref<10000x64xf32, #tpu.memory_space<hbm>> -> memref<16x64xf32, #tpu.memory_space<hbm>>
        tpu.enqueue_dma source(%dma_start3A_67 : memref<16x64xf32, #tpu.memory_space<hbm>>) target(%dma_start3A_64 : memref<16x64xf32, #tpu.memory_space<vmem_shared>>) target_semaphore(%run_scoped3A : memref<!tpu.dma_semaphore, #tpu.memory_space<semaphore_mem>>)
        %dma_wait3A = arith.constant 9984 : i32
        %dma_wait3A_68 = arith.constant 0 : i32
        %dma_wait3A_69 = tpu.memref_slice %arg12[%dma_wait3A, %dma_wait3A_68] : memref<10000x64xf32, #tpu.memory_space<vmem_shared>> -> memref<16x64xf32, #tpu.memory_space<vmem_shared>>
        %dma_wait3A_70 = arith.constant 9984 : i32
        %dma_wait3A_71 = arith.constant 0 : i32
        %dma_wait3A_72 = tpu.memref_slice %arg7[%dma_wait3A_70, %dma_wait3A_71] : memref<10000x64xf32, #tpu.memory_space<hbm>> -> memref<16x64xf32, #tpu.memory_space<hbm>>
        tpu.wait_dma2 semaphore(%run_scoped3A : memref<!tpu.dma_semaphore, #tpu.memory_space<semaphore_mem>>) src(%dma_wait3A_72 : memref<16x64xf32, #tpu.memory_space<hbm>>) dst(%dma_wait3A_69 : memref<16x64xf32, #tpu.memory_space<vmem_shared>>)
        tpu.yield
      }) : () -> ()
    } else {
    }
    %lt3A = arith.constant 5 : i32
    %lt3A_5 = arith.cmpi slt, %arg1, %lt3A : i32
    %convert_element_type3A_6 = arith.extui %lt3A_5 : i1 to i32
    %cond3A_7 = arith.constant 0 : i32
    %cond3A_8 = arith.cmpi ne, %convert_element_type3A_6, %cond3A_7 : i32
    scf.if %cond3A_8 {
      %mul3A_63 = arith.constant 2000 : i32
      %mul3A_64 = arith.muli %arg1, %mul3A_63 : i32
      %mul3A_65 = arith.constant 2000 : i32
      %mul3A_66 = arith.muli %arg1, %mul3A_65 : i32
      "tpu.region"() ({
        %run_scoped3A = tpu.sem_alloc : memref<!tpu.dma_semaphore, #tpu.memory_space<semaphore_mem>>
        %dma_start3A = arith.constant 0 : i32
        %dma_start3A_67 = tpu.memref_slice %arg13[%mul3A_66, %dma_start3A] : memref<10000x16xf32, #tpu.memory_space<vmem_shared>> -> memref<2000x16xf32, #tpu.memory_space<vmem_shared>>
        %dma_start3A_68 = arith.constant 0 : i32
        %dma_start3A_69 = tpu.memref_slice %arg8[%mul3A_64, %dma_start3A_68] : memref<10000x16xf32, #tpu.memory_space<hbm>> -> memref<2000x16xf32, #tpu.memory_space<hbm>>
        tpu.enqueue_dma source(%dma_start3A_69 : memref<2000x16xf32, #tpu.memory_space<hbm>>) target(%dma_start3A_67 : memref<2000x16xf32, #tpu.memory_space<vmem_shared>>) target_semaphore(%run_scoped3A : memref<!tpu.dma_semaphore, #tpu.memory_space<semaphore_mem>>)
        %dma_wait3A = arith.constant 0 : i32
        %dma_wait3A_70 = tpu.memref_slice %arg13[%mul3A_66, %dma_wait3A] : memref<10000x16xf32, #tpu.memory_space<vmem_shared>> -> memref<2000x16xf32, #tpu.memory_space<vmem_shared>>
        %dma_wait3A_71 = arith.constant 0 : i32
        %dma_wait3A_72 = tpu.memref_slice %arg8[%mul3A_64, %dma_wait3A_71] : memref<10000x16xf32, #tpu.memory_space<hbm>> -> memref<2000x16xf32, #tpu.memory_space<hbm>>
        tpu.wait_dma2 semaphore(%run_scoped3A : memref<!tpu.dma_semaphore, #tpu.memory_space<semaphore_mem>>) src(%dma_wait3A_72 : memref<2000x16xf32, #tpu.memory_space<hbm>>) dst(%dma_wait3A_70 : memref<2000x16xf32, #tpu.memory_space<vmem_shared>>)
        tpu.yield
      }) : () -> ()
    } else {
    }
    "tpu.region"() ({
      %run_scoped3A = tpu.sem_alloc : memref<!tpu.dma_semaphore, #tpu.memory_space<semaphore_mem>>
      tpu.enqueue_dma source(%arg6 : memref<64xf32, #tpu.memory_space<hbm>>) target(%arg14 : memref<64xf32, #tpu.memory_space<vmem>>) target_semaphore(%run_scoped3A : memref<!tpu.dma_semaphore, #tpu.memory_space<semaphore_mem>>)
      tpu.wait_dma2 semaphore(%run_scoped3A : memref<!tpu.dma_semaphore, #tpu.memory_space<semaphore_mem>>) src(%arg6 : memref<64xf32, #tpu.memory_space<hbm>>) dst(%arg14 : memref<64xf32, #tpu.memory_space<vmem>>)
      tpu.yield
    }) : () -> ()
    %parallel_loop3A = arith.constant 0 : i32
    %parallel_loop3A_9 = arith.constant 512 : i32
    %parallel_loop3A_10 = arith.constant 1 : i32
    scf.for %parallel_loop3A_63 = %parallel_loop3A to %parallel_loop3A_9 step %parallel_loop3A_10  : i32 {
      %parallel_loop3A_64 = arith.constant 0.000000e+00 : f32
      %parallel_loop3A_65 = vector.broadcast %parallel_loop3A_64 : f32 to vector<16xf32>
      %parallel_loop3A_66 = arith.index_cast %parallel_loop3A_63 : i32 to index
      %parallel_loop3A_67 = arith.constant 0 : index
      %parallel_loop3A_68 = tpu.vector_load %arg19[%parallel_loop3A_66, %parallel_loop3A_67] {strides = array<i32>} : memref<512x16xf32, #tpu.memory_space<vmem>>, vector<16xf32>,
      tpu.vector_store %arg19[%parallel_loop3A_66, %parallel_loop3A_67], %parallel_loop3A_65 {strides = array<i32>} : memref<512x16xf32, #tpu.memory_space<vmem>>, vector<16xf32>,
    } {sc.loop_unroll_factor = 4 : i64, sc.parallel_access}
    %barrier3A = arith.constant 0 : index
    tpu.barrier barrier_id(%barrier3A)
    %get3A = arith.constant 0 : index
    %get3A_11 = tpu.vector_load %arg14[%get3A] {strides = array<i32>} : memref<64xf32, #tpu.memory_space<vmem>>, vector<16xf32>,
    %get3A_12 = arith.constant 16 : index
    %get3A_13 = tpu.vector_load %arg14[%get3A_12] {strides = array<i32>} : memref<64xf32, #tpu.memory_space<vmem>>, vector<16xf32>,
    %get3A_14 = arith.constant 32 : index
    %get3A_15 = tpu.vector_load %arg14[%get3A_14] {strides = array<i32>} : memref<64xf32, #tpu.memory_space<vmem>>, vector<16xf32>,
    %get3A_16 = arith.constant 48 : index
    %get3A_17 = tpu.vector_load %arg14[%get3A_16] {strides = array<i32>} : memref<64xf32, #tpu.memory_space<vmem>>, vector<16xf32>,
    %iota3A = tpu.iota {dimensions = array<i32: 0>} : vector<16xi32>
    %eq3A_18 = arith.constant 15 : i32
    %eq3A_19 = vector.broadcast %eq3A_18 : i32 to vector<16xi32>
    %eq3A_20 = arith.cmpi eq, %iota3A, %eq3A_19 : vector<16xi32>
    %sub3A = arith.constant 625 : i32
    %sub3A_21 = arith.subi %sub3A, %add3A : i32
    %add3A_22 = arith.constant 32 : i32
    %add3A_23 = arith.addi %sub3A_21, %add3A_22 : i32
    %sub3A_24 = arith.constant 1 : i32
    %sub3A_25 = arith.subi %add3A_23, %sub3A_24 : i32
    %jit3A = arith.constant 32 : i32
    %div3A = arith.divsi %sub3A_25, %jit3A : i32
    %sign3A = arith.constant 0 : i32
    %sign3A_26 = arith.cmpi sgt, %sub3A_25, %sign3A : i32
    %sign3A_27 = arith.extui %sign3A_26 : i1 to i32
    %sign3A_28 = arith.constant 0 : i32
    %sign3A_29 = arith.cmpi slt, %sub3A_25, %sign3A_28 : i32
    %sign3A_30 = arith.extui %sign3A_29 : i1 to i32
    %sign3A_31 = arith.subi %sign3A_27, %sign3A_30 : i32
    %sign3A_32 = arith.constant 0 : i32
    %sign3A_33 = arith.cmpi sgt, %jit3A, %sign3A_32 : i32
    %sign3A_34 = arith.extui %sign3A_33 : i1 to i32
    %sign3A_35 = arith.constant 0 : i32
    %sign3A_36 = arith.cmpi slt, %jit3A, %sign3A_35 : i32
    %sign3A_37 = arith.extui %sign3A_36 : i1 to i32
    %sign3A_38 = arith.subi %sign3A_34, %sign3A_37 : i32
    %ne3A = arith.cmpi ne, %sign3A_31, %sign3A_38 : i32
    %rem3A = arith.remsi %sub3A_25, %jit3A : i32
    %ne3A_39 = arith.constant 0 : i32
    %ne3A_40 = arith.cmpi ne, %rem3A, %ne3A_39 : i32
    %and3A = arith.andi %ne3A, %ne3A_40 : i1
    %sub3A_41 = arith.constant 1 : i32
    %sub3A_42 = arith.subi %div3A, %sub3A_41 : i32
    %select_n3A = arith.select %and3A, %sub3A_42, %div3A : i32
    %while3A = arith.constant 0 : i32
    %while3A_43 = arith.constant 0 : i32
    %while3A_44 = arith.subi %select_n3A, %while3A_43 : i32
    %while3A_45 = arith.addi %while3A_43, %while3A_44 : i32
    %while3A_46 = arith.constant 1 : i32
    %while3A_47 = arith.divsi %while3A_44, %while3A_46 : i32
    %while3A_48 = arith.muli %while3A_47, %while3A_46 : i32
    %while3A_49 = arith.addi %while3A_43, %while3A_48 : i32
    %while3A_50 = arith.constant 1 : i32
    scf.for %while3A_63 = %while3A_43 to %while3A_49 step %while3A_50  : i32 {
      %mul3A_64 = arith.constant 32 : i32
      %mul3A_65 = arith.muli %while3A_63, %mul3A_64 : i32
      %add3A_66 = arith.addi %add3A, %mul3A_65 : i32
      %mul3A_67 = arith.constant 512 : i32
      %mul3A_68 = arith.muli %add3A_66, %mul3A_67 : i32
      %dma_start3A = tpu.memref_slice %arg4[%mul3A_68] : memref<320000xi32, #tpu.memory_space<hbm>> -> memref<512xi32, #tpu.memory_space<hbm>>
      %dma_start3A_69 = tpu.memref_slice %arg4[%mul3A_68] : memref<320000xi32, #tpu.memory_space<hbm>> -> memref<512xi32, #tpu.memory_space<hbm>>
      tpu.enqueue_dma source(%dma_start3A_69 : memref<512xi32, #tpu.memory_space<hbm>>) target(%arg15 : memref<512xi32, #tpu.memory_space<vmem>>) target_semaphore(%arg20 : memref<!tpu.dma_semaphore, #tpu.memory_space<semaphore_mem>>)
      %dma_start3A_70 = tpu.memref_slice %arg5[%mul3A_68] : memref<320000xi32, #tpu.memory_space<hbm>> -> memref<512xi32, #tpu.memory_space<hbm>>
      %dma_start3A_71 = tpu.memref_slice %arg5[%mul3A_68] : memref<320000xi32, #tpu.memory_space<hbm>> -> memref<512xi32, #tpu.memory_space<hbm>>
      tpu.enqueue_dma source(%dma_start3A_71 : memref<512xi32, #tpu.memory_space<hbm>>) target(%arg16 : memref<512xi32, #tpu.memory_space<vmem>>) target_semaphore(%arg21 : memref<!tpu.dma_semaphore, #tpu.memory_space<semaphore_mem>>)
      %dma_wait3A = tpu.memref_slice %arg4[%mul3A_68] : memref<320000xi32, #tpu.memory_space<hbm>> -> memref<512xi32, #tpu.memory_space<hbm>>
      %dma_wait3A_72 = tpu.memref_slice %arg4[%mul3A_68] : memref<320000xi32, #tpu.memory_space<hbm>> -> memref<512xi32, #tpu.memory_space<hbm>>
      tpu.wait_dma2 semaphore(%arg20 : memref<!tpu.dma_semaphore, #tpu.memory_space<semaphore_mem>>) src(%dma_wait3A_72 : memref<512xi32, #tpu.memory_space<hbm>>) dst(%arg15 : memref<512xi32, #tpu.memory_space<vmem>>)
      %dma_wait3A_73 = tpu.memref_slice %arg5[%mul3A_68] : memref<320000xi32, #tpu.memory_space<hbm>> -> memref<512xi32, #tpu.memory_space<hbm>>
      %dma_wait3A_74 = tpu.memref_slice %arg5[%mul3A_68] : memref<320000xi32, #tpu.memory_space<hbm>> -> memref<512xi32, #tpu.memory_space<hbm>>
      tpu.wait_dma2 semaphore(%arg21 : memref<!tpu.dma_semaphore, #tpu.memory_space<semaphore_mem>>) src(%dma_wait3A_74 : memref<512xi32, #tpu.memory_space<hbm>>) dst(%arg16 : memref<512xi32, #tpu.memory_space<vmem>>)
      %dma_start3A_75 = arith.constant 0 : i32
      %dma_start3A_76 = arith.constant 0 : i32
      %dma_start3A_77 = tpu.memref_slice %arg2[%dma_start3A_75, %dma_start3A_76] : memref<10000x64xf32, #tpu.memory_space<hbm>> -> memref<10000x64xf32, #tpu.memory_space<hbm>>
      tpu.enqueue_indirect_dma source(%dma_start3A_77 : memref<10000x64xf32, #tpu.memory_space<hbm>>) target(%arg17 : memref<512x64xf32, #tpu.memory_space<vmem>>) offsets(%arg15 : memref<512xi32, #tpu.memory_space<vmem>>) semaphore(%arg20 : memref<!tpu.dma_semaphore, #tpu.memory_space<semaphore_mem>>)
      %dma_start3A_78 = arith.constant 0 : i32
      %dma_start3A_79 = arith.constant 0 : i32
      %dma_start3A_80 = tpu.memref_slice %arg3[%dma_start3A_78, %dma_start3A_79] : memref<10000x64xf32, #tpu.memory_space<hbm>> -> memref<10000x64xf32, #tpu.memory_space<hbm>>
      tpu.enqueue_indirect_dma source(%dma_start3A_80 : memref<10000x64xf32, #tpu.memory_space<hbm>>) target(%arg18 : memref<512x64xf32, #tpu.memory_space<vmem>>) offsets(%arg16 : memref<512xi32, #tpu.memory_space<vmem>>) semaphore(%arg21 : memref<!tpu.dma_semaphore, #tpu.memory_space<semaphore_mem>>)
      %dma_wait3A_81 = arith.constant 0 : i32
      %dma_wait3A_82 = arith.constant 0 : i32
      %dma_wait3A_83 = tpu.memref_slice %arg2[%dma_wait3A_81, %dma_wait3A_82] : memref<10000x64xf32, #tpu.memory_space<hbm>> -> memref<10000x64xf32, #tpu.memory_space<hbm>>
      tpu.wait_indirect_dma semaphore(%arg20 : memref<!tpu.dma_semaphore, #tpu.memory_space<semaphore_mem>>) src(%dma_wait3A_83 : memref<10000x64xf32, #tpu.memory_space<hbm>>) dst(%arg17 : memref<512x64xf32, #tpu.memory_space<vmem>>)
      %dma_wait3A_84 = arith.constant 0 : i32
      %dma_wait3A_85 = arith.constant 0 : i32
      %dma_wait3A_86 = tpu.memref_slice %arg3[%dma_wait3A_84, %dma_wait3A_85] : memref<10000x64xf32, #tpu.memory_space<hbm>> -> memref<10000x64xf32, #tpu.memory_space<hbm>>
      tpu.wait_indirect_dma semaphore(%arg21 : memref<!tpu.dma_semaphore, #tpu.memory_space<semaphore_mem>>) src(%dma_wait3A_86 : memref<10000x64xf32, #tpu.memory_space<hbm>>) dst(%arg18 : memref<512x64xf32, #tpu.memory_space<vmem>>)
      %parallel_loop3A_87 = arith.constant 0 : i32
      %parallel_loop3A_88 = arith.constant 512 : i32
      %parallel_loop3A_89 = arith.constant 1 : i32
      scf.for %parallel_loop3A_96 = %parallel_loop3A_87 to %parallel_loop3A_88 step %parallel_loop3A_89  : i32 {
        %parallel_loop3A_97 = vector.broadcast %parallel_loop3A_96 : i32 to vector<16xi32>
        %parallel_loop3A_98 = arith.index_cast %parallel_loop3A_96 : i32 to index
        %parallel_loop3A_99 = arith.constant 0 : index
        %parallel_loop3A_100 = tpu.vector_load %arg17[%parallel_loop3A_98, %parallel_loop3A_99] {strides = array<i32>} : memref<512x64xf32, #tpu.memory_space<vmem>>, vector<16xf32>,
        %parallel_loop3A_101 = arith.index_cast %parallel_loop3A_96 : i32 to index
        %parallel_loop3A_102 = arith.constant 0 : index
        %parallel_loop3A_103 = tpu.vector_load %arg18[%parallel_loop3A_101, %parallel_loop3A_102] {strides = array<i32>} : memref<512x64xf32, #tpu.memory_space<vmem>>, vector<16xf32>,
        %parallel_loop3A_104 = arith.addf %parallel_loop3A_100, %parallel_loop3A_103 : vector<16xf32>
        %parallel_loop3A_105 = arith.constant 2.000000e-01 : f32
        %parallel_loop3A_106 = vector.broadcast %parallel_loop3A_105 : f32 to vector<16xf32>
        %parallel_loop3A_107 = arith.mulf %parallel_loop3A_104, %parallel_loop3A_106 : vector<16xf32>
        %parallel_loop3A_108 = arith.maximumf %parallel_loop3A_104, %parallel_loop3A_107 : vector<16xf32>
        %parallel_loop3A_109 = arith.mulf %parallel_loop3A_108, %get3A_11 : vector<16xf32>
        %parallel_loop3A_110 = arith.constant true
        %parallel_loop3A_111 = vector.broadcast %parallel_loop3A_110 : i1 to vector<16xi1>
        %parallel_loop3A_112 = tpu.scan <sum>, %parallel_loop3A_109 masked %parallel_loop3A_111 : vector<16xf32>, vector<16xi1> -> vector<16xf32>
        %parallel_loop3A_113 = arith.constant 0 : i32
        %parallel_loop3A_114 = vector.broadcast %parallel_loop3A_113 : i32 to vector<16xi32>
        tpu.vector_store_idx %arg19[%parallel_loop3A_97, %parallel_loop3A_114], %parallel_loop3A_112 masked %eq3A_20 : memref<512x16xf32, #tpu.memory_space<vmem>>[vector<16xi32>, vector<16xi32>], vector<16xf32>, vector<16xi1>
        %parallel_loop3A_115 = arith.index_cast %parallel_loop3A_96 : i32 to index
        %parallel_loop3A_116 = arith.constant 16 : index
        %parallel_loop3A_117 = tpu.vector_load %arg17[%parallel_loop3A_115, %parallel_loop3A_116] {strides = array<i32>} : memref<512x64xf32, #tpu.memory_space<vmem>>, vector<16xf32>,
        %parallel_loop3A_118 = arith.index_cast %parallel_loop3A_96 : i32 to index
        %parallel_loop3A_119 = arith.constant 16 : index
        %parallel_loop3A_120 = tpu.vector_load %arg18[%parallel_loop3A_118, %parallel_loop3A_119] {strides = array<i32>} : memref<512x64xf32, #tpu.memory_space<vmem>>, vector<16xf32>,
        %parallel_loop3A_121 = arith.addf %parallel_loop3A_117, %parallel_loop3A_120 : vector<16xf32>
        %parallel_loop3A_122 = arith.constant 2.000000e-01 : f32
        %parallel_loop3A_123 = vector.broadcast %parallel_loop3A_122 : f32 to vector<16xf32>
        %parallel_loop3A_124 = arith.mulf %parallel_loop3A_121, %parallel_loop3A_123 : vector<16xf32>
        %parallel_loop3A_125 = arith.maximumf %parallel_loop3A_121, %parallel_loop3A_124 : vector<16xf32>
        %parallel_loop3A_126 = arith.mulf %parallel_loop3A_125, %get3A_13 : vector<16xf32>
        %parallel_loop3A_127 = arith.constant true
        %parallel_loop3A_128 = vector.broadcast %parallel_loop3A_127 : i1 to vector<16xi1>
        %parallel_loop3A_129 = tpu.scan <sum>, %parallel_loop3A_126 masked %parallel_loop3A_128 : vector<16xf32>, vector<16xi1> -> vector<16xf32>
        %parallel_loop3A_130 = arith.constant 1 : i32
        %parallel_loop3A_131 = vector.broadcast %parallel_loop3A_130 : i32 to vector<16xi32>
        tpu.vector_store_idx %arg19[%parallel_loop3A_97, %parallel_loop3A_131], %parallel_loop3A_129 masked %eq3A_20 : memref<512x16xf32, #tpu.memory_space<vmem>>[vector<16xi32>, vector<16xi32>], vector<16xf32>, vector<16xi1>
        %parallel_loop3A_132 = arith.index_cast %parallel_loop3A_96 : i32 to index
        %parallel_loop3A_133 = arith.constant 32 : index
        %parallel_loop3A_134 = tpu.vector_load %arg17[%parallel_loop3A_132, %parallel_loop3A_133] {strides = array<i32>} : memref<512x64xf32, #tpu.memory_space<vmem>>, vector<16xf32>,
        %parallel_loop3A_135 = arith.index_cast %parallel_loop3A_96 : i32 to index
        %parallel_loop3A_136 = arith.constant 32 : index
        %parallel_loop3A_137 = tpu.vector_load %arg18[%parallel_loop3A_135, %parallel_loop3A_136] {strides = array<i32>} : memref<512x64xf32, #tpu.memory_space<vmem>>, vector<16xf32>,
        %parallel_loop3A_138 = arith.addf %parallel_loop3A_134, %parallel_loop3A_137 : vector<16xf32>
        %parallel_loop3A_139 = arith.constant 2.000000e-01 : f32
        %parallel_loop3A_140 = vector.broadcast %parallel_loop3A_139 : f32 to vector<16xf32>
        %parallel_loop3A_141 = arith.mulf %parallel_loop3A_138, %parallel_loop3A_140 : vector<16xf32>
        %parallel_loop3A_142 = arith.maximumf %parallel_loop3A_138, %parallel_loop3A_141 : vector<16xf32>
        %parallel_loop3A_143 = arith.mulf %parallel_loop3A_142, %get3A_15 : vector<16xf32>
        %parallel_loop3A_144 = arith.constant true
        %parallel_loop3A_145 = vector.broadcast %parallel_loop3A_144 : i1 to vector<16xi1>
        %parallel_loop3A_146 = tpu.scan <sum>, %parallel_loop3A_143 masked %parallel_loop3A_145 : vector<16xf32>, vector<16xi1> -> vector<16xf32>
        %parallel_loop3A_147 = arith.constant 2 : i32
        %parallel_loop3A_148 = vector.broadcast %parallel_loop3A_147 : i32 to vector<16xi32>
        tpu.vector_store_idx %arg19[%parallel_loop3A_97, %parallel_loop3A_148], %parallel_loop3A_146 masked %eq3A_20 : memref<512x16xf32, #tpu.memory_space<vmem>>[vector<16xi32>, vector<16xi32>], vector<16xf32>, vector<16xi1>
        %parallel_loop3A_149 = arith.index_cast %parallel_loop3A_96 : i32 to index
        %parallel_loop3A_150 = arith.constant 48 : index
        %parallel_loop3A_151 = tpu.vector_load %arg17[%parallel_loop3A_149, %parallel_loop3A_150] {strides = array<i32>} : memref<512x64xf32, #tpu.memory_space<vmem>>, vector<16xf32>,
        %parallel_loop3A_152 = arith.index_cast %parallel_loop3A_96 : i32 to index
        %parallel_loop3A_153 = arith.constant 48 : index
        %parallel_loop3A_154 = tpu.vector_load %arg18[%parallel_loop3A_152, %parallel_loop3A_153] {strides = array<i32>} : memref<512x64xf32, #tpu.memory_space<vmem>>, vector<16xf32>,
        %parallel_loop3A_155 = arith.addf %parallel_loop3A_151, %parallel_loop3A_154 : vector<16xf32>
        %parallel_loop3A_156 = arith.constant 2.000000e-01 : f32
        %parallel_loop3A_157 = vector.broadcast %parallel_loop3A_156 : f32 to vector<16xf32>
        %parallel_loop3A_158 = arith.mulf %parallel_loop3A_155, %parallel_loop3A_157 : vector<16xf32>
        %parallel_loop3A_159 = arith.maximumf %parallel_loop3A_155, %parallel_loop3A_158 : vector<16xf32>
        %parallel_loop3A_160 = arith.mulf %parallel_loop3A_159, %get3A_17 : vector<16xf32>
        %parallel_loop3A_161 = arith.constant true
        %parallel_loop3A_162 = vector.broadcast %parallel_loop3A_161 : i1 to vector<16xi1>
        %parallel_loop3A_163 = tpu.scan <sum>, %parallel_loop3A_160 masked %parallel_loop3A_162 : vector<16xf32>, vector<16xi1> -> vector<16xf32>
        %parallel_loop3A_164 = arith.constant 3 : i32
        %parallel_loop3A_165 = vector.broadcast %parallel_loop3A_164 : i32 to vector<16xi32>
        tpu.vector_store_idx %arg19[%parallel_loop3A_97, %parallel_loop3A_165], %parallel_loop3A_163 masked %eq3A_20 : memref<512x16xf32, #tpu.memory_space<vmem>>[vector<16xi32>, vector<16xi32>], vector<16xf32>, vector<16xi1>
      } {sc.loop_unroll_factor = 4 : i64, sc.parallel_access}
      %parallel_loop3A_90 = arith.constant 0 : i32
      %parallel_loop3A_91 = arith.constant 128 : i32
      %parallel_loop3A_92 = arith.constant 1 : i32
      scf.for %parallel_loop3A_96 = %parallel_loop3A_90 to %parallel_loop3A_91 step %parallel_loop3A_92  : i32 {
        %parallel_loop3A_97 = arith.constant 4 : i32
        %parallel_loop3A_98 = arith.muli %parallel_loop3A_96, %parallel_loop3A_97 : i32
        %parallel_loop3A_99 = arith.constant 4 : i32
        %parallel_loop3A_100 = vector.broadcast %parallel_loop3A_99 : i32 to vector<16xi32>
        %parallel_loop3A_101 = arith.divsi %iota3A, %parallel_loop3A_100 : vector<16xi32>
        %parallel_loop3A_102 = arith.constant 0 : i32
        %parallel_loop3A_103 = vector.broadcast %parallel_loop3A_102 : i32 to vector<16xi32>
        %parallel_loop3A_104 = arith.cmpi sgt, %iota3A, %parallel_loop3A_103 : vector<16xi32>
        %parallel_loop3A_105 = arith.extui %parallel_loop3A_104 : vector<16xi1> to vector<16xi32>
        %parallel_loop3A_106 = arith.constant 0 : i32
        %parallel_loop3A_107 = vector.broadcast %parallel_loop3A_106 : i32 to vector<16xi32>
        %parallel_loop3A_108 = arith.cmpi slt, %iota3A, %parallel_loop3A_107 : vector<16xi32>
        %parallel_loop3A_109 = arith.extui %parallel_loop3A_108 : vector<16xi1> to vector<16xi32>
        %parallel_loop3A_110 = arith.subi %parallel_loop3A_105, %parallel_loop3A_109 : vector<16xi32>
        %parallel_loop3A_111 = arith.constant 0 : i32
        %parallel_loop3A_112 = arith.cmpi sgt, %parallel_loop3A_99, %parallel_loop3A_111 : i32
        %parallel_loop3A_113 = arith.extui %parallel_loop3A_112 : i1 to i32
        %parallel_loop3A_114 = arith.constant 0 : i32
        %parallel_loop3A_115 = arith.cmpi slt, %parallel_loop3A_99, %parallel_loop3A_114 : i32
        %parallel_loop3A_116 = arith.extui %parallel_loop3A_115 : i1 to i32
        %parallel_loop3A_117 = arith.subi %parallel_loop3A_113, %parallel_loop3A_116 : i32
        %parallel_loop3A_118 = vector.broadcast %parallel_loop3A_117 : i32 to vector<16xi32>
        %parallel_loop3A_119 = arith.cmpi ne, %parallel_loop3A_110, %parallel_loop3A_118 : vector<16xi32>
        %parallel_loop3A_120 = vector.broadcast %parallel_loop3A_99 : i32 to vector<16xi32>
        %parallel_loop3A_121 = arith.remsi %iota3A, %parallel_loop3A_120 : vector<16xi32>
        %parallel_loop3A_122 = arith.constant 0 : i32
        %parallel_loop3A_123 = vector.broadcast %parallel_loop3A_122 : i32 to vector<16xi32>
        %parallel_loop3A_124 = arith.cmpi ne, %parallel_loop3A_121, %parallel_loop3A_123 : vector<16xi32>
        %parallel_loop3A_125 = arith.andi %parallel_loop3A_119, %parallel_loop3A_124 : vector<16xi1>
        %parallel_loop3A_126 = arith.constant 1 : i32
        %parallel_loop3A_127 = vector.broadcast %parallel_loop3A_126 : i32 to vector<16xi32>
        %parallel_loop3A_128 = arith.subi %parallel_loop3A_101, %parallel_loop3A_127 : vector<16xi32>
        %parallel_loop3A_129 = arith.select %parallel_loop3A_125, %parallel_loop3A_128, %parallel_loop3A_101 : vector<16xi1>, vector<16xi32>
        %parallel_loop3A_130 = vector.broadcast %parallel_loop3A_98 : i32 to vector<16xi32>
        %parallel_loop3A_131 = arith.addi %parallel_loop3A_130, %parallel_loop3A_129 : vector<16xi32>
        %parallel_loop3A_132 = arith.constant 4 : i32
        %parallel_loop3A_133 = arith.constant 0 : i32
        %parallel_loop3A_134 = arith.cmpi eq, %parallel_loop3A_132, %parallel_loop3A_133 : i32
        %parallel_loop3A_135 = arith.constant 1 : i32
        %parallel_loop3A_136 = arith.select %parallel_loop3A_134, %parallel_loop3A_135, %parallel_loop3A_132 : i32
        %parallel_loop3A_137 = vector.broadcast %parallel_loop3A_136 : i32 to vector<16xi32>
        %parallel_loop3A_138 = arith.remsi %iota3A, %parallel_loop3A_137 : vector<16xi32>
        %parallel_loop3A_139 = arith.constant 0 : i32
        %parallel_loop3A_140 = vector.broadcast %parallel_loop3A_139 : i32 to vector<16xi32>
        %parallel_loop3A_141 = arith.cmpi ne, %parallel_loop3A_138, %parallel_loop3A_140 : vector<16xi32>
        %parallel_loop3A_142 = arith.constant 0 : i32
        %parallel_loop3A_143 = vector.broadcast %parallel_loop3A_142 : i32 to vector<16xi32>
        %parallel_loop3A_144 = arith.cmpi slt, %parallel_loop3A_138, %parallel_loop3A_143 : vector<16xi32>
        %parallel_loop3A_145 = arith.constant 0 : i32
        %parallel_loop3A_146 = arith.cmpi slt, %parallel_loop3A_136, %parallel_loop3A_145 : i32
        %parallel_loop3A_147 = vector.broadcast %parallel_loop3A_146 : i1 to vector<16xi1>
        %parallel_loop3A_148 = vector.broadcast %parallel_loop3A_147 : vector<16xi1> to vector<16xi1>
        %parallel_loop3A_149 = arith.xori %parallel_loop3A_144, %parallel_loop3A_148 : vector<16xi1>
        %parallel_loop3A_150 = arith.andi %parallel_loop3A_149, %parallel_loop3A_141 : vector<16xi1>
        %parallel_loop3A_151 = vector.broadcast %parallel_loop3A_136 : i32 to vector<16xi32>
        %parallel_loop3A_152 = arith.addi %parallel_loop3A_138, %parallel_loop3A_151 : vector<16xi32>
        %parallel_loop3A_153 = arith.select %parallel_loop3A_150, %parallel_loop3A_152, %parallel_loop3A_138 : vector<16xi1>, vector<16xi32>
        %parallel_loop3A_154 = tpu.vector_load_idx %arg19[%parallel_loop3A_131, %parallel_loop3A_153] : memref<512x16xf32, #tpu.memory_space<vmem>>[vector<16xi32>, vector<16xi32>], vector<16xf32>,
        %parallel_loop3A_155 = math.exp %parallel_loop3A_154 : vector<16xf32>
        tpu.vector_store_idx %arg19[%parallel_loop3A_131, %parallel_loop3A_153], %parallel_loop3A_155 : memref<512x16xf32, #tpu.memory_space<vmem>>[vector<16xi32>, vector<16xi32>], vector<16xf32>,
      } {sc.loop_unroll_factor = 4 : i64, sc.parallel_access}
      "tpu.region"() ({
        %run_scoped3A = tpu.sem_alloc : memref<!tpu.dma_semaphore, #tpu.memory_space<semaphore_mem>>
        %dma_start3A_96 = arith.constant 0 : i32
        %dma_start3A_97 = arith.constant 0 : i32
        %dma_start3A_98 = tpu.memref_slice %arg13[%dma_start3A_96, %dma_start3A_97] : memref<10000x16xf32, #tpu.memory_space<vmem_shared>> -> memref<10000x16xf32, #tpu.memory_space<vmem_shared>>
        tpu.enqueue_indirect_dma source(%arg19 : memref<512x16xf32, #tpu.memory_space<vmem>>) target(%dma_start3A_98 : memref<10000x16xf32, #tpu.memory_space<vmem_shared>>) offsets(%arg16 : memref<512xi32, #tpu.memory_space<vmem>>) semaphore(%run_scoped3A : memref<!tpu.dma_semaphore, #tpu.memory_space<semaphore_mem>>) {add = true}
        %dma_wait3A_99 = arith.constant 0 : i32
        %dma_wait3A_100 = arith.constant 0 : i32
        %dma_wait3A_101 = tpu.memref_slice %arg13[%dma_wait3A_99, %dma_wait3A_100] : memref<10000x16xf32, #tpu.memory_space<vmem_shared>> -> memref<10000x16xf32, #tpu.memory_space<vmem_shared>>
        tpu.wait_indirect_dma semaphore(%run_scoped3A : memref<!tpu.dma_semaphore, #tpu.memory_space<semaphore_mem>>) src(%arg19 : memref<512x16xf32, #tpu.memory_space<vmem>>) dst(%dma_wait3A_101 : memref<10000x16xf32, #tpu.memory_space<vmem_shared>>)
        tpu.yield
      }) : () -> ()
      "tpu.region"() ({
        %run_scoped3A = tpu.sem_alloc : memref<!tpu.dma_semaphore, #tpu.memory_space<semaphore_mem>>
        %dma_start3A_96 = arith.constant 0 : i32
        %dma_start3A_97 = tpu.memref_slice %arg11[%mul3A_68, %dma_start3A_96] : memref<320000x16xf32, #tpu.memory_space<hbm>> -> memref<512x16xf32, #tpu.memory_space<hbm>>
        %dma_start3A_98 = arith.constant 0 : i32
        %dma_start3A_99 = tpu.memref_slice %arg11[%mul3A_68, %dma_start3A_98] : memref<320000x16xf32, #tpu.memory_space<hbm>> -> memref<512x16xf32, #tpu.memory_space<hbm>>
        tpu.enqueue_dma source(%arg19 : memref<512x16xf32, #tpu.memory_space<vmem>>) target(%dma_start3A_99 : memref<512x16xf32, #tpu.memory_space<hbm>>) target_semaphore(%run_scoped3A : memref<!tpu.dma_semaphore, #tpu.memory_space<semaphore_mem>>)
        %dma_wait3A_100 = arith.constant 0 : i32
        %dma_wait3A_101 = tpu.memref_slice %arg11[%mul3A_68, %dma_wait3A_100] : memref<320000x16xf32, #tpu.memory_space<hbm>> -> memref<512x16xf32, #tpu.memory_space<hbm>>
        %dma_wait3A_102 = arith.constant 0 : i32
        %dma_wait3A_103 = tpu.memref_slice %arg11[%mul3A_68, %dma_wait3A_102] : memref<320000x16xf32, #tpu.memory_space<hbm>> -> memref<512x16xf32, #tpu.memory_space<hbm>>
        tpu.wait_dma2 semaphore(%run_scoped3A : memref<!tpu.dma_semaphore, #tpu.memory_space<semaphore_mem>>) src(%arg19 : memref<512x16xf32, #tpu.memory_space<vmem>>) dst(%dma_wait3A_103 : memref<512x16xf32, #tpu.memory_space<hbm>>)
        tpu.yield
      }) : () -> ()
      %parallel_loop3A_93 = arith.constant 0 : i32
      %parallel_loop3A_94 = arith.constant 512 : i32
      %parallel_loop3A_95 = arith.constant 1 : i32
      scf.for %parallel_loop3A_96 = %parallel_loop3A_93 to %parallel_loop3A_94 step %parallel_loop3A_95  : i32 {
        %parallel_loop3A_97 = vector.broadcast %parallel_loop3A_96 : i32 to vector<16xi32>
        %parallel_loop3A_98 = arith.constant 0 : i32
        %parallel_loop3A_99 = vector.broadcast %parallel_loop3A_98 : i32 to vector<16xi32>
        %parallel_loop3A_100 = tpu.vector_load_idx %arg19[%parallel_loop3A_97, %parallel_loop3A_99] : memref<512x16xf32, #tpu.memory_space<vmem>>[vector<16xi32>, vector<16xi32>], vector<16xf32>,
        %parallel_loop3A_101 = arith.index_cast %parallel_loop3A_96 : i32 to index
        %parallel_loop3A_102 = arith.constant 0 : index
        %parallel_loop3A_103 = tpu.vector_load %arg17[%parallel_loop3A_101, %parallel_loop3A_102] {strides = array<i32>} : memref<512x64xf32, #tpu.memory_space<vmem>>, vector<16xf32>,
        %parallel_loop3A_104 = arith.mulf %parallel_loop3A_103, %parallel_loop3A_100 : vector<16xf32>
        %parallel_loop3A_105 = arith.index_cast %parallel_loop3A_96 : i32 to index
        %parallel_loop3A_106 = arith.constant 0 : index
        %parallel_loop3A_107 = tpu.vector_load %arg17[%parallel_loop3A_105, %parallel_loop3A_106] {strides = array<i32>} : memref<512x64xf32, #tpu.memory_space<vmem>>, vector<16xf32>,
        tpu.vector_store %arg17[%parallel_loop3A_105, %parallel_loop3A_106], %parallel_loop3A_104 {strides = array<i32>} : memref<512x64xf32, #tpu.memory_space<vmem>>, vector<16xf32>,
        %parallel_loop3A_108 = arith.constant 1 : i32
        %parallel_loop3A_109 = vector.broadcast %parallel_loop3A_108 : i32 to vector<16xi32>
        %parallel_loop3A_110 = tpu.vector_load_idx %arg19[%parallel_loop3A_97, %parallel_loop3A_109] : memref<512x16xf32, #tpu.memory_space<vmem>>[vector<16xi32>, vector<16xi32>], vector<16xf32>,
        %parallel_loop3A_111 = arith.index_cast %parallel_loop3A_96 : i32 to index
        %parallel_loop3A_112 = arith.constant 16 : index
        %parallel_loop3A_113 = tpu.vector_load %arg17[%parallel_loop3A_111, %parallel_loop3A_112] {strides = array<i32>} : memref<512x64xf32, #tpu.memory_space<vmem>>, vector<16xf32>,
        %parallel_loop3A_114 = arith.mulf %parallel_loop3A_113, %parallel_loop3A_110 : vector<16xf32>
        %parallel_loop3A_115 = arith.index_cast %parallel_loop3A_96 : i32 to index
        %parallel_loop3A_116 = arith.constant 16 : index
        %parallel_loop3A_117 = tpu.vector_load %arg17[%parallel_loop3A_115, %parallel_loop3A_116] {strides = array<i32>} : memref<512x64xf32, #tpu.memory_space<vmem>>, vector<16xf32>,
        tpu.vector_store %arg17[%parallel_loop3A_115, %parallel_loop3A_116], %parallel_loop3A_114 {strides = array<i32>} : memref<512x64xf32, #tpu.memory_space<vmem>>, vector<16xf32>,
        %parallel_loop3A_118 = arith.constant 2 : i32
        %parallel_loop3A_119 = vector.broadcast %parallel_loop3A_118 : i32 to vector<16xi32>
        %parallel_loop3A_120 = tpu.vector_load_idx %arg19[%parallel_loop3A_97, %parallel_loop3A_119] : memref<512x16xf32, #tpu.memory_space<vmem>>[vector<16xi32>, vector<16xi32>], vector<16xf32>,
        %parallel_loop3A_121 = arith.index_cast %parallel_loop3A_96 : i32 to index
        %parallel_loop3A_122 = arith.constant 32 : index
        %parallel_loop3A_123 = tpu.vector_load %arg17[%parallel_loop3A_121, %parallel_loop3A_122] {strides = array<i32>} : memref<512x64xf32, #tpu.memory_space<vmem>>, vector<16xf32>,
        %parallel_loop3A_124 = arith.mulf %parallel_loop3A_123, %parallel_loop3A_120 : vector<16xf32>
        %parallel_loop3A_125 = arith.index_cast %parallel_loop3A_96 : i32 to index
        %parallel_loop3A_126 = arith.constant 32 : index
        %parallel_loop3A_127 = tpu.vector_load %arg17[%parallel_loop3A_125, %parallel_loop3A_126] {strides = array<i32>} : memref<512x64xf32, #tpu.memory_space<vmem>>, vector<16xf32>,
        tpu.vector_store %arg17[%parallel_loop3A_125, %parallel_loop3A_126], %parallel_loop3A_124 {strides = array<i32>} : memref<512x64xf32, #tpu.memory_space<vmem>>, vector<16xf32>,
        %parallel_loop3A_128 = arith.constant 3 : i32
        %parallel_loop3A_129 = vector.broadcast %parallel_loop3A_128 : i32 to vector<16xi32>
        %parallel_loop3A_130 = tpu.vector_load_idx %arg19[%parallel_loop3A_97, %parallel_loop3A_129] : memref<512x16xf32, #tpu.memory_space<vmem>>[vector<16xi32>, vector<16xi32>], vector<16xf32>,
        %parallel_loop3A_131 = arith.index_cast %parallel_loop3A_96 : i32 to index
        %parallel_loop3A_132 = arith.constant 48 : index
        %parallel_loop3A_133 = tpu.vector_load %arg17[%parallel_loop3A_131, %parallel_loop3A_132] {strides = array<i32>} : memref<512x64xf32, #tpu.memory_space<vmem>>, vector<16xf32>,
        %parallel_loop3A_134 = arith.mulf %parallel_loop3A_133, %parallel_loop3A_130 : vector<16xf32>
        %parallel_loop3A_135 = arith.index_cast %parallel_loop3A_96 : i32 to index
        %parallel_loop3A_136 = arith.constant 48 : index
        %parallel_loop3A_137 = tpu.vector_load %arg17[%parallel_loop3A_135, %parallel_loop3A_136] {strides = array<i32>} : memref<512x64xf32, #tpu.memory_space<vmem>>, vector<16xf32>,
        tpu.vector_store %arg17[%parallel_loop3A_135, %parallel_loop3A_136], %parallel_loop3A_134 {strides = array<i32>} : memref<512x64xf32, #tpu.memory_space<vmem>>, vector<16xf32>,
      } {sc.loop_unroll_factor = 4 : i64, sc.parallel_access}
      "tpu.region"() ({
        %run_scoped3A = tpu.sem_alloc : memref<!tpu.dma_semaphore, #tpu.memory_space<semaphore_mem>>
        %dma_start3A_96 = arith.constant 0 : i32
        %dma_start3A_97 = arith.constant 0 : i32
        %dma_start3A_98 = tpu.memref_slice %arg12[%dma_start3A_96, %dma_start3A_97] : memref<10000x64xf32, #tpu.memory_space<vmem_shared>> -> memref<10000x64xf32, #tpu.memory_space<vmem_shared>>
        tpu.enqueue_indirect_dma source(%arg17 : memref<512x64xf32, #tpu.memory_space<vmem>>) target(%dma_start3A_98 : memref<10000x64xf32, #tpu.memory_space<vmem_shared>>) offsets(%arg16 : memref<512xi32, #tpu.memory_space<vmem>>) semaphore(%run_scoped3A : memref<!tpu.dma_semaphore, #tpu.memory_space<semaphore_mem>>) {add = true}
        %dma_wait3A_99 = arith.constant 0 : i32
        %dma_wait3A_100 = arith.constant 0 : i32
        %dma_wait3A_101 = tpu.memref_slice %arg12[%dma_wait3A_99, %dma_wait3A_100] : memref<10000x64xf32, #tpu.memory_space<vmem_shared>> -> memref<10000x64xf32, #tpu.memory_space<vmem_shared>>
        tpu.wait_indirect_dma semaphore(%run_scoped3A : memref<!tpu.dma_semaphore, #tpu.memory_space<semaphore_mem>>) src(%arg17 : memref<512x64xf32, #tpu.memory_space<vmem>>) dst(%dma_wait3A_101 : memref<10000x64xf32, #tpu.memory_space<vmem_shared>>)
        tpu.yield
      }) : () -> ()
    }
    %while3A_51 = arith.constant 1 : i32
    scf.for %while3A_63 = %while3A_49 to %while3A_45 step %while3A_51  : i32 {
      %mul3A_64 = arith.constant 32 : i32
      %mul3A_65 = arith.muli %while3A_63, %mul3A_64 : i32
      %add3A_66 = arith.addi %add3A, %mul3A_65 : i32
      %mul3A_67 = arith.constant 512 : i32
      %mul3A_68 = arith.muli %add3A_66, %mul3A_67 : i32
      %dma_start3A = tpu.memref_slice %arg4[%mul3A_68] : memref<320000xi32, #tpu.memory_space<hbm>> -> memref<512xi32, #tpu.memory_space<hbm>>
      %dma_start3A_69 = tpu.memref_slice %arg4[%mul3A_68] : memref<320000xi32, #tpu.memory_space<hbm>> -> memref<512xi32, #tpu.memory_space<hbm>>
      tpu.enqueue_dma source(%dma_start3A_69 : memref<512xi32, #tpu.memory_space<hbm>>) target(%arg15 : memref<512xi32, #tpu.memory_space<vmem>>) target_semaphore(%arg20 : memref<!tpu.dma_semaphore, #tpu.memory_space<semaphore_mem>>)
      %dma_start3A_70 = tpu.memref_slice %arg5[%mul3A_68] : memref<320000xi32, #tpu.memory_space<hbm>> -> memref<512xi32, #tpu.memory_space<hbm>>
      %dma_start3A_71 = tpu.memref_slice %arg5[%mul3A_68] : memref<320000xi32, #tpu.memory_space<hbm>> -> memref<512xi32, #tpu.memory_space<hbm>>
      tpu.enqueue_dma source(%dma_start3A_71 : memref<512xi32, #tpu.memory_space<hbm>>) target(%arg16 : memref<512xi32, #tpu.memory_space<vmem>>) target_semaphore(%arg21 : memref<!tpu.dma_semaphore, #tpu.memory_space<semaphore_mem>>)
      %dma_wait3A = tpu.memref_slice %arg4[%mul3A_68] : memref<320000xi32, #tpu.memory_space<hbm>> -> memref<512xi32, #tpu.memory_space<hbm>>
      %dma_wait3A_72 = tpu.memref_slice %arg4[%mul3A_68] : memref<320000xi32, #tpu.memory_space<hbm>> -> memref<512xi32, #tpu.memory_space<hbm>>
      tpu.wait_dma2 semaphore(%arg20 : memref<!tpu.dma_semaphore, #tpu.memory_space<semaphore_mem>>) src(%dma_wait3A_72 : memref<512xi32, #tpu.memory_space<hbm>>) dst(%arg15 : memref<512xi32, #tpu.memory_space<vmem>>)
      %dma_wait3A_73 = tpu.memref_slice %arg5[%mul3A_68] : memref<320000xi32, #tpu.memory_space<hbm>> -> memref<512xi32, #tpu.memory_space<hbm>>
      %dma_wait3A_74 = tpu.memref_slice %arg5[%mul3A_68] : memref<320000xi32, #tpu.memory_space<hbm>> -> memref<512xi32, #tpu.memory_space<hbm>>
      tpu.wait_dma2 semaphore(%arg21 : memref<!tpu.dma_semaphore, #tpu.memory_space<semaphore_mem>>) src(%dma_wait3A_74 : memref<512xi32, #tpu.memory_space<hbm>>) dst(%arg16 : memref<512xi32, #tpu.memory_space<vmem>>)
      %dma_start3A_75 = arith.constant 0 : i32
      %dma_start3A_76 = arith.constant 0 : i32
      %dma_start3A_77 = tpu.memref_slice %arg2[%dma_start3A_75, %dma_start3A_76] : memref<10000x64xf32, #tpu.memory_space<hbm>> -> memref<10000x64xf32, #tpu.memory_space<hbm>>
      tpu.enqueue_indirect_dma source(%dma_start3A_77 : memref<10000x64xf32, #tpu.memory_space<hbm>>) target(%arg17 : memref<512x64xf32, #tpu.memory_space<vmem>>) offsets(%arg15 : memref<512xi32, #tpu.memory_space<vmem>>) semaphore(%arg20 : memref<!tpu.dma_semaphore, #tpu.memory_space<semaphore_mem>>)
      %dma_start3A_78 = arith.constant 0 : i32
      %dma_start3A_79 = arith.constant 0 : i32
      %dma_start3A_80 = tpu.memref_slice %arg3[%dma_start3A_78, %dma_start3A_79] : memref<10000x64xf32, #tpu.memory_space<hbm>> -> memref<10000x64xf32, #tpu.memory_space<hbm>>
      tpu.enqueue_indirect_dma source(%dma_start3A_80 : memref<10000x64xf32, #tpu.memory_space<hbm>>) target(%arg18 : memref<512x64xf32, #tpu.memory_space<vmem>>) offsets(%arg16 : memref<512xi32, #tpu.memory_space<vmem>>) semaphore(%arg21 : memref<!tpu.dma_semaphore, #tpu.memory_space<semaphore_mem>>)
      %dma_wait3A_81 = arith.constant 0 : i32
      %dma_wait3A_82 = arith.constant 0 : i32
      %dma_wait3A_83 = tpu.memref_slice %arg2[%dma_wait3A_81, %dma_wait3A_82] : memref<10000x64xf32, #tpu.memory_space<hbm>> -> memref<10000x64xf32, #tpu.memory_space<hbm>>
      tpu.wait_indirect_dma semaphore(%arg20 : memref<!tpu.dma_semaphore, #tpu.memory_space<semaphore_mem>>) src(%dma_wait3A_83 : memref<10000x64xf32, #tpu.memory_space<hbm>>) dst(%arg17 : memref<512x64xf32, #tpu.memory_space<vmem>>)
      %dma_wait3A_84 = arith.constant 0 : i32
      %dma_wait3A_85 = arith.constant 0 : i32
      %dma_wait3A_86 = tpu.memref_slice %arg3[%dma_wait3A_84, %dma_wait3A_85] : memref<10000x64xf32, #tpu.memory_space<hbm>> -> memref<10000x64xf32, #tpu.memory_space<hbm>>
      tpu.wait_indirect_dma semaphore(%arg21 : memref<!tpu.dma_semaphore, #tpu.memory_space<semaphore_mem>>) src(%dma_wait3A_86 : memref<10000x64xf32, #tpu.memory_space<hbm>>) dst(%arg18 : memref<512x64xf32, #tpu.memory_space<vmem>>)
      %parallel_loop3A_87 = arith.constant 0 : i32
      %parallel_loop3A_88 = arith.constant 512 : i32
      %parallel_loop3A_89 = arith.constant 1 : i32
      scf.for %parallel_loop3A_96 = %parallel_loop3A_87 to %parallel_loop3A_88 step %parallel_loop3A_89  : i32 {
        %parallel_loop3A_97 = vector.broadcast %parallel_loop3A_96 : i32 to vector<16xi32>
        %parallel_loop3A_98 = arith.index_cast %parallel_loop3A_96 : i32 to index
        %parallel_loop3A_99 = arith.constant 0 : index
        %parallel_loop3A_100 = tpu.vector_load %arg17[%parallel_loop3A_98, %parallel_loop3A_99] {strides = array<i32>} : memref<512x64xf32, #tpu.memory_space<vmem>>, vector<16xf32>,
        %parallel_loop3A_101 = arith.index_cast %parallel_loop3A_96 : i32 to index
        %parallel_loop3A_102 = arith.constant 0 : index
        %parallel_loop3A_103 = tpu.vector_load %arg18[%parallel_loop3A_101, %parallel_loop3A_102] {strides = array<i32>} : memref<512x64xf32, #tpu.memory_space<vmem>>, vector<16xf32>,
        %parallel_loop3A_104 = arith.addf %parallel_loop3A_100, %parallel_loop3A_103 : vector<16xf32>
        %parallel_loop3A_105 = arith.constant 2.000000e-01 : f32
        %parallel_loop3A_106 = vector.broadcast %parallel_loop3A_105 : f32 to vector<16xf32>
        %parallel_loop3A_107 = arith.mulf %parallel_loop3A_104, %parallel_loop3A_106 : vector<16xf32>
        %parallel_loop3A_108 = arith.maximumf %parallel_loop3A_104, %parallel_loop3A_107 : vector<16xf32>
        %parallel_loop3A_109 = arith.mulf %parallel_loop3A_108, %get3A_11 : vector<16xf32>
        %parallel_loop3A_110 = arith.constant true
        %parallel_loop3A_111 = vector.broadcast %parallel_loop3A_110 : i1 to vector<16xi1>
        %parallel_loop3A_112 = tpu.scan <sum>, %parallel_loop3A_109 masked %parallel_loop3A_111 : vector<16xf32>, vector<16xi1> -> vector<16xf32>
        %parallel_loop3A_113 = arith.constant 0 : i32
        %parallel_loop3A_114 = vector.broadcast %parallel_loop3A_113 : i32 to vector<16xi32>
        tpu.vector_store_idx %arg19[%parallel_loop3A_97, %parallel_loop3A_114], %parallel_loop3A_112 masked %eq3A_20 : memref<512x16xf32, #tpu.memory_space<vmem>>[vector<16xi32>, vector<16xi32>], vector<16xf32>, vector<16xi1>
        %parallel_loop3A_115 = arith.index_cast %parallel_loop3A_96 : i32 to index
        %parallel_loop3A_116 = arith.constant 16 : index
        %parallel_loop3A_117 = tpu.vector_load %arg17[%parallel_loop3A_115, %parallel_loop3A_116] {strides = array<i32>} : memref<512x64xf32, #tpu.memory_space<vmem>>, vector<16xf32>,
        %parallel_loop3A_118 = arith.index_cast %parallel_loop3A_96 : i32 to index
        %parallel_loop3A_119 = arith.constant 16 : index
        %parallel_loop3A_120 = tpu.vector_load %arg18[%parallel_loop3A_118, %parallel_loop3A_119] {strides = array<i32>} : memref<512x64xf32, #tpu.memory_space<vmem>>, vector<16xf32>,
        %parallel_loop3A_121 = arith.addf %parallel_loop3A_117, %parallel_loop3A_120 : vector<16xf32>
        %parallel_loop3A_122 = arith.constant 2.000000e-01 : f32
        %parallel_loop3A_123 = vector.broadcast %parallel_loop3A_122 : f32 to vector<16xf32>
        %parallel_loop3A_124 = arith.mulf %parallel_loop3A_121, %parallel_loop3A_123 : vector<16xf32>
        %parallel_loop3A_125 = arith.maximumf %parallel_loop3A_121, %parallel_loop3A_124 : vector<16xf32>
        %parallel_loop3A_126 = arith.mulf %parallel_loop3A_125, %get3A_13 : vector<16xf32>
        %parallel_loop3A_127 = arith.constant true
        %parallel_loop3A_128 = vector.broadcast %parallel_loop3A_127 : i1 to vector<16xi1>
        %parallel_loop3A_129 = tpu.scan <sum>, %parallel_loop3A_126 masked %parallel_loop3A_128 : vector<16xf32>, vector<16xi1> -> vector<16xf32>
        %parallel_loop3A_130 = arith.constant 1 : i32
        %parallel_loop3A_131 = vector.broadcast %parallel_loop3A_130 : i32 to vector<16xi32>
        tpu.vector_store_idx %arg19[%parallel_loop3A_97, %parallel_loop3A_131], %parallel_loop3A_129 masked %eq3A_20 : memref<512x16xf32, #tpu.memory_space<vmem>>[vector<16xi32>, vector<16xi32>], vector<16xf32>, vector<16xi1>
        %parallel_loop3A_132 = arith.index_cast %parallel_loop3A_96 : i32 to index
        %parallel_loop3A_133 = arith.constant 32 : index
        %parallel_loop3A_134 = tpu.vector_load %arg17[%parallel_loop3A_132, %parallel_loop3A_133] {strides = array<i32>} : memref<512x64xf32, #tpu.memory_space<vmem>>, vector<16xf32>,
        %parallel_loop3A_135 = arith.index_cast %parallel_loop3A_96 : i32 to index
        %parallel_loop3A_136 = arith.constant 32 : index
        %parallel_loop3A_137 = tpu.vector_load %arg18[%parallel_loop3A_135, %parallel_loop3A_136] {strides = array<i32>} : memref<512x64xf32, #tpu.memory_space<vmem>>, vector<16xf32>,
        %parallel_loop3A_138 = arith.addf %parallel_loop3A_134, %parallel_loop3A_137 : vector<16xf32>
        %parallel_loop3A_139 = arith.constant 2.000000e-01 : f32
        %parallel_loop3A_140 = vector.broadcast %parallel_loop3A_139 : f32 to vector<16xf32>
        %parallel_loop3A_141 = arith.mulf %parallel_loop3A_138, %parallel_loop3A_140 : vector<16xf32>
        %parallel_loop3A_142 = arith.maximumf %parallel_loop3A_138, %parallel_loop3A_141 : vector<16xf32>
        %parallel_loop3A_143 = arith.mulf %parallel_loop3A_142, %get3A_15 : vector<16xf32>
        %parallel_loop3A_144 = arith.constant true
        %parallel_loop3A_145 = vector.broadcast %parallel_loop3A_144 : i1 to vector<16xi1>
        %parallel_loop3A_146 = tpu.scan <sum>, %parallel_loop3A_143 masked %parallel_loop3A_145 : vector<16xf32>, vector<16xi1> -> vector<16xf32>
        %parallel_loop3A_147 = arith.constant 2 : i32
        %parallel_loop3A_148 = vector.broadcast %parallel_loop3A_147 : i32 to vector<16xi32>
        tpu.vector_store_idx %arg19[%parallel_loop3A_97, %parallel_loop3A_148], %parallel_loop3A_146 masked %eq3A_20 : memref<512x16xf32, #tpu.memory_space<vmem>>[vector<16xi32>, vector<16xi32>], vector<16xf32>, vector<16xi1>
        %parallel_loop3A_149 = arith.index_cast %parallel_loop3A_96 : i32 to index
        %parallel_loop3A_150 = arith.constant 48 : index
        %parallel_loop3A_151 = tpu.vector_load %arg17[%parallel_loop3A_149, %parallel_loop3A_150] {strides = array<i32>} : memref<512x64xf32, #tpu.memory_space<vmem>>, vector<16xf32>,
        %parallel_loop3A_152 = arith.index_cast %parallel_loop3A_96 : i32 to index
        %parallel_loop3A_153 = arith.constant 48 : index
        %parallel_loop3A_154 = tpu.vector_load %arg18[%parallel_loop3A_152, %parallel_loop3A_153] {strides = array<i32>} : memref<512x64xf32, #tpu.memory_space<vmem>>, vector<16xf32>,
        %parallel_loop3A_155 = arith.addf %parallel_loop3A_151, %parallel_loop3A_154 : vector<16xf32>
        %parallel_loop3A_156 = arith.constant 2.000000e-01 : f32
        %parallel_loop3A_157 = vector.broadcast %parallel_loop3A_156 : f32 to vector<16xf32>
        %parallel_loop3A_158 = arith.mulf %parallel_loop3A_155, %parallel_loop3A_157 : vector<16xf32>
        %parallel_loop3A_159 = arith.maximumf %parallel_loop3A_155, %parallel_loop3A_158 : vector<16xf32>
        %parallel_loop3A_160 = arith.mulf %parallel_loop3A_159, %get3A_17 : vector<16xf32>
        %parallel_loop3A_161 = arith.constant true
        %parallel_loop3A_162 = vector.broadcast %parallel_loop3A_161 : i1 to vector<16xi1>
        %parallel_loop3A_163 = tpu.scan <sum>, %parallel_loop3A_160 masked %parallel_loop3A_162 : vector<16xf32>, vector<16xi1> -> vector<16xf32>
        %parallel_loop3A_164 = arith.constant 3 : i32
        %parallel_loop3A_165 = vector.broadcast %parallel_loop3A_164 : i32 to vector<16xi32>
        tpu.vector_store_idx %arg19[%parallel_loop3A_97, %parallel_loop3A_165], %parallel_loop3A_163 masked %eq3A_20 : memref<512x16xf32, #tpu.memory_space<vmem>>[vector<16xi32>, vector<16xi32>], vector<16xf32>, vector<16xi1>
      } {sc.loop_unroll_factor = 4 : i64, sc.parallel_access}
      %parallel_loop3A_90 = arith.constant 0 : i32
      %parallel_loop3A_91 = arith.constant 128 : i32
      %parallel_loop3A_92 = arith.constant 1 : i32
      scf.for %parallel_loop3A_96 = %parallel_loop3A_90 to %parallel_loop3A_91 step %parallel_loop3A_92  : i32 {
        %parallel_loop3A_97 = arith.constant 4 : i32
        %parallel_loop3A_98 = arith.muli %parallel_loop3A_96, %parallel_loop3A_97 : i32
        %parallel_loop3A_99 = arith.constant 4 : i32
        %parallel_loop3A_100 = vector.broadcast %parallel_loop3A_99 : i32 to vector<16xi32>
        %parallel_loop3A_101 = arith.divsi %iota3A, %parallel_loop3A_100 : vector<16xi32>
        %parallel_loop3A_102 = arith.constant 0 : i32
        %parallel_loop3A_103 = vector.broadcast %parallel_loop3A_102 : i32 to vector<16xi32>
        %parallel_loop3A_104 = arith.cmpi sgt, %iota3A, %parallel_loop3A_103 : vector<16xi32>
        %parallel_loop3A_105 = arith.extui %parallel_loop3A_104 : vector<16xi1> to vector<16xi32>
        %parallel_loop3A_106 = arith.constant 0 : i32
        %parallel_loop3A_107 = vector.broadcast %parallel_loop3A_106 : i32 to vector<16xi32>
        %parallel_loop3A_108 = arith.cmpi slt, %iota3A, %parallel_loop3A_107 : vector<16xi32>
        %parallel_loop3A_109 = arith.extui %parallel_loop3A_108 : vector<16xi1> to vector<16xi32>
        %parallel_loop3A_110 = arith.subi %parallel_loop3A_105, %parallel_loop3A_109 : vector<16xi32>
        %parallel_loop3A_111 = arith.constant 0 : i32
        %parallel_loop3A_112 = arith.cmpi sgt, %parallel_loop3A_99, %parallel_loop3A_111 : i32
        %parallel_loop3A_113 = arith.extui %parallel_loop3A_112 : i1 to i32
        %parallel_loop3A_114 = arith.constant 0 : i32
        %parallel_loop3A_115 = arith.cmpi slt, %parallel_loop3A_99, %parallel_loop3A_114 : i32
        %parallel_loop3A_116 = arith.extui %parallel_loop3A_115 : i1 to i32
        %parallel_loop3A_117 = arith.subi %parallel_loop3A_113, %parallel_loop3A_116 : i32
        %parallel_loop3A_118 = vector.broadcast %parallel_loop3A_117 : i32 to vector<16xi32>
        %parallel_loop3A_119 = arith.cmpi ne, %parallel_loop3A_110, %parallel_loop3A_118 : vector<16xi32>
        %parallel_loop3A_120 = vector.broadcast %parallel_loop3A_99 : i32 to vector<16xi32>
        %parallel_loop3A_121 = arith.remsi %iota3A, %parallel_loop3A_120 : vector<16xi32>
        %parallel_loop3A_122 = arith.constant 0 : i32
        %parallel_loop3A_123 = vector.broadcast %parallel_loop3A_122 : i32 to vector<16xi32>
        %parallel_loop3A_124 = arith.cmpi ne, %parallel_loop3A_121, %parallel_loop3A_123 : vector<16xi32>
        %parallel_loop3A_125 = arith.andi %parallel_loop3A_119, %parallel_loop3A_124 : vector<16xi1>
        %parallel_loop3A_126 = arith.constant 1 : i32
        %parallel_loop3A_127 = vector.broadcast %parallel_loop3A_126 : i32 to vector<16xi32>
        %parallel_loop3A_128 = arith.subi %parallel_loop3A_101, %parallel_loop3A_127 : vector<16xi32>
        %parallel_loop3A_129 = arith.select %parallel_loop3A_125, %parallel_loop3A_128, %parallel_loop3A_101 : vector<16xi1>, vector<16xi32>
        %parallel_loop3A_130 = vector.broadcast %parallel_loop3A_98 : i32 to vector<16xi32>
        %parallel_loop3A_131 = arith.addi %parallel_loop3A_130, %parallel_loop3A_129 : vector<16xi32>
        %parallel_loop3A_132 = arith.constant 4 : i32
        %parallel_loop3A_133 = arith.constant 0 : i32
        %parallel_loop3A_134 = arith.cmpi eq, %parallel_loop3A_132, %parallel_loop3A_133 : i32
        %parallel_loop3A_135 = arith.constant 1 : i32
        %parallel_loop3A_136 = arith.select %parallel_loop3A_134, %parallel_loop3A_135, %parallel_loop3A_132 : i32
        %parallel_loop3A_137 = vector.broadcast %parallel_loop3A_136 : i32 to vector<16xi32>
        %parallel_loop3A_138 = arith.remsi %iota3A, %parallel_loop3A_137 : vector<16xi32>
        %parallel_loop3A_139 = arith.constant 0 : i32
        %parallel_loop3A_140 = vector.broadcast %parallel_loop3A_139 : i32 to vector<16xi32>
        %parallel_loop3A_141 = arith.cmpi ne, %parallel_loop3A_138, %parallel_loop3A_140 : vector<16xi32>
        %parallel_loop3A_142 = arith.constant 0 : i32
        %parallel_loop3A_143 = vector.broadcast %parallel_loop3A_142 : i32 to vector<16xi32>
        %parallel_loop3A_144 = arith.cmpi slt, %parallel_loop3A_138, %parallel_loop3A_143 : vector<16xi32>
        %parallel_loop3A_145 = arith.constant 0 : i32
        %parallel_loop3A_146 = arith.cmpi slt, %parallel_loop3A_136, %parallel_loop3A_145 : i32
        %parallel_loop3A_147 = vector.broadcast %parallel_loop3A_146 : i1 to vector<16xi1>
        %parallel_loop3A_148 = vector.broadcast %parallel_loop3A_147 : vector<16xi1> to vector<16xi1>
        %parallel_loop3A_149 = arith.xori %parallel_loop3A_144, %parallel_loop3A_148 : vector<16xi1>
        %parallel_loop3A_150 = arith.andi %parallel_loop3A_149, %parallel_loop3A_141 : vector<16xi1>
        %parallel_loop3A_151 = vector.broadcast %parallel_loop3A_136 : i32 to vector<16xi32>
        %parallel_loop3A_152 = arith.addi %parallel_loop3A_138, %parallel_loop3A_151 : vector<16xi32>
        %parallel_loop3A_153 = arith.select %parallel_loop3A_150, %parallel_loop3A_152, %parallel_loop3A_138 : vector<16xi1>, vector<16xi32>
        %parallel_loop3A_154 = tpu.vector_load_idx %arg19[%parallel_loop3A_131, %parallel_loop3A_153] : memref<512x16xf32, #tpu.memory_space<vmem>>[vector<16xi32>, vector<16xi32>], vector<16xf32>,
        %parallel_loop3A_155 = math.exp %parallel_loop3A_154 : vector<16xf32>
        tpu.vector_store_idx %arg19[%parallel_loop3A_131, %parallel_loop3A_153], %parallel_loop3A_155 : memref<512x16xf32, #tpu.memory_space<vmem>>[vector<16xi32>, vector<16xi32>], vector<16xf32>,
      } {sc.loop_unroll_factor = 4 : i64, sc.parallel_access}
      "tpu.region"() ({
        %run_scoped3A = tpu.sem_alloc : memref<!tpu.dma_semaphore, #tpu.memory_space<semaphore_mem>>
        %dma_start3A_96 = arith.constant 0 : i32
        %dma_start3A_97 = arith.constant 0 : i32
        %dma_start3A_98 = tpu.memref_slice %arg13[%dma_start3A_96, %dma_start3A_97] : memref<10000x16xf32, #tpu.memory_space<vmem_shared>> -> memref<10000x16xf32, #tpu.memory_space<vmem_shared>>
        tpu.enqueue_indirect_dma source(%arg19 : memref<512x16xf32, #tpu.memory_space<vmem>>) target(%dma_start3A_98 : memref<10000x16xf32, #tpu.memory_space<vmem_shared>>) offsets(%arg16 : memref<512xi32, #tpu.memory_space<vmem>>) semaphore(%run_scoped3A : memref<!tpu.dma_semaphore, #tpu.memory_space<semaphore_mem>>) {add = true}
        %dma_wait3A_99 = arith.constant 0 : i32
        %dma_wait3A_100 = arith.constant 0 : i32
        %dma_wait3A_101 = tpu.memref_slice %arg13[%dma_wait3A_99, %dma_wait3A_100] : memref<10000x16xf32, #tpu.memory_space<vmem_shared>> -> memref<10000x16xf32, #tpu.memory_space<vmem_shared>>
        tpu.wait_indirect_dma semaphore(%run_scoped3A : memref<!tpu.dma_semaphore, #tpu.memory_space<semaphore_mem>>) src(%arg19 : memref<512x16xf32, #tpu.memory_space<vmem>>) dst(%dma_wait3A_101 : memref<10000x16xf32, #tpu.memory_space<vmem_shared>>)
        tpu.yield
      }) : () -> ()
      "tpu.region"() ({
        %run_scoped3A = tpu.sem_alloc : memref<!tpu.dma_semaphore, #tpu.memory_space<semaphore_mem>>
        %dma_start3A_96 = arith.constant 0 : i32
        %dma_start3A_97 = tpu.memref_slice %arg11[%mul3A_68, %dma_start3A_96] : memref<320000x16xf32, #tpu.memory_space<hbm>> -> memref<512x16xf32, #tpu.memory_space<hbm>>
        %dma_start3A_98 = arith.constant 0 : i32
        %dma_start3A_99 = tpu.memref_slice %arg11[%mul3A_68, %dma_start3A_98] : memref<320000x16xf32, #tpu.memory_space<hbm>> -> memref<512x16xf32, #tpu.memory_space<hbm>>
        tpu.enqueue_dma source(%arg19 : memref<512x16xf32, #tpu.memory_space<vmem>>) target(%dma_start3A_99 : memref<512x16xf32, #tpu.memory_space<hbm>>) target_semaphore(%run_scoped3A : memref<!tpu.dma_semaphore, #tpu.memory_space<semaphore_mem>>)
        %dma_wait3A_100 = arith.constant 0 : i32
        %dma_wait3A_101 = tpu.memref_slice %arg11[%mul3A_68, %dma_wait3A_100] : memref<320000x16xf32, #tpu.memory_space<hbm>> -> memref<512x16xf32, #tpu.memory_space<hbm>>
        %dma_wait3A_102 = arith.constant 0 : i32
        %dma_wait3A_103 = tpu.memref_slice %arg11[%mul3A_68, %dma_wait3A_102] : memref<320000x16xf32, #tpu.memory_space<hbm>> -> memref<512x16xf32, #tpu.memory_space<hbm>>
        tpu.wait_dma2 semaphore(%run_scoped3A : memref<!tpu.dma_semaphore, #tpu.memory_space<semaphore_mem>>) src(%arg19 : memref<512x16xf32, #tpu.memory_space<vmem>>) dst(%dma_wait3A_103 : memref<512x16xf32, #tpu.memory_space<hbm>>)
        tpu.yield
      }) : () -> ()
      %parallel_loop3A_93 = arith.constant 0 : i32
      %parallel_loop3A_94 = arith.constant 512 : i32
      %parallel_loop3A_95 = arith.constant 1 : i32
      scf.for %parallel_loop3A_96 = %parallel_loop3A_93 to %parallel_loop3A_94 step %parallel_loop3A_95  : i32 {
        %parallel_loop3A_97 = vector.broadcast %parallel_loop3A_96 : i32 to vector<16xi32>
        %parallel_loop3A_98 = arith.constant 0 : i32
        %parallel_loop3A_99 = vector.broadcast %parallel_loop3A_98 : i32 to vector<16xi32>
        %parallel_loop3A_100 = tpu.vector_load_idx %arg19[%parallel_loop3A_97, %parallel_loop3A_99] : memref<512x16xf32, #tpu.memory_space<vmem>>[vector<16xi32>, vector<16xi32>], vector<16xf32>,
        %parallel_loop3A_101 = arith.index_cast %parallel_loop3A_96 : i32 to index
        %parallel_loop3A_102 = arith.constant 0 : index
        %parallel_loop3A_103 = tpu.vector_load %arg17[%parallel_loop3A_101, %parallel_loop3A_102] {strides = array<i32>} : memref<512x64xf32, #tpu.memory_space<vmem>>, vector<16xf32>,
        %parallel_loop3A_104 = arith.mulf %parallel_loop3A_103, %parallel_loop3A_100 : vector<16xf32>
        %parallel_loop3A_105 = arith.index_cast %parallel_loop3A_96 : i32 to index
        %parallel_loop3A_106 = arith.constant 0 : index
        %parallel_loop3A_107 = tpu.vector_load %arg17[%parallel_loop3A_105, %parallel_loop3A_106] {strides = array<i32>} : memref<512x64xf32, #tpu.memory_space<vmem>>, vector<16xf32>,
        tpu.vector_store %arg17[%parallel_loop3A_105, %parallel_loop3A_106], %parallel_loop3A_104 {strides = array<i32>} : memref<512x64xf32, #tpu.memory_space<vmem>>, vector<16xf32>,
        %parallel_loop3A_108 = arith.constant 1 : i32
        %parallel_loop3A_109 = vector.broadcast %parallel_loop3A_108 : i32 to vector<16xi32>
        %parallel_loop3A_110 = tpu.vector_load_idx %arg19[%parallel_loop3A_97, %parallel_loop3A_109] : memref<512x16xf32, #tpu.memory_space<vmem>>[vector<16xi32>, vector<16xi32>], vector<16xf32>,
        %parallel_loop3A_111 = arith.index_cast %parallel_loop3A_96 : i32 to index
        %parallel_loop3A_112 = arith.constant 16 : index
        %parallel_loop3A_113 = tpu.vector_load %arg17[%parallel_loop3A_111, %parallel_loop3A_112] {strides = array<i32>} : memref<512x64xf32, #tpu.memory_space<vmem>>, vector<16xf32>,
        %parallel_loop3A_114 = arith.mulf %parallel_loop3A_113, %parallel_loop3A_110 : vector<16xf32>
        %parallel_loop3A_115 = arith.index_cast %parallel_loop3A_96 : i32 to index
        %parallel_loop3A_116 = arith.constant 16 : index
        %parallel_loop3A_117 = tpu.vector_load %arg17[%parallel_loop3A_115, %parallel_loop3A_116] {strides = array<i32>} : memref<512x64xf32, #tpu.memory_space<vmem>>, vector<16xf32>,
        tpu.vector_store %arg17[%parallel_loop3A_115, %parallel_loop3A_116], %parallel_loop3A_114 {strides = array<i32>} : memref<512x64xf32, #tpu.memory_space<vmem>>, vector<16xf32>,
        %parallel_loop3A_118 = arith.constant 2 : i32
        %parallel_loop3A_119 = vector.broadcast %parallel_loop3A_118 : i32 to vector<16xi32>
        %parallel_loop3A_120 = tpu.vector_load_idx %arg19[%parallel_loop3A_97, %parallel_loop3A_119] : memref<512x16xf32, #tpu.memory_space<vmem>>[vector<16xi32>, vector<16xi32>], vector<16xf32>,
        %parallel_loop3A_121 = arith.index_cast %parallel_loop3A_96 : i32 to index
        %parallel_loop3A_122 = arith.constant 32 : index
        %parallel_loop3A_123 = tpu.vector_load %arg17[%parallel_loop3A_121, %parallel_loop3A_122] {strides = array<i32>} : memref<512x64xf32, #tpu.memory_space<vmem>>, vector<16xf32>,
        %parallel_loop3A_124 = arith.mulf %parallel_loop3A_123, %parallel_loop3A_120 : vector<16xf32>
        %parallel_loop3A_125 = arith.index_cast %parallel_loop3A_96 : i32 to index
        %parallel_loop3A_126 = arith.constant 32 : index
        %parallel_loop3A_127 = tpu.vector_load %arg17[%parallel_loop3A_125, %parallel_loop3A_126] {strides = array<i32>} : memref<512x64xf32, #tpu.memory_space<vmem>>, vector<16xf32>,
        tpu.vector_store %arg17[%parallel_loop3A_125, %parallel_loop3A_126], %parallel_loop3A_124 {strides = array<i32>} : memref<512x64xf32, #tpu.memory_space<vmem>>, vector<16xf32>,
        %parallel_loop3A_128 = arith.constant 3 : i32
        %parallel_loop3A_129 = vector.broadcast %parallel_loop3A_128 : i32 to vector<16xi32>
        %parallel_loop3A_130 = tpu.vector_load_idx %arg19[%parallel_loop3A_97, %parallel_loop3A_129] : memref<512x16xf32, #tpu.memory_space<vmem>>[vector<16xi32>, vector<16xi32>], vector<16xf32>,
        %parallel_loop3A_131 = arith.index_cast %parallel_loop3A_96 : i32 to index
        %parallel_loop3A_132 = arith.constant 48 : index
        %parallel_loop3A_133 = tpu.vector_load %arg17[%parallel_loop3A_131, %parallel_loop3A_132] {strides = array<i32>} : memref<512x64xf32, #tpu.memory_space<vmem>>, vector<16xf32>,
        %parallel_loop3A_134 = arith.mulf %parallel_loop3A_133, %parallel_loop3A_130 : vector<16xf32>
        %parallel_loop3A_135 = arith.index_cast %parallel_loop3A_96 : i32 to index
        %parallel_loop3A_136 = arith.constant 48 : index
        %parallel_loop3A_137 = tpu.vector_load %arg17[%parallel_loop3A_135, %parallel_loop3A_136] {strides = array<i32>} : memref<512x64xf32, #tpu.memory_space<vmem>>, vector<16xf32>,
        tpu.vector_store %arg17[%parallel_loop3A_135, %parallel_loop3A_136], %parallel_loop3A_134 {strides = array<i32>} : memref<512x64xf32, #tpu.memory_space<vmem>>, vector<16xf32>,
      } {sc.loop_unroll_factor = 4 : i64, sc.parallel_access}
      "tpu.region"() ({
        %run_scoped3A = tpu.sem_alloc : memref<!tpu.dma_semaphore, #tpu.memory_space<semaphore_mem>>
        %dma_start3A_96 = arith.constant 0 : i32
        %dma_start3A_97 = arith.constant 0 : i32
        %dma_start3A_98 = tpu.memref_slice %arg12[%dma_start3A_96, %dma_start3A_97] : memref<10000x64xf32, #tpu.memory_space<vmem_shared>> -> memref<10000x64xf32, #tpu.memory_space<vmem_shared>>
        tpu.enqueue_indirect_dma source(%arg17 : memref<512x64xf32, #tpu.memory_space<vmem>>) target(%dma_start3A_98 : memref<10000x64xf32, #tpu.memory_space<vmem_shared>>) offsets(%arg16 : memref<512xi32, #tpu.memory_space<vmem>>) semaphore(%run_scoped3A : memref<!tpu.dma_semaphore, #tpu.memory_space<semaphore_mem>>) {add = true}
        %dma_wait3A_99 = arith.constant 0 : i32
        %dma_wait3A_100 = arith.constant 0 : i32
        %dma_wait3A_101 = tpu.memref_slice %arg12[%dma_wait3A_99, %dma_wait3A_100] : memref<10000x64xf32, #tpu.memory_space<vmem_shared>> -> memref<10000x64xf32, #tpu.memory_space<vmem_shared>>
        tpu.wait_indirect_dma semaphore(%run_scoped3A : memref<!tpu.dma_semaphore, #tpu.memory_space<semaphore_mem>>) src(%arg17 : memref<512x64xf32, #tpu.memory_space<vmem>>) dst(%dma_wait3A_101 : memref<10000x64xf32, #tpu.memory_space<vmem_shared>>)
        tpu.yield
      }) : () -> ()
    }
    %barrier3A_52 = arith.constant 0 : index
    tpu.barrier barrier_id(%barrier3A_52)
    "tpu.region"() ({
      %run_scoped3A = tpu.sem_alloc : memref<!tpu.dma_semaphore, #tpu.memory_space<semaphore_mem>>
      %dma_start3A = arith.constant 0 : i32
      %dma_start3A_63 = tpu.memref_slice %arg9[%arg0, %mul3A_2, %dma_start3A] : memref<2x10000x64xf32, #tpu.memory_space<hbm>> -> memref<1x624x64xf32, #tpu.memory_space<hbm>>
      %dma_start3A_64 = tpu.memref_squeeze %dma_start3A_63 : memref<1x624x64xf32, #tpu.memory_space<hbm>> -> memref<624x64xf32, #tpu.memory_space<hbm>>
      %dma_start3A_65 = arith.constant 0 : i32
      %dma_start3A_66 = tpu.memref_slice %arg12[%mul3A_2, %dma_start3A_65] : memref<10000x64xf32, #tpu.memory_space<vmem_shared>> -> memref<624x64xf32, #tpu.memory_space<vmem_shared>>
      tpu.enqueue_dma source(%dma_start3A_66 : memref<624x64xf32, #tpu.memory_space<vmem_shared>>) target(%dma_start3A_64 : memref<624x64xf32, #tpu.memory_space<hbm>>) target_semaphore(%run_scoped3A : memref<!tpu.dma_semaphore, #tpu.memory_space<semaphore_mem>>)
      %dma_wait3A = arith.constant 0 : i32
      %dma_wait3A_67 = tpu.memref_slice %arg9[%arg0, %mul3A_2, %dma_wait3A] : memref<2x10000x64xf32, #tpu.memory_space<hbm>> -> memref<1x624x64xf32, #tpu.memory_space<hbm>>
      %dma_wait3A_68 = tpu.memref_squeeze %dma_wait3A_67 : memref<1x624x64xf32, #tpu.memory_space<hbm>> -> memref<624x64xf32, #tpu.memory_space<hbm>>
      %dma_wait3A_69 = arith.constant 0 : i32
      %dma_wait3A_70 = tpu.memref_slice %arg12[%mul3A_2, %dma_wait3A_69] : memref<10000x64xf32, #tpu.memory_space<vmem_shared>> -> memref<624x64xf32, #tpu.memory_space<vmem_shared>>
      tpu.wait_dma2 semaphore(%run_scoped3A : memref<!tpu.dma_semaphore, #tpu.memory_space<semaphore_mem>>) src(%dma_wait3A_70 : memref<624x64xf32, #tpu.memory_space<vmem_shared>>) dst(%dma_wait3A_68 : memref<624x64xf32, #tpu.memory_space<hbm>>)
      tpu.yield
    }) : () -> ()
    %eq3A_53 = arith.constant 0 : i32
    %eq3A_54 = arith.cmpi eq, %arg1, %eq3A_53 : i32
    %convert_element_type3A_55 = arith.extui %eq3A_54 : i1 to i32
    %cond3A_56 = arith.constant 0 : i32
    %cond3A_57 = arith.cmpi ne, %convert_element_type3A_55, %cond3A_56 : i32
    scf.if %cond3A_57 {
      "tpu.region"() ({
        %run_scoped3A = tpu.sem_alloc : memref<!tpu.dma_semaphore, #tpu.memory_space<semaphore_mem>>
        %dma_start3A = arith.constant 9984 : i32
        %dma_start3A_63 = arith.constant 0 : i32
        %dma_start3A_64 = tpu.memref_slice %arg9[%arg0, %dma_start3A, %dma_start3A_63] : memref<2x10000x64xf32, #tpu.memory_space<hbm>> -> memref<1x16x64xf32, #tpu.memory_space<hbm>>
        %dma_start3A_65 = tpu.memref_squeeze %dma_start3A_64 : memref<1x16x64xf32, #tpu.memory_space<hbm>> -> memref<16x64xf32, #tpu.memory_space<hbm>>
        %dma_start3A_66 = arith.constant 9984 : i32
        %dma_start3A_67 = arith.constant 0 : i32
        %dma_start3A_68 = tpu.memref_slice %arg12[%dma_start3A_66, %dma_start3A_67] : memref<10000x64xf32, #tpu.memory_space<vmem_shared>> -> memref<16x64xf32, #tpu.memory_space<vmem_shared>>
        tpu.enqueue_dma source(%dma_start3A_68 : memref<16x64xf32, #tpu.memory_space<vmem_shared>>) target(%dma_start3A_65 : memref<16x64xf32, #tpu.memory_space<hbm>>) target_semaphore(%run_scoped3A : memref<!tpu.dma_semaphore, #tpu.memory_space<semaphore_mem>>)
        %dma_wait3A = arith.constant 9984 : i32
        %dma_wait3A_69 = arith.constant 0 : i32
        %dma_wait3A_70 = tpu.memref_slice %arg9[%arg0, %dma_wait3A, %dma_wait3A_69] : memref<2x10000x64xf32, #tpu.memory_space<hbm>> -> memref<1x16x64xf32, #tpu.memory_space<hbm>>
        %dma_wait3A_71 = tpu.memref_squeeze %dma_wait3A_70 : memref<1x16x64xf32, #tpu.memory_space<hbm>> -> memref<16x64xf32, #tpu.memory_space<hbm>>
        %dma_wait3A_72 = arith.constant 9984 : i32
        %dma_wait3A_73 = arith.constant 0 : i32
        %dma_wait3A_74 = tpu.memref_slice %arg12[%dma_wait3A_72, %dma_wait3A_73] : memref<10000x64xf32, #tpu.memory_space<vmem_shared>> -> memref<16x64xf32, #tpu.memory_space<vmem_shared>>
        tpu.wait_dma2 semaphore(%run_scoped3A : memref<!tpu.dma_semaphore, #tpu.memory_space<semaphore_mem>>) src(%dma_wait3A_74 : memref<16x64xf32, #tpu.memory_space<vmem_shared>>) dst(%dma_wait3A_71 : memref<16x64xf32, #tpu.memory_space<hbm>>)
        tpu.yield
      }) : () -> ()
    } else {
    }
    %lt3A_58 = arith.constant 5 : i32
    %lt3A_59 = arith.cmpi slt, %arg1, %lt3A_58 : i32
    %convert_element_type3A_60 = arith.extui %lt3A_59 : i1 to i32
    %cond3A_61 = arith.constant 0 : i32
    %cond3A_62 = arith.cmpi ne, %convert_element_type3A_60, %cond3A_61 : i32
    scf.if %cond3A_62 {
      %mul3A_63 = arith.constant 2000 : i32
      %mul3A_64 = arith.muli %arg1, %mul3A_63 : i32
      %mul3A_65 = arith.constant 2000 : i32
      %mul3A_66 = arith.muli %arg1, %mul3A_65 : i32
      "tpu.region"() ({
        %run_scoped3A = tpu.sem_alloc : memref<!tpu.dma_semaphore, #tpu.memory_space<semaphore_mem>>
        %dma_start3A = arith.constant 0 : i32
        %dma_start3A_67 = tpu.memref_slice %arg10[%arg0, %mul3A_66, %dma_start3A] : memref<2x10000x16xf32, #tpu.memory_space<hbm>> -> memref<1x2000x16xf32, #tpu.memory_space<hbm>>
        %dma_start3A_68 = tpu.memref_squeeze %dma_start3A_67 : memref<1x2000x16xf32, #tpu.memory_space<hbm>> -> memref<2000x16xf32, #tpu.memory_space<hbm>>
        %dma_start3A_69 = arith.constant 0 : i32
        %dma_start3A_70 = tpu.memref_slice %arg13[%mul3A_64, %dma_start3A_69] : memref<10000x16xf32, #tpu.memory_space<vmem_shared>> -> memref<2000x16xf32, #tpu.memory_space<vmem_shared>>
        tpu.enqueue_dma source(%dma_start3A_70 : memref<2000x16xf32, #tpu.memory_space<vmem_shared>>) target(%dma_start3A_68 : memref<2000x16xf32, #tpu.memory_space<hbm>>) target_semaphore(%run_scoped3A : memref<!tpu.dma_semaphore, #tpu.memory_space<semaphore_mem>>)
        %dma_wait3A = arith.constant 0 : i32
        %dma_wait3A_71 = tpu.memref_slice %arg10[%arg0, %mul3A_66, %dma_wait3A] : memref<2x10000x16xf32, #tpu.memory_space<hbm>> -> memref<1x2000x16xf32, #tpu.memory_space<hbm>>
        %dma_wait3A_72 = tpu.memref_squeeze %dma_wait3A_71 : memref<1x2000x16xf32, #tpu.memory_space<hbm>> -> memref<2000x16xf32, #tpu.memory_space<hbm>>
        %dma_wait3A_73 = arith.constant 0 : i32
        %dma_wait3A_74 = tpu.memref_slice %arg13[%mul3A_64, %dma_wait3A_73] : memref<10000x16xf32, #tpu.memory_space<vmem_shared>> -> memref<2000x16xf32, #tpu.memory_space<vmem_shared>>
        tpu.wait_dma2 semaphore(%run_scoped3A : memref<!tpu.dma_semaphore, #tpu.memory_space<semaphore_mem>>) src(%dma_wait3A_74 : memref<2000x16xf32, #tpu.memory_space<vmem_shared>>) dst(%dma_wait3A_72 : memref<2000x16xf32, #tpu.memory_space<hbm>>)
        tpu.yield
      }) : () -> ()
    } else {
    }
    return
  }
}

#map = affine_map<(d0, d1) -> (0, 0)>
#map1 = affine_map<(d0, d1) -> (0)>
module attributes {stable_mosaic.version = 14 : i64} {
  func.func @_sc_alpha_body(%arg0: i32, %arg1: i32, %arg2: memref<320000x16xf32, #tpu.memory_space<hbm>>, %arg3: memref<320000xi32, #tpu.memory_space<hbm>>, %arg4: memref<10000x4xf32, #tpu.memory_space<hbm>>, %arg5: memref<320000x4xf32, #tpu.memory_space<hbm>>, %arg6: memref<10000x4xf32, #tpu.memory_space<vmem>>, %arg7: memref<512xi32, #tpu.memory_space<vmem>>, %arg8: memref<512x16xf32, #tpu.memory_space<vmem>>, %arg9: memref<512x4xf32, #tpu.memory_space<vmem>>) attributes {dimension_semantics = [#tpu.dimension_semantics<core_parallel>, #tpu.dimension_semantics<subcore_parallel>], iteration_bounds = array<i64: 2, 16>, scalar_prefetch = 0 : i64, scratch_operands = 4 : i64, tpu.core_type = #tpu.core_type<sc_vector_subcore>, window_params = [{transform_indices = #map}, {transform_indices = #map1}, {transform_indices = #map}, {transform_indices = #map}]} {
    %mul3A = arith.constant 2 : i32
    %mul3A_0 = arith.muli %arg1, %mul3A : i32
    %add3A = arith.addi %mul3A_0, %arg0 : i32
    "tpu.region"() ({
      %run_scoped3A = tpu.sem_alloc : memref<!tpu.dma_semaphore, #tpu.memory_space<semaphore_mem>>
      tpu.enqueue_dma source(%arg4 : memref<10000x4xf32, #tpu.memory_space<hbm>>) target(%arg6 : memref<10000x4xf32, #tpu.memory_space<vmem>>) target_semaphore(%run_scoped3A : memref<!tpu.dma_semaphore, #tpu.memory_space<semaphore_mem>>)
      tpu.wait_dma2 semaphore(%run_scoped3A : memref<!tpu.dma_semaphore, #tpu.memory_space<semaphore_mem>>) src(%arg4 : memref<10000x4xf32, #tpu.memory_space<hbm>>) dst(%arg6 : memref<10000x4xf32, #tpu.memory_space<vmem>>)
      tpu.yield
    }) : () -> ()
    %iota3A = tpu.iota {dimensions = array<i32: 0>} : vector<16xi32>
    %sub3A = arith.constant 625 : i32
    %sub3A_1 = arith.subi %sub3A, %add3A : i32
    %add3A_2 = arith.constant 32 : i32
    %add3A_3 = arith.addi %sub3A_1, %add3A_2 : i32
    %sub3A_4 = arith.constant 1 : i32
    %sub3A_5 = arith.subi %add3A_3, %sub3A_4 : i32
    %jit3A = arith.constant 32 : i32
    %div3A = arith.divsi %sub3A_5, %jit3A : i32
    %sign3A = arith.constant 0 : i32
    %sign3A_6 = arith.cmpi sgt, %sub3A_5, %sign3A : i32
    %sign3A_7 = arith.extui %sign3A_6 : i1 to i32
    %sign3A_8 = arith.constant 0 : i32
    %sign3A_9 = arith.cmpi slt, %sub3A_5, %sign3A_8 : i32
    %sign3A_10 = arith.extui %sign3A_9 : i1 to i32
    %sign3A_11 = arith.subi %sign3A_7, %sign3A_10 : i32
    %sign3A_12 = arith.constant 0 : i32
    %sign3A_13 = arith.cmpi sgt, %jit3A, %sign3A_12 : i32
    %sign3A_14 = arith.extui %sign3A_13 : i1 to i32
    %sign3A_15 = arith.constant 0 : i32
    %sign3A_16 = arith.cmpi slt, %jit3A, %sign3A_15 : i32
    %sign3A_17 = arith.extui %sign3A_16 : i1 to i32
    %sign3A_18 = arith.subi %sign3A_14, %sign3A_17 : i32
    %ne3A = arith.cmpi ne, %sign3A_11, %sign3A_18 : i32
    %rem3A = arith.remsi %sub3A_5, %jit3A : i32
    %ne3A_19 = arith.constant 0 : i32
    %ne3A_20 = arith.cmpi ne, %rem3A, %ne3A_19 : i32
    %and3A = arith.andi %ne3A, %ne3A_20 : i1
    %sub3A_21 = arith.constant 1 : i32
    %sub3A_22 = arith.subi %div3A, %sub3A_21 : i32
    %select_n3A = arith.select %and3A, %sub3A_22, %div3A : i32
    %while3A = arith.constant 0 : i32
    %while3A_23 = arith.constant 0 : i32
    %while3A_24 = arith.subi %select_n3A, %while3A_23 : i32
    %while3A_25 = arith.addi %while3A_23, %while3A_24 : i32
    %while3A_26 = arith.constant 1 : i32
    %while3A_27 = arith.divsi %while3A_24, %while3A_26 : i32
    %while3A_28 = arith.muli %while3A_27, %while3A_26 : i32
    %while3A_29 = arith.addi %while3A_23, %while3A_28 : i32
    %while3A_30 = arith.constant 1 : i32
    scf.for %while3A_32 = %while3A_23 to %while3A_29 step %while3A_30  : i32 {
      %mul3A_33 = arith.constant 32 : i32
      %mul3A_34 = arith.muli %while3A_32, %mul3A_33 : i32
      %add3A_35 = arith.addi %add3A, %mul3A_34 : i32
      %mul3A_36 = arith.constant 512 : i32
      %mul3A_37 = arith.muli %add3A_35, %mul3A_36 : i32
      "tpu.region"() ({
        %run_scoped3A = tpu.sem_alloc : memref<!tpu.dma_semaphore, #tpu.memory_space<semaphore_mem>>
        %dma_start3A = tpu.memref_slice %arg3[%mul3A_37] : memref<320000xi32, #tpu.memory_space<hbm>> -> memref<512xi32, #tpu.memory_space<hbm>>
        %dma_start3A_40 = tpu.memref_slice %arg3[%mul3A_37] : memref<320000xi32, #tpu.memory_space<hbm>> -> memref<512xi32, #tpu.memory_space<hbm>>
        tpu.enqueue_dma source(%dma_start3A_40 : memref<512xi32, #tpu.memory_space<hbm>>) target(%arg7 : memref<512xi32, #tpu.memory_space<vmem>>) target_semaphore(%run_scoped3A : memref<!tpu.dma_semaphore, #tpu.memory_space<semaphore_mem>>)
        %dma_wait3A = tpu.memref_slice %arg3[%mul3A_37] : memref<320000xi32, #tpu.memory_space<hbm>> -> memref<512xi32, #tpu.memory_space<hbm>>
        %dma_wait3A_41 = tpu.memref_slice %arg3[%mul3A_37] : memref<320000xi32, #tpu.memory_space<hbm>> -> memref<512xi32, #tpu.memory_space<hbm>>
        tpu.wait_dma2 semaphore(%run_scoped3A : memref<!tpu.dma_semaphore, #tpu.memory_space<semaphore_mem>>) src(%dma_wait3A_41 : memref<512xi32, #tpu.memory_space<hbm>>) dst(%arg7 : memref<512xi32, #tpu.memory_space<vmem>>)
        tpu.yield
      }) : () -> ()
      "tpu.region"() ({
        %run_scoped3A = tpu.sem_alloc : memref<!tpu.dma_semaphore, #tpu.memory_space<semaphore_mem>>
        %dma_start3A = arith.constant 0 : i32
        %dma_start3A_40 = tpu.memref_slice %arg2[%mul3A_37, %dma_start3A] : memref<320000x16xf32, #tpu.memory_space<hbm>> -> memref<512x16xf32, #tpu.memory_space<hbm>>
        %dma_start3A_41 = arith.constant 0 : i32
        %dma_start3A_42 = tpu.memref_slice %arg2[%mul3A_37, %dma_start3A_41] : memref<320000x16xf32, #tpu.memory_space<hbm>> -> memref<512x16xf32, #tpu.memory_space<hbm>>
        tpu.enqueue_dma source(%dma_start3A_42 : memref<512x16xf32, #tpu.memory_space<hbm>>) target(%arg8 : memref<512x16xf32, #tpu.memory_space<vmem>>) target_semaphore(%run_scoped3A : memref<!tpu.dma_semaphore, #tpu.memory_space<semaphore_mem>>)
        %dma_wait3A = arith.constant 0 : i32
        %dma_wait3A_43 = tpu.memref_slice %arg2[%mul3A_37, %dma_wait3A] : memref<320000x16xf32, #tpu.memory_space<hbm>> -> memref<512x16xf32, #tpu.memory_space<hbm>>
        %dma_wait3A_44 = arith.constant 0 : i32
        %dma_wait3A_45 = tpu.memref_slice %arg2[%mul3A_37, %dma_wait3A_44] : memref<320000x16xf32, #tpu.memory_space<hbm>> -> memref<512x16xf32, #tpu.memory_space<hbm>>
        tpu.wait_dma2 semaphore(%run_scoped3A : memref<!tpu.dma_semaphore, #tpu.memory_space<semaphore_mem>>) src(%dma_wait3A_45 : memref<512x16xf32, #tpu.memory_space<hbm>>) dst(%arg8 : memref<512x16xf32, #tpu.memory_space<vmem>>)
        tpu.yield
      }) : () -> ()
      %parallel_loop3A = arith.constant 0 : i32
      %parallel_loop3A_38 = arith.constant 128 : i32
      %parallel_loop3A_39 = arith.constant 1 : i32
      scf.for %parallel_loop3A_40 = %parallel_loop3A to %parallel_loop3A_38 step %parallel_loop3A_39  : i32 {
        %parallel_loop3A_41 = arith.constant 4 : i32
        %parallel_loop3A_42 = arith.muli %parallel_loop3A_40, %parallel_loop3A_41 : i32
        %parallel_loop3A_43 = arith.constant 4 : i32
        %parallel_loop3A_44 = vector.broadcast %parallel_loop3A_43 : i32 to vector<16xi32>
        %parallel_loop3A_45 = arith.divsi %iota3A, %parallel_loop3A_44 : vector<16xi32>
        %parallel_loop3A_46 = arith.constant 0 : i32
        %parallel_loop3A_47 = vector.broadcast %parallel_loop3A_46 : i32 to vector<16xi32>
        %parallel_loop3A_48 = arith.cmpi sgt, %iota3A, %parallel_loop3A_47 : vector<16xi32>
        %parallel_loop3A_49 = arith.extui %parallel_loop3A_48 : vector<16xi1> to vector<16xi32>
        %parallel_loop3A_50 = arith.constant 0 : i32
        %parallel_loop3A_51 = vector.broadcast %parallel_loop3A_50 : i32 to vector<16xi32>
        %parallel_loop3A_52 = arith.cmpi slt, %iota3A, %parallel_loop3A_51 : vector<16xi32>
        %parallel_loop3A_53 = arith.extui %parallel_loop3A_52 : vector<16xi1> to vector<16xi32>
        %parallel_loop3A_54 = arith.subi %parallel_loop3A_49, %parallel_loop3A_53 : vector<16xi32>
        %parallel_loop3A_55 = arith.constant 0 : i32
        %parallel_loop3A_56 = arith.cmpi sgt, %parallel_loop3A_43, %parallel_loop3A_55 : i32
        %parallel_loop3A_57 = arith.extui %parallel_loop3A_56 : i1 to i32
        %parallel_loop3A_58 = arith.constant 0 : i32
        %parallel_loop3A_59 = arith.cmpi slt, %parallel_loop3A_43, %parallel_loop3A_58 : i32
        %parallel_loop3A_60 = arith.extui %parallel_loop3A_59 : i1 to i32
        %parallel_loop3A_61 = arith.subi %parallel_loop3A_57, %parallel_loop3A_60 : i32
        %parallel_loop3A_62 = vector.broadcast %parallel_loop3A_61 : i32 to vector<16xi32>
        %parallel_loop3A_63 = arith.cmpi ne, %parallel_loop3A_54, %parallel_loop3A_62 : vector<16xi32>
        %parallel_loop3A_64 = vector.broadcast %parallel_loop3A_43 : i32 to vector<16xi32>
        %parallel_loop3A_65 = arith.remsi %iota3A, %parallel_loop3A_64 : vector<16xi32>
        %parallel_loop3A_66 = arith.constant 0 : i32
        %parallel_loop3A_67 = vector.broadcast %parallel_loop3A_66 : i32 to vector<16xi32>
        %parallel_loop3A_68 = arith.cmpi ne, %parallel_loop3A_65, %parallel_loop3A_67 : vector<16xi32>
        %parallel_loop3A_69 = arith.andi %parallel_loop3A_63, %parallel_loop3A_68 : vector<16xi1>
        %parallel_loop3A_70 = arith.constant 1 : i32
        %parallel_loop3A_71 = vector.broadcast %parallel_loop3A_70 : i32 to vector<16xi32>
        %parallel_loop3A_72 = arith.subi %parallel_loop3A_45, %parallel_loop3A_71 : vector<16xi32>
        %parallel_loop3A_73 = arith.select %parallel_loop3A_69, %parallel_loop3A_72, %parallel_loop3A_45 : vector<16xi1>, vector<16xi32>
        %parallel_loop3A_74 = vector.broadcast %parallel_loop3A_42 : i32 to vector<16xi32>
        %parallel_loop3A_75 = arith.addi %parallel_loop3A_74, %parallel_loop3A_73 : vector<16xi32>
        %parallel_loop3A_76 = arith.constant 4 : i32
        %parallel_loop3A_77 = arith.constant 0 : i32
        %parallel_loop3A_78 = arith.cmpi eq, %parallel_loop3A_76, %parallel_loop3A_77 : i32
        %parallel_loop3A_79 = arith.constant 1 : i32
        %parallel_loop3A_80 = arith.select %parallel_loop3A_78, %parallel_loop3A_79, %parallel_loop3A_76 : i32
        %parallel_loop3A_81 = vector.broadcast %parallel_loop3A_80 : i32 to vector<16xi32>
        %parallel_loop3A_82 = arith.remsi %iota3A, %parallel_loop3A_81 : vector<16xi32>
        %parallel_loop3A_83 = arith.constant 0 : i32
        %parallel_loop3A_84 = vector.broadcast %parallel_loop3A_83 : i32 to vector<16xi32>
        %parallel_loop3A_85 = arith.cmpi ne, %parallel_loop3A_82, %parallel_loop3A_84 : vector<16xi32>
        %parallel_loop3A_86 = arith.constant 0 : i32
        %parallel_loop3A_87 = vector.broadcast %parallel_loop3A_86 : i32 to vector<16xi32>
        %parallel_loop3A_88 = arith.cmpi slt, %parallel_loop3A_82, %parallel_loop3A_87 : vector<16xi32>
        %parallel_loop3A_89 = arith.constant 0 : i32
        %parallel_loop3A_90 = arith.cmpi slt, %parallel_loop3A_80, %parallel_loop3A_89 : i32
        %parallel_loop3A_91 = vector.broadcast %parallel_loop3A_90 : i1 to vector<16xi1>
        %parallel_loop3A_92 = vector.broadcast %parallel_loop3A_91 : vector<16xi1> to vector<16xi1>
        %parallel_loop3A_93 = arith.xori %parallel_loop3A_88, %parallel_loop3A_92 : vector<16xi1>
        %parallel_loop3A_94 = arith.andi %parallel_loop3A_93, %parallel_loop3A_85 : vector<16xi1>
        %parallel_loop3A_95 = vector.broadcast %parallel_loop3A_80 : i32 to vector<16xi32>
        %parallel_loop3A_96 = arith.addi %parallel_loop3A_82, %parallel_loop3A_95 : vector<16xi32>
        %parallel_loop3A_97 = arith.select %parallel_loop3A_94, %parallel_loop3A_96, %parallel_loop3A_82 : vector<16xi1>, vector<16xi32>
        %parallel_loop3A_98 = tpu.vector_load_idx %arg7[%parallel_loop3A_75] : memref<512xi32, #tpu.memory_space<vmem>>[vector<16xi32>], vector<16xi32>,
        %parallel_loop3A_99 = tpu.vector_load_idx %arg6[%parallel_loop3A_98, %parallel_loop3A_97] : memref<10000x4xf32, #tpu.memory_space<vmem>>[vector<16xi32>, vector<16xi32>], vector<16xf32>,
        %parallel_loop3A_100 = tpu.vector_load_idx %arg8[%parallel_loop3A_75, %parallel_loop3A_97] : memref<512x16xf32, #tpu.memory_space<vmem>>[vector<16xi32>, vector<16xi32>], vector<16xf32>,
        %parallel_loop3A_101 = arith.constant 1.000000e-16 : f32
        %parallel_loop3A_102 = vector.broadcast %parallel_loop3A_101 : f32 to vector<16xf32>
        %parallel_loop3A_103 = arith.addf %parallel_loop3A_99, %parallel_loop3A_102 : vector<16xf32>
        %parallel_loop3A_104 = arith.divf %parallel_loop3A_100, %parallel_loop3A_103 : vector<16xf32>
        tpu.vector_store_idx %arg9[%parallel_loop3A_75, %parallel_loop3A_97], %parallel_loop3A_104 : memref<512x4xf32, #tpu.memory_space<vmem>>[vector<16xi32>, vector<16xi32>], vector<16xf32>,
      } {sc.loop_unroll_factor = 4 : i64, sc.parallel_access}
      "tpu.region"() ({
        %run_scoped3A = tpu.sem_alloc : memref<!tpu.dma_semaphore, #tpu.memory_space<semaphore_mem>>
        %dma_start3A = arith.constant 0 : i32
        %dma_start3A_40 = tpu.memref_slice %arg5[%mul3A_37, %dma_start3A] : memref<320000x4xf32, #tpu.memory_space<hbm>> -> memref<512x4xf32, #tpu.memory_space<hbm>>
        %dma_start3A_41 = arith.constant 0 : i32
        %dma_start3A_42 = tpu.memref_slice %arg5[%mul3A_37, %dma_start3A_41] : memref<320000x4xf32, #tpu.memory_space<hbm>> -> memref<512x4xf32, #tpu.memory_space<hbm>>
        tpu.enqueue_dma source(%arg9 : memref<512x4xf32, #tpu.memory_space<vmem>>) target(%dma_start3A_42 : memref<512x4xf32, #tpu.memory_space<hbm>>) target_semaphore(%run_scoped3A : memref<!tpu.dma_semaphore, #tpu.memory_space<semaphore_mem>>)
        %dma_wait3A = arith.constant 0 : i32
        %dma_wait3A_43 = tpu.memref_slice %arg5[%mul3A_37, %dma_wait3A] : memref<320000x4xf32, #tpu.memory_space<hbm>> -> memref<512x4xf32, #tpu.memory_space<hbm>>
        %dma_wait3A_44 = arith.constant 0 : i32
        %dma_wait3A_45 = tpu.memref_slice %arg5[%mul3A_37, %dma_wait3A_44] : memref<320000x4xf32, #tpu.memory_space<hbm>> -> memref<512x4xf32, #tpu.memory_space<hbm>>
        tpu.wait_dma2 semaphore(%run_scoped3A : memref<!tpu.dma_semaphore, #tpu.memory_space<semaphore_mem>>) src(%arg9 : memref<512x4xf32, #tpu.memory_space<vmem>>) dst(%dma_wait3A_45 : memref<512x4xf32, #tpu.memory_space<hbm>>)
        tpu.yield
      }) : () -> ()
    }
    %while3A_31 = arith.constant 1 : i32
    scf.for %while3A_32 = %while3A_29 to %while3A_25 step %while3A_31  : i32 {
      %mul3A_33 = arith.constant 32 : i32
      %mul3A_34 = arith.muli %while3A_32, %mul3A_33 : i32
      %add3A_35 = arith.addi %add3A, %mul3A_34 : i32
      %mul3A_36 = arith.constant 512 : i32
      %mul3A_37 = arith.muli %add3A_35, %mul3A_36 : i32
      "tpu.region"() ({
        %run_scoped3A = tpu.sem_alloc : memref<!tpu.dma_semaphore, #tpu.memory_space<semaphore_mem>>
        %dma_start3A = tpu.memref_slice %arg3[%mul3A_37] : memref<320000xi32, #tpu.memory_space<hbm>> -> memref<512xi32, #tpu.memory_space<hbm>>
        %dma_start3A_40 = tpu.memref_slice %arg3[%mul3A_37] : memref<320000xi32, #tpu.memory_space<hbm>> -> memref<512xi32, #tpu.memory_space<hbm>>
        tpu.enqueue_dma source(%dma_start3A_40 : memref<512xi32, #tpu.memory_space<hbm>>) target(%arg7 : memref<512xi32, #tpu.memory_space<vmem>>) target_semaphore(%run_scoped3A : memref<!tpu.dma_semaphore, #tpu.memory_space<semaphore_mem>>)
        %dma_wait3A = tpu.memref_slice %arg3[%mul3A_37] : memref<320000xi32, #tpu.memory_space<hbm>> -> memref<512xi32, #tpu.memory_space<hbm>>
        %dma_wait3A_41 = tpu.memref_slice %arg3[%mul3A_37] : memref<320000xi32, #tpu.memory_space<hbm>> -> memref<512xi32, #tpu.memory_space<hbm>>
        tpu.wait_dma2 semaphore(%run_scoped3A : memref<!tpu.dma_semaphore, #tpu.memory_space<semaphore_mem>>) src(%dma_wait3A_41 : memref<512xi32, #tpu.memory_space<hbm>>) dst(%arg7 : memref<512xi32, #tpu.memory_space<vmem>>)
        tpu.yield
      }) : () -> ()
      "tpu.region"() ({
        %run_scoped3A = tpu.sem_alloc : memref<!tpu.dma_semaphore, #tpu.memory_space<semaphore_mem>>
        %dma_start3A = arith.constant 0 : i32
        %dma_start3A_40 = tpu.memref_slice %arg2[%mul3A_37, %dma_start3A] : memref<320000x16xf32, #tpu.memory_space<hbm>> -> memref<512x16xf32, #tpu.memory_space<hbm>>
        %dma_start3A_41 = arith.constant 0 : i32
        %dma_start3A_42 = tpu.memref_slice %arg2[%mul3A_37, %dma_start3A_41] : memref<320000x16xf32, #tpu.memory_space<hbm>> -> memref<512x16xf32, #tpu.memory_space<hbm>>
        tpu.enqueue_dma source(%dma_start3A_42 : memref<512x16xf32, #tpu.memory_space<hbm>>) target(%arg8 : memref<512x16xf32, #tpu.memory_space<vmem>>) target_semaphore(%run_scoped3A : memref<!tpu.dma_semaphore, #tpu.memory_space<semaphore_mem>>)
        %dma_wait3A = arith.constant 0 : i32
        %dma_wait3A_43 = tpu.memref_slice %arg2[%mul3A_37, %dma_wait3A] : memref<320000x16xf32, #tpu.memory_space<hbm>> -> memref<512x16xf32, #tpu.memory_space<hbm>>
        %dma_wait3A_44 = arith.constant 0 : i32
        %dma_wait3A_45 = tpu.memref_slice %arg2[%mul3A_37, %dma_wait3A_44] : memref<320000x16xf32, #tpu.memory_space<hbm>> -> memref<512x16xf32, #tpu.memory_space<hbm>>
        tpu.wait_dma2 semaphore(%run_scoped3A : memref<!tpu.dma_semaphore, #tpu.memory_space<semaphore_mem>>) src(%dma_wait3A_45 : memref<512x16xf32, #tpu.memory_space<hbm>>) dst(%arg8 : memref<512x16xf32, #tpu.memory_space<vmem>>)
        tpu.yield
      }) : () -> ()
      %parallel_loop3A = arith.constant 0 : i32
      %parallel_loop3A_38 = arith.constant 128 : i32
      %parallel_loop3A_39 = arith.constant 1 : i32
      scf.for %parallel_loop3A_40 = %parallel_loop3A to %parallel_loop3A_38 step %parallel_loop3A_39  : i32 {
        %parallel_loop3A_41 = arith.constant 4 : i32
        %parallel_loop3A_42 = arith.muli %parallel_loop3A_40, %parallel_loop3A_41 : i32
        %parallel_loop3A_43 = arith.constant 4 : i32
        %parallel_loop3A_44 = vector.broadcast %parallel_loop3A_43 : i32 to vector<16xi32>
        %parallel_loop3A_45 = arith.divsi %iota3A, %parallel_loop3A_44 : vector<16xi32>
        %parallel_loop3A_46 = arith.constant 0 : i32
        %parallel_loop3A_47 = vector.broadcast %parallel_loop3A_46 : i32 to vector<16xi32>
        %parallel_loop3A_48 = arith.cmpi sgt, %iota3A, %parallel_loop3A_47 : vector<16xi32>
        %parallel_loop3A_49 = arith.extui %parallel_loop3A_48 : vector<16xi1> to vector<16xi32>
        %parallel_loop3A_50 = arith.constant 0 : i32
        %parallel_loop3A_51 = vector.broadcast %parallel_loop3A_50 : i32 to vector<16xi32>
        %parallel_loop3A_52 = arith.cmpi slt, %iota3A, %parallel_loop3A_51 : vector<16xi32>
        %parallel_loop3A_53 = arith.extui %parallel_loop3A_52 : vector<16xi1> to vector<16xi32>
        %parallel_loop3A_54 = arith.subi %parallel_loop3A_49, %parallel_loop3A_53 : vector<16xi32>
        %parallel_loop3A_55 = arith.constant 0 : i32
        %parallel_loop3A_56 = arith.cmpi sgt, %parallel_loop3A_43, %parallel_loop3A_55 : i32
        %parallel_loop3A_57 = arith.extui %parallel_loop3A_56 : i1 to i32
        %parallel_loop3A_58 = arith.constant 0 : i32
        %parallel_loop3A_59 = arith.cmpi slt, %parallel_loop3A_43, %parallel_loop3A_58 : i32
        %parallel_loop3A_60 = arith.extui %parallel_loop3A_59 : i1 to i32
        %parallel_loop3A_61 = arith.subi %parallel_loop3A_57, %parallel_loop3A_60 : i32
        %parallel_loop3A_62 = vector.broadcast %parallel_loop3A_61 : i32 to vector<16xi32>
        %parallel_loop3A_63 = arith.cmpi ne, %parallel_loop3A_54, %parallel_loop3A_62 : vector<16xi32>
        %parallel_loop3A_64 = vector.broadcast %parallel_loop3A_43 : i32 to vector<16xi32>
        %parallel_loop3A_65 = arith.remsi %iota3A, %parallel_loop3A_64 : vector<16xi32>
        %parallel_loop3A_66 = arith.constant 0 : i32
        %parallel_loop3A_67 = vector.broadcast %parallel_loop3A_66 : i32 to vector<16xi32>
        %parallel_loop3A_68 = arith.cmpi ne, %parallel_loop3A_65, %parallel_loop3A_67 : vector<16xi32>
        %parallel_loop3A_69 = arith.andi %parallel_loop3A_63, %parallel_loop3A_68 : vector<16xi1>
        %parallel_loop3A_70 = arith.constant 1 : i32
        %parallel_loop3A_71 = vector.broadcast %parallel_loop3A_70 : i32 to vector<16xi32>
        %parallel_loop3A_72 = arith.subi %parallel_loop3A_45, %parallel_loop3A_71 : vector<16xi32>
        %parallel_loop3A_73 = arith.select %parallel_loop3A_69, %parallel_loop3A_72, %parallel_loop3A_45 : vector<16xi1>, vector<16xi32>
        %parallel_loop3A_74 = vector.broadcast %parallel_loop3A_42 : i32 to vector<16xi32>
        %parallel_loop3A_75 = arith.addi %parallel_loop3A_74, %parallel_loop3A_73 : vector<16xi32>
        %parallel_loop3A_76 = arith.constant 4 : i32
        %parallel_loop3A_77 = arith.constant 0 : i32
        %parallel_loop3A_78 = arith.cmpi eq, %parallel_loop3A_76, %parallel_loop3A_77 : i32
        %parallel_loop3A_79 = arith.constant 1 : i32
        %parallel_loop3A_80 = arith.select %parallel_loop3A_78, %parallel_loop3A_79, %parallel_loop3A_76 : i32
        %parallel_loop3A_81 = vector.broadcast %parallel_loop3A_80 : i32 to vector<16xi32>
        %parallel_loop3A_82 = arith.remsi %iota3A, %parallel_loop3A_81 : vector<16xi32>
        %parallel_loop3A_83 = arith.constant 0 : i32
        %parallel_loop3A_84 = vector.broadcast %parallel_loop3A_83 : i32 to vector<16xi32>
        %parallel_loop3A_85 = arith.cmpi ne, %parallel_loop3A_82, %parallel_loop3A_84 : vector<16xi32>
        %parallel_loop3A_86 = arith.constant 0 : i32
        %parallel_loop3A_87 = vector.broadcast %parallel_loop3A_86 : i32 to vector<16xi32>
        %parallel_loop3A_88 = arith.cmpi slt, %parallel_loop3A_82, %parallel_loop3A_87 : vector<16xi32>
        %parallel_loop3A_89 = arith.constant 0 : i32
        %parallel_loop3A_90 = arith.cmpi slt, %parallel_loop3A_80, %parallel_loop3A_89 : i32
        %parallel_loop3A_91 = vector.broadcast %parallel_loop3A_90 : i1 to vector<16xi1>
        %parallel_loop3A_92 = vector.broadcast %parallel_loop3A_91 : vector<16xi1> to vector<16xi1>
        %parallel_loop3A_93 = arith.xori %parallel_loop3A_88, %parallel_loop3A_92 : vector<16xi1>
        %parallel_loop3A_94 = arith.andi %parallel_loop3A_93, %parallel_loop3A_85 : vector<16xi1>
        %parallel_loop3A_95 = vector.broadcast %parallel_loop3A_80 : i32 to vector<16xi32>
        %parallel_loop3A_96 = arith.addi %parallel_loop3A_82, %parallel_loop3A_95 : vector<16xi32>
        %parallel_loop3A_97 = arith.select %parallel_loop3A_94, %parallel_loop3A_96, %parallel_loop3A_82 : vector<16xi1>, vector<16xi32>
        %parallel_loop3A_98 = tpu.vector_load_idx %arg7[%parallel_loop3A_75] : memref<512xi32, #tpu.memory_space<vmem>>[vector<16xi32>], vector<16xi32>,
        %parallel_loop3A_99 = tpu.vector_load_idx %arg6[%parallel_loop3A_98, %parallel_loop3A_97] : memref<10000x4xf32, #tpu.memory_space<vmem>>[vector<16xi32>, vector<16xi32>], vector<16xf32>,
        %parallel_loop3A_100 = tpu.vector_load_idx %arg8[%parallel_loop3A_75, %parallel_loop3A_97] : memref<512x16xf32, #tpu.memory_space<vmem>>[vector<16xi32>, vector<16xi32>], vector<16xf32>,
        %parallel_loop3A_101 = arith.constant 1.000000e-16 : f32
        %parallel_loop3A_102 = vector.broadcast %parallel_loop3A_101 : f32 to vector<16xf32>
        %parallel_loop3A_103 = arith.addf %parallel_loop3A_99, %parallel_loop3A_102 : vector<16xf32>
        %parallel_loop3A_104 = arith.divf %parallel_loop3A_100, %parallel_loop3A_103 : vector<16xf32>
        tpu.vector_store_idx %arg9[%parallel_loop3A_75, %parallel_loop3A_97], %parallel_loop3A_104 : memref<512x4xf32, #tpu.memory_space<vmem>>[vector<16xi32>, vector<16xi32>], vector<16xf32>,
      } {sc.loop_unroll_factor = 4 : i64, sc.parallel_access}
      "tpu.region"() ({
        %run_scoped3A = tpu.sem_alloc : memref<!tpu.dma_semaphore, #tpu.memory_space<semaphore_mem>>
        %dma_start3A = arith.constant 0 : i32
        %dma_start3A_40 = tpu.memref_slice %arg5[%mul3A_37, %dma_start3A] : memref<320000x4xf32, #tpu.memory_space<hbm>> -> memref<512x4xf32, #tpu.memory_space<hbm>>
        %dma_start3A_41 = arith.constant 0 : i32
        %dma_start3A_42 = tpu.memref_slice %arg5[%mul3A_37, %dma_start3A_41] : memref<320000x4xf32, #tpu.memory_space<hbm>> -> memref<512x4xf32, #tpu.memory_space<hbm>>
        tpu.enqueue_dma source(%arg9 : memref<512x4xf32, #tpu.memory_space<vmem>>) target(%dma_start3A_42 : memref<512x4xf32, #tpu.memory_space<hbm>>) target_semaphore(%run_scoped3A : memref<!tpu.dma_semaphore, #tpu.memory_space<semaphore_mem>>)
        %dma_wait3A = arith.constant 0 : i32
        %dma_wait3A_43 = tpu.memref_slice %arg5[%mul3A_37, %dma_wait3A] : memref<320000x4xf32, #tpu.memory_space<hbm>> -> memref<512x4xf32, #tpu.memory_space<hbm>>
        %dma_wait3A_44 = arith.constant 0 : i32
        %dma_wait3A_45 = tpu.memref_slice %arg5[%mul3A_37, %dma_wait3A_44] : memref<320000x4xf32, #tpu.memory_space<hbm>> -> memref<512x4xf32, #tpu.memory_space<hbm>>
        tpu.wait_dma2 semaphore(%run_scoped3A : memref<!tpu.dma_semaphore, #tpu.memory_space<semaphore_mem>>) src(%arg9 : memref<512x4xf32, #tpu.memory_space<vmem>>) dst(%dma_wait3A_45 : memref<512x4xf32, #tpu.memory_space<hbm>>)
        tpu.yield
      }) : () -> ()
    }
    return
  }
}

module attributes {stable_mosaic.version = 14 : i64} {
  func.func @_dense_body(%arg0: memref<10000x128xf32, #tpu.memory_space<vmem>>, %arg1: memref<128x64xf32, #tpu.memory_space<vmem>>, %arg2: memref<64xf32, #tpu.memory_space<vmem>>, %arg3: memref<128x64xf32, #tpu.memory_space<vmem>>, %arg4: memref<64xf32, #tpu.memory_space<vmem>>, %arg5: memref<10000x64xf32, #tpu.memory_space<vmem>>, %arg6: memref<10000x64xf32, #tpu.memory_space<vmem>>) attributes {dimension_semantics = [], scalar_prefetch = 0 : i64, scratch_operands = 0 : i64, tpu.core_type = #tpu.core_type<tc>} {
    %get3A = arith.constant 0 : index
    %get3A_0 = arith.constant 0 : index
    %get3A_1 = vector.load %arg0[%get3A, %get3A_0] : memref<10000x128xf32, #tpu.memory_space<vmem>>, vector<10000x128xf32>
    %get3A_2 = arith.constant 0 : index
    %get3A_3 = arith.constant 0 : index
    %get3A_4 = vector.load %arg1[%get3A_2, %get3A_3] : memref<128x64xf32, #tpu.memory_space<vmem>>, vector<128x64xf32>
    %dot_general3A = arith.constant dense<0.000000e+00> : vector<10000x64xf32>
    %dot_general3A_5 = tpu.matmul %get3A_1, %get3A_4, %dot_general3A {dimension_numbers = #tpu.dot_dimension_numbers<[1], [0], [0], [1], [0, 0, 1, 1], [], []>, transpose_lhs_hint = false} : vector<10000x128xf32>, vector<128x64xf32>, vector<10000x64xf32> -> vector<10000x64xf32>
    %get3A_6 = arith.constant 0 : index
    %get3A_7 = vector.load %arg2[%get3A_6] : memref<64xf32, #tpu.memory_space<vmem>>, vector<64xf32>
    %broadcast_in_dim3A = vector.shape_cast %get3A_7 : vector<64xf32> to vector<1x64xf32>
    %add3A = vector.broadcast %broadcast_in_dim3A : vector<1x64xf32> to vector<10000x64xf32>
    %add3A_8 = arith.addf %dot_general3A_5, %add3A : vector<10000x64xf32>
    %swap3A = arith.constant 0 : index
    %swap3A_9 = arith.constant 0 : index
    %swap3A_10 = vector.load %arg5[%swap3A, %swap3A_9] : memref<10000x64xf32, #tpu.memory_space<vmem>>, vector<10000x64xf32>
    tpu.vector_store %arg5[%swap3A, %swap3A_9], %add3A_8 {strides = array<i32>} : memref<10000x64xf32, #tpu.memory_space<vmem>>, vector<10000x64xf32>,
    %get3A_11 = arith.constant 0 : index
    %get3A_12 = arith.constant 0 : index
    %get3A_13 = vector.load %arg3[%get3A_11, %get3A_12] : memref<128x64xf32, #tpu.memory_space<vmem>>, vector<128x64xf32>
    %dot_general3A_14 = arith.constant dense<0.000000e+00> : vector<10000x64xf32>
    %dot_general3A_15 = tpu.matmul %get3A_1, %get3A_13, %dot_general3A_14 {dimension_numbers = #tpu.dot_dimension_numbers<[1], [0], [0], [1], [0, 0, 1, 1], [], []>, transpose_lhs_hint = false} : vector<10000x128xf32>, vector<128x64xf32>, vector<10000x64xf32> -> vector<10000x64xf32>
    %get3A_16 = arith.constant 0 : index
    %get3A_17 = vector.load %arg4[%get3A_16] : memref<64xf32, #tpu.memory_space<vmem>>, vector<64xf32>
    %broadcast_in_dim3A_18 = vector.shape_cast %get3A_17 : vector<64xf32> to vector<1x64xf32>
    %add3A_19 = vector.broadcast %broadcast_in_dim3A_18 : vector<1x64xf32> to vector<10000x64xf32>
    %add3A_20 = arith.addf %dot_general3A_15, %add3A_19 : vector<10000x64xf32>
    %swap3A_21 = arith.constant 0 : index
    %swap3A_22 = arith.constant 0 : index
    %swap3A_23 = vector.load %arg6[%swap3A_21, %swap3A_22] : memref<10000x64xf32, #tpu.memory_space<vmem>>, vector<10000x64xf32>
    tpu.vector_store %arg6[%swap3A_21, %swap3A_22], %add3A_20 {strides = array<i32>} : memref<10000x64xf32, #tpu.memory_space<vmem>>, vector<10000x64xf32>,
    return
  }
}

module attributes {stable_mosaic.version = 14 : i64} {
  func.func @_post_body(%arg0: memref<2x10000x64xf32, #tpu.memory_space<vmem>>, %arg1: memref<2x10000x16xf32, #tpu.memory_space<vmem>>, %arg2: memref<64xf32, #tpu.memory_space<vmem>>, %arg3: memref<64xf32, #tpu.memory_space<vmem>>, %arg4: memref<64xf32, #tpu.memory_space<vmem>>, %arg5: memref<10000x64xf32, #tpu.memory_space<vmem>>, %arg6: memref<10000x4xf32, #tpu.memory_space<vmem>>) attributes {dimension_semantics = [], scalar_prefetch = 0 : i64, scratch_operands = 0 : i64, tpu.core_type = #tpu.core_type<tc>} {
    %get3A = arith.constant 0 : index
    %get3A_0 = arith.constant 0 : index
    %get3A_1 = arith.constant 0 : index
    %get3A_2 = vector.load %arg0[%get3A, %get3A_0, %get3A_1] : memref<2x10000x64xf32, #tpu.memory_space<vmem>>, vector<1x10000x64xf32>
    %get3A_3 = vector.shape_cast %get3A_2 : vector<1x10000x64xf32> to vector<10000x64xf32>
    %get3A_4 = arith.constant 1 : index
    %get3A_5 = arith.constant 0 : index
    %get3A_6 = arith.constant 0 : index
    %get3A_7 = vector.load %arg0[%get3A_4, %get3A_5, %get3A_6] : memref<2x10000x64xf32, #tpu.memory_space<vmem>>, vector<1x10000x64xf32>
    %get3A_8 = vector.shape_cast %get3A_7 : vector<1x10000x64xf32> to vector<10000x64xf32>
    %add3A = arith.addf %get3A_3, %get3A_8 : vector<10000x64xf32>
    %get3A_9 = arith.constant 0 : index
    %get3A_10 = arith.constant 0 : index
    %get3A_11 = arith.constant 0 : index
    %get3A_12 = vector.load %arg1[%get3A_9, %get3A_10, %get3A_11] : memref<2x10000x16xf32, #tpu.memory_space<vmem>>, vector<1x10000x16xf32>
    %get3A_13 = vector.shape_cast %get3A_12 : vector<1x10000x16xf32> to vector<10000x16xf32>
    %get3A_14 = arith.constant 1 : index
    %get3A_15 = arith.constant 0 : index
    %get3A_16 = arith.constant 0 : index
    %get3A_17 = vector.load %arg1[%get3A_14, %get3A_15, %get3A_16] : memref<2x10000x16xf32, #tpu.memory_space<vmem>>, vector<1x10000x16xf32>
    %get3A_18 = vector.shape_cast %get3A_17 : vector<1x10000x16xf32> to vector<10000x16xf32>
    %add3A_19 = arith.addf %get3A_13, %get3A_18 : vector<10000x16xf32>
    %slice3A = vector.extract_strided_slice %add3A_19 {offsets = [0, 0], sizes = [10000, 4], strides = [1, 1]} : vector<10000x16xf32> to vector<10000x4xf32>
    %swap3A = arith.constant 0 : index
    %swap3A_20 = arith.constant 0 : index
    %swap3A_21 = vector.load %arg6[%swap3A, %swap3A_20] : memref<10000x4xf32, #tpu.memory_space<vmem>>, vector<10000x4xf32>
    tpu.vector_store %arg6[%swap3A, %swap3A_20], %slice3A {strides = array<i32>} : memref<10000x4xf32, #tpu.memory_space<vmem>>, vector<10000x4xf32>,
    %slice3A_22 = vector.extract_strided_slice %slice3A {offsets = [0, 0], sizes = [10000, 1], strides = [1, 1]} : vector<10000x4xf32> to vector<10000x1xf32>
    %add3A_23 = arith.constant 1.000000e-16 : f32
    %add3A_24 = vector.broadcast %add3A_23 : f32 to vector<10000x1xf32>
    %add3A_25 = arith.addf %slice3A_22, %add3A_24 : vector<10000x1xf32>
    %broadcast_in_dim3A = vector.shape_cast %add3A_25 : vector<10000x1xf32> to vector<10000x1xf32>
    %broadcast_in_dim3A_26 = vector.broadcast %broadcast_in_dim3A : vector<10000x1xf32> to vector<10000x16xf32>
    %slice3A_27 = vector.extract_strided_slice %slice3A {offsets = [0, 1], sizes = [10000, 1], strides = [1, 1]} : vector<10000x4xf32> to vector<10000x1xf32>
    %add3A_28 = arith.constant 1.000000e-16 : f32
    %add3A_29 = vector.broadcast %add3A_28 : f32 to vector<10000x1xf32>
    %add3A_30 = arith.addf %slice3A_27, %add3A_29 : vector<10000x1xf32>
    %broadcast_in_dim3A_31 = vector.shape_cast %add3A_30 : vector<10000x1xf32> to vector<10000x1xf32>
    %broadcast_in_dim3A_32 = vector.broadcast %broadcast_in_dim3A_31 : vector<10000x1xf32> to vector<10000x16xf32>
    %slice3A_33 = vector.extract_strided_slice %slice3A {offsets = [0, 2], sizes = [10000, 1], strides = [1, 1]} : vector<10000x4xf32> to vector<10000x1xf32>
    %add3A_34 = arith.constant 1.000000e-16 : f32
    %add3A_35 = vector.broadcast %add3A_34 : f32 to vector<10000x1xf32>
    %add3A_36 = arith.addf %slice3A_33, %add3A_35 : vector<10000x1xf32>
    %broadcast_in_dim3A_37 = vector.shape_cast %add3A_36 : vector<10000x1xf32> to vector<10000x1xf32>
    %broadcast_in_dim3A_38 = vector.broadcast %broadcast_in_dim3A_37 : vector<10000x1xf32> to vector<10000x16xf32>
    %slice3A_39 = vector.extract_strided_slice %slice3A {offsets = [0, 3], sizes = [10000, 1], strides = [1, 1]} : vector<10000x4xf32> to vector<10000x1xf32>
    %add3A_40 = arith.constant 1.000000e-16 : f32
    %add3A_41 = vector.broadcast %add3A_40 : f32 to vector<10000x1xf32>
    %add3A_42 = arith.addf %slice3A_39, %add3A_41 : vector<10000x1xf32>
    %broadcast_in_dim3A_43 = vector.shape_cast %add3A_42 : vector<10000x1xf32> to vector<10000x1xf32>
    %broadcast_in_dim3A_44 = vector.broadcast %broadcast_in_dim3A_43 : vector<10000x1xf32> to vector<10000x16xf32>
    %concatenate3A = tpu.concatenate %broadcast_in_dim3A_26, %broadcast_in_dim3A_32, %broadcast_in_dim3A_38, %broadcast_in_dim3A_44 in 1 : vector<10000x16xf32>, vector<10000x16xf32>, vector<10000x16xf32>, vector<10000x16xf32> -> vector<10000x64xf32>
    %div3A = arith.divf %add3A, %concatenate3A : vector<10000x64xf32>
    %get3A_45 = arith.constant 0 : index
    %get3A_46 = vector.load %arg2[%get3A_45] : memref<64xf32, #tpu.memory_space<vmem>>, vector<64xf32>
    %broadcast_in_dim3A_47 = vector.shape_cast %get3A_46 : vector<64xf32> to vector<1x64xf32>
    %add3A_48 = vector.broadcast %broadcast_in_dim3A_47 : vector<1x64xf32> to vector<10000x64xf32>
    %add3A_49 = arith.addf %div3A, %add3A_48 : vector<10000x64xf32>
    %reduce_sum3A = arith.constant dense<0.000000e+00> : vector<64xf32>
    %reduce_sum3A_50 = vector.multi_reduction <add>, %add3A_49, %reduce_sum3A [0] : vector<10000x64xf32> to vector<64xf32>
    %div3A_51 = arith.constant 1.000000e+04 : f32
    %div3A_52 = vector.broadcast %div3A_51 : f32 to vector<64xf32>
    %div3A_53 = arith.divf %reduce_sum3A_50, %div3A_52 : vector<64xf32>
    %broadcast_in_dim3A_54 = vector.shape_cast %div3A_53 : vector<64xf32> to vector<1x64xf32>
    %sub3A = vector.broadcast %broadcast_in_dim3A_54 : vector<1x64xf32> to vector<10000x64xf32>
    %sub3A_55 = arith.subf %add3A_49, %sub3A : vector<10000x64xf32>
    %integer_pow3A = arith.mulf %sub3A_55, %sub3A_55 : vector<10000x64xf32>
    %reduce_sum3A_56 = arith.constant dense<0.000000e+00> : vector<64xf32>
    %reduce_sum3A_57 = vector.multi_reduction <add>, %integer_pow3A, %reduce_sum3A_56 [0] : vector<10000x64xf32> to vector<64xf32>
    %div3A_58 = arith.constant 1.000000e+04 : f32
    %div3A_59 = vector.broadcast %div3A_58 : f32 to vector<64xf32>
    %div3A_60 = arith.divf %reduce_sum3A_57, %div3A_59 : vector<64xf32>
    %broadcast_in_dim3A_61 = vector.shape_cast %div3A_53 : vector<64xf32> to vector<1x64xf32>
    %sub3A_62 = vector.broadcast %broadcast_in_dim3A_61 : vector<1x64xf32> to vector<10000x64xf32>
    %sub3A_63 = arith.subf %add3A_49, %sub3A_62 : vector<10000x64xf32>
    %add3A_64 = arith.constant 9.99999974E-6 : f32
    %add3A_65 = vector.broadcast %add3A_64 : f32 to vector<64xf32>
    %add3A_66 = arith.addf %div3A_60, %add3A_65 : vector<64xf32>
    %sqrt3A = math.sqrt %add3A_66 : vector<64xf32>
    %broadcast_in_dim3A_67 = vector.shape_cast %sqrt3A : vector<64xf32> to vector<1x64xf32>
    %div3A_68 = vector.broadcast %broadcast_in_dim3A_67 : vector<1x64xf32> to vector<10000x64xf32>
    %div3A_69 = arith.divf %sub3A_63, %div3A_68 : vector<10000x64xf32>
    %get3A_70 = arith.constant 0 : index
    %get3A_71 = vector.load %arg3[%get3A_70] : memref<64xf32, #tpu.memory_space<vmem>>, vector<64xf32>
    %broadcast_in_dim3A_72 = vector.shape_cast %get3A_71 : vector<64xf32> to vector<1x64xf32>
    %mul3A = vector.broadcast %broadcast_in_dim3A_72 : vector<1x64xf32> to vector<10000x64xf32>
    %mul3A_73 = arith.mulf %div3A_69, %mul3A : vector<10000x64xf32>
    %get3A_74 = arith.constant 0 : index
    %get3A_75 = vector.load %arg4[%get3A_74] : memref<64xf32, #tpu.memory_space<vmem>>, vector<64xf32>
    %broadcast_in_dim3A_76 = vector.shape_cast %get3A_75 : vector<64xf32> to vector<1x64xf32>
    %add3A_77 = vector.broadcast %broadcast_in_dim3A_76 : vector<1x64xf32> to vector<10000x64xf32>
    %add3A_78 = arith.addf %mul3A_73, %add3A_77 : vector<10000x64xf32>
    %mul3A_79 = arith.constant 0.00999999977 : f32
    %mul3A_80 = vector.broadcast %mul3A_79 : f32 to vector<10000x64xf32>
    %mul3A_81 = arith.mulf %mul3A_80, %add3A_78 : vector<10000x64xf32>
    %max3A = arith.maximumf %add3A_78, %mul3A_81 : vector<10000x64xf32>
    %swap3A_82 = arith.constant 0 : index
    %swap3A_83 = arith.constant 0 : index
    %swap3A_84 = vector.load %arg5[%swap3A_82, %swap3A_83] : memref<10000x64xf32, #tpu.memory_space<vmem>>, vector<10000x64xf32>
    tpu.vector_store %arg5[%swap3A_82, %swap3A_83], %max3A {strides = array<i32>} : memref<10000x64xf32, #tpu.memory_space<vmem>>, vector<10000x64xf32>,
    return
  }
}

module attributes {stable_mosaic.version = 14 : i64} {
  func.func @_conv_body(%arg0: memref<10000x128xf32, #tpu.memory_space<vmem>>, %arg1: memref<128x64xf32, #tpu.memory_space<vmem>>, %arg2: memref<128x64xf32, #tpu.memory_space<vmem>>, %arg3: memref<128x64xf32, #tpu.memory_space<vmem>>, %arg4: memref<64xf32, #tpu.memory_space<vmem>>, %arg5: memref<10000x64xf32, #tpu.memory_space<vmem>>) attributes {dimension_semantics = [], scalar_prefetch = 0 : i64, scratch_operands = 0 : i64, tpu.core_type = #tpu.core_type<tc>} {
    %get3A = arith.constant 0 : index
    %get3A_0 = arith.constant 0 : index
    %get3A_1 = vector.load %arg0[%get3A, %get3A_0] : memref<10000x128xf32, #tpu.memory_space<vmem>>, vector<10000x128xf32>
    %get3A_2 = arith.constant 0 : index
    %get3A_3 = arith.constant 0 : index
    %get3A_4 = vector.load %arg1[%get3A_2, %get3A_3] : memref<128x64xf32, #tpu.memory_space<vmem>>, vector<128x64xf32>
    %dot_general3A = arith.constant dense<0.000000e+00> : vector<10000x64xf32>
    %dot_general3A_5 = tpu.matmul %get3A_1, %get3A_4, %dot_general3A {dimension_numbers = #tpu.dot_dimension_numbers<[1], [0], [0], [1], [0, 0, 1, 1], [], []>, transpose_lhs_hint = false} : vector<10000x128xf32>, vector<128x64xf32>, vector<10000x64xf32> -> vector<10000x64xf32>
    %get3A_6 = arith.constant 0 : index
    %get3A_7 = arith.constant 0 : index
    %get3A_8 = vector.load %arg2[%get3A_6, %get3A_7] : memref<128x64xf32, #tpu.memory_space<vmem>>, vector<128x64xf32>
    %dot_general3A_9 = arith.constant dense<0.000000e+00> : vector<10000x64xf32>
    %dot_general3A_10 = tpu.matmul %get3A_1, %get3A_8, %dot_general3A_9 {dimension_numbers = #tpu.dot_dimension_numbers<[1], [0], [0], [1], [0, 0, 1, 1], [], []>, transpose_lhs_hint = false} : vector<10000x128xf32>, vector<128x64xf32>, vector<10000x64xf32> -> vector<10000x64xf32>
    %get3A_11 = arith.constant 0 : index
    %get3A_12 = arith.constant 0 : index
    %get3A_13 = vector.load %arg3[%get3A_11, %get3A_12] : memref<128x64xf32, #tpu.memory_space<vmem>>, vector<128x64xf32>
    %dot_general3A_14 = arith.constant dense<0.000000e+00> : vector<10000x64xf32>
    %dot_general3A_15 = tpu.matmul %get3A_1, %get3A_13, %dot_general3A_14 {dimension_numbers = #tpu.dot_dimension_numbers<[1], [0], [0], [1], [0, 0, 1, 1], [], []>, transpose_lhs_hint = false} : vector<10000x128xf32>, vector<128x64xf32>, vector<10000x64xf32> -> vector<10000x64xf32>
    %broadcast_in_dim3A = arith.constant 0.000000e+00 : f32
    %broadcast_in_dim3A_16 = vector.broadcast %broadcast_in_dim3A : f32 to vector<1x64xf32>
    %slice3A = vector.extract_strided_slice %dot_general3A_5 {offsets = [0, 0], sizes = [9999, 64], strides = [1, 1]} : vector<10000x64xf32> to vector<9999x64xf32>
    %concatenate3A = tpu.concatenate %broadcast_in_dim3A_16, %slice3A in 0 : vector<1x64xf32>, vector<9999x64xf32> -> vector<10000x64xf32>
    %add3A = arith.addf %dot_general3A_10, %concatenate3A : vector<10000x64xf32>
    %slice3A_17 = vector.extract_strided_slice %dot_general3A_15 {offsets = [1, 0], sizes = [9999, 64], strides = [1, 1]} : vector<10000x64xf32> to vector<9999x64xf32>
    %concatenate3A_18 = tpu.concatenate %slice3A_17, %broadcast_in_dim3A_16 in 0 : vector<9999x64xf32>, vector<1x64xf32> -> vector<10000x64xf32>
    %add3A_19 = arith.addf %add3A, %concatenate3A_18 : vector<10000x64xf32>
    %get3A_20 = arith.constant 0 : index
    %get3A_21 = vector.load %arg4[%get3A_20] : memref<64xf32, #tpu.memory_space<vmem>>, vector<64xf32>
    %broadcast_in_dim3A_22 = vector.shape_cast %get3A_21 : vector<64xf32> to vector<1x64xf32>
    %add3A_23 = vector.broadcast %broadcast_in_dim3A_22 : vector<1x64xf32> to vector<10000x64xf32>
    %add3A_24 = arith.addf %add3A_19, %add3A_23 : vector<10000x64xf32>
    %max3A = arith.constant 0.000000e+00 : f32
    %max3A_25 = vector.broadcast %max3A : f32 to vector<10000x64xf32>
    %max3A_26 = arith.maximumf %add3A_24, %max3A_25 : vector<10000x64xf32>
    %swap3A = arith.constant 0 : index
    %swap3A_27 = arith.constant 0 : index
    %swap3A_28 = vector.load %arg5[%swap3A, %swap3A_27] : memref<10000x64xf32, #tpu.memory_space<vmem>>, vector<10000x64xf32>
    tpu.vector_store %arg5[%swap3A, %swap3A_27], %max3A_26 {strides = array<i32>} : memref<10000x64xf32, #tpu.memory_space<vmem>>, vector<10000x64xf32>,
    return
  }
}

</mosaic_0001>

<sc_bundles>
// kernel: kernel.10.cloned.1.call-start
scs
__scs_entry_jumppad:
0x0: {  	(pc) =	sbr.rel $0x88, $3  }
0x1: {  	(tag) =	ssettag $0x0;
	lr =	simm.s32 $0x1  }
0x2: {  	[smem:$0x3F95] =	sst lr;
	_ =	strace $0xD0000000  }
0x3: {  	_ = 	snop  }
0x4: {  	_ = 	snop  }
0x5: {  	_ = 	snop  }
0x6: {  	_ = 	snop  }
0x7: {  	_ = 	snop  }
__scs_overlays_trampoline_lowered:
0x8: {  	[smem:$0x3FA4] =	sst s0  }
0x9: {  	[smem:$0x3FA5] =	sst s1  }
0xa: {  	[smem:$0x3FA6] =	sst s2  }
0xb: {  	[smem:$0x3FA7] =	sst s3  }
0xc: {  	[smem:$0x3FA8] =	sst s4  }
0xd: {  	[smem:$0x3FA9] =	sst s5  }
0xe: {  	[smem:$0x3FAA] =	sst s6  }
0xf: {  	[smem:$0x3FAB] =	sst s7  }
0x10: {  	[smem:$0x3FAC] =	sst s8  }
0x11: {  	[smem:$0x3FAD] =	sst s9;
	s0 =	simm.s32 @!p0 $0x0  }
0x12: {  	s1 =	sld [smem:$0x3F93];
	s0 =	simm.s32 @p0 $0x1  }
0x13: {  	[smem:$0x3FAE] =	sst s0;
	s0 =	simm.s32 @!p1 $0x0  }
0x14: {  	s2 =	sld [smem:$0x3F92];
	s0 =	simm.s32 @p1 $0x1  }
0x15: {  	[smem:$0x3FAF] =	sst s0;
	s0 =	simm.s32 @!p2 $0x0  }
0x16: {  	s3 =	sld [smem:$0x3FDB];
	s0 =	simm.s32 @p2 $0x1  }
0x17: {  	s4 =	simm.s32 $0x1BF5;
	[smem:$0x3FB1] =	sst s0  }
0x18: {  	s0 =	sld [smem:$0x3F94];
	_ =	swait.ge [sflag:s4], $0x0  }
0x19: {  	s7 =	sld [smem:$0x3F95]  }
0x1a: {  	s8 =	sadd.s32 $0xFFFFE003, lr  }
0x1b: {  	s9 =	sadd.s32 $0xFFFFFEF7, lr;
	s5 =	simm.s32 $0xFFFFFFFF;
	p2 =	slt.u32 s8, $0xFFFFF086  }
0x1c: {  	p1 =	slt.u32 s9, $0xF7A;
	s5 =	simm.s32 @!p2 $0x0  }
0x1d: {  	s5 =	simm.s32 @p1 $0x1;
	p0 =	seq.s32 s7, s2  }
0x1e: {  	s7 =	smul.u32 @!p0 $0xF7A, s2;
	p2 =	seq.s32 @!p0 s5, $0x0  }
0x1f: {  	s9 =	smul.u32 $0xF7A, s1;
	s8 =	simm.s32 @!p0 $0x1BF5;
	p2 =	por !p2, p0  }
0x20: {  	[sflag:s8] =	ssyncset.s32 @!p0 $0xFFFFF086;
	s6 =	sadd.s32 @!p0 s3, s7;
	s7 =	simm.s32 @!p0 $0x108  }
0x21: {  	s3 =	sadd.s32 s3, s9;
	s6 =	sadd.s32 @!p0 $0x88, s6;
	s7 =	simm.s32 @p2 $0x1082  }
0x22: {  	[simem:s7], [sflag:s8] =	dma.local @!p0 [hbm:s6], $0xF7A  }
0x23: {  	s9 =	sor.u32 $0xD0000000, s2;
	s6 =	simm.s32 $0x108;
	_ =	swait.ge @!p0 [sflag:s8], $0x0  }
0x24: {  	s3 =	sadd.s32 $0x88, s3;
	s6 =	simm.s32 @!p1 $0x1082;
	[sflag:s4] =	ssyncset.s32 $0xFFFFF086  }
0x25: {  	[simem:s6], [sflag:s4] =	dma.local [hbm:s3], $0xF7A  }
0x26: {  	[smem:$0x3F95] =	sst s1;
	(tag) =	ssettag s2;
	_ =	strace s9  }
0x27: {  	s1 =	sld [smem:$0x3FA5]  }
0x28: {  	s2 =	sld [smem:$0x3FA6]  }
0x29: {  	s4 =	sld [smem:$0x3FA8]  }
0x2a: {  	p0 =	seq.s32 s5, $0x0;
	s5 =	sld [smem:$0x3FA9]  }
0x2b: {  	s6 =	sld [smem:$0x3FAA]  }
0x2c: {  	s7 =	sld [smem:$0x3FAB]  }
0x2d: {  	s3 =	simm.s32 $0x108;
	s8 =	sld [smem:$0x3FAC]  }
0x2e: {  	s3 =	simm.s32 @!p0 $0x1082;
	s9 =	sld [smem:$0x3FAD]  }
0x2f: {  	lr =	sadd.s32 s0, s3;
	s0 =	sld [smem:$0x3FA4]  }
0x30: {  	s3 =	sld [smem:$0x3FA7]  }
0x31: {  	[smem:$0x3FB0] =	sst s10  }
0x32: {  	s10 =	sld [smem:$0x3FAE];
	_ =	sdelay $0x3  }
0x33: {  	p0 =	seq.s32 s10, $0x1;
	s10 =	sld [smem:$0x3FB0];
	_ =	sdelay $0x3  }
0x34: {  	[smem:$0x3FB0] =	sst s10  }
0x35: {  	s10 =	sld [smem:$0x3FAF];
	_ =	sdelay $0x3  }
0x36: {  	p1 =	seq.s32 s10, $0x1;
	s10 =	sld [smem:$0x3FB0];
	_ =	sdelay $0x3  }
0x37: {  	[smem:$0x3FB0] =	sst s10  }
0x38: {  	s10 =	sld [smem:$0x3FB1]  }
0x39: {  	_ = 	snop;
	(pc) =	sbr.ind lr, $3  }
0x3a: {  	_ = 	snop  }
0x3b: {  	_ = 	snop  }
0x3c: {  	p2 =	seq.s32 s10, $0x1;
	s10 =	sld [smem:$0x3FB0]  }
0x3d: {  	_ =	shalt  }
0x3e: {  	_ =	shalt  }
0x3f: {  	_ =	shalt  }
0x40: {  	_ =	shalt  }
0x41: {  	_ =	shalt  }
0x42: {  	_ =	shalt  }
0x43: {  	_ =	shalt  }
0x44: {  	_ =	shalt  }
0x45: {  	_ =	shalt  }
0x46: {  	_ =	shalt  }
0x47: {  	_ =	shalt  }
0x48: {  	_ =	shalt  }
0x49: {  	_ =	shalt  }
0x4a: {  	_ =	shalt  }
0x4b: {  	_ =	shalt  }
0x4c: {  	_ =	shalt  }
0x4d: {  	_ =	shalt  }
0x4e: {  	_ =	shalt  }
0x4f: {  	_ =	shalt  }
0x50: {  	_ =	shalt  }
0x51: {  	_ =	shalt  }
0x52: {  	_ =	shalt  }
0x53: {  	_ =	shalt  }
0x54: {  	_ =	shalt  }
0x55: {  	_ =	shalt  }
0x56: {  	_ =	shalt  }
0x57: {  	_ =	shalt  }
0x58: {  	_ =	shalt  }
0x59: {  	_ =	shalt  }
0x5a: {  	_ =	shalt  }
0x5b: {  	_ =	shalt  }
0x5c: {  	_ =	shalt  }
0x5d: {  	_ =	shalt  }
0x5e: {  	_ =	shalt  }
0x5f: {  	_ =	shalt  }
0x60: {  	_ =	shalt  }
0x61: {  	_ =	shalt  }
0x62: {  	_ =	shalt  }
0x63: {  	_ =	shalt  }
0x64: {  	_ =	shalt  }
0x65: {  	_ =	shalt  }
0x66: {  	_ =	shalt  }
0x67: {  	_ =	shalt  }
0x68: {  	_ =	shalt  }
0x69: {  	_ =	shalt  }
0x6a: {  	_ =	shalt  }
0x6b: {  	_ =	shalt  }
0x6c: {  	_ =	shalt  }
0x6d: {  	_ =	shalt  }
0x6e: {  	_ =	shalt  }
0x6f: {  	_ =	shalt  }
0x70: {  	_ =	shalt  }
0x71: {  	_ =	shalt  }
0x72: {  	_ =	shalt  }
0x73: {  	_ =	shalt  }
0x74: {  	_ =	shalt  }
0x75: {  	_ =	shalt  }
0x76: {  	_ =	shalt  }
0x77: {  	_ =	shalt  }
0x78: {  	_ =	shalt  }
0x79: {  	_ =	shalt  }
0x7a: {  	_ =	shalt  }
0x7b: {  	_ =	shalt  }
0x7c: {  	_ =	shalt  }
0x7d: {  	_ =	shalt  }
0x7e: {  	_ =	shalt  }
0x7f: {  	_ =	shalt  }
0x80: {  	_ =	shalt  }
0x81: {  	_ =	shalt  }
0x82: {  	_ =	shalt  }
0x83: {  	_ =	shalt  }
0x84: {  	_ =	shalt  }
0x85: {  	_ =	shalt  }
0x86: {  	_ =	shalt  }
0x87: {  	_ =	shalt  }
.Lfunc_end0:
.L_simem_size_0:
called_computation.1_lowered:
.L_overlay_start_0:
0x88: {  	s2 =	sld [smem:$0x3FD9]  }
0x89: {  	s3 =	sld [smem:$0x3FFE];
	_ =	sdelay $0x1  }
0x8a: {  	s1 =	srdreg.scid  }
0x8b: {  	s0 =	sand.u32 $0x1, s1  }
0x8c: {  	s14 =	sshll.u32 s0, $0xA;
	s2 =	sadd.s32 s3, s2  }
0x8d: {  	s2 =	sadd.s32 s2, s14  }
0x8e: {  	[smem:$0x3FBC] =	sst s2  }
0x8f: {  	_ = 	snop  }
0x90: {  	s2 =	sld [smem:$0x3FD0];
	_ =	sdelay $0x2  }
0x91: {  	s15 =	simm.s32 $0xA;
	s4 =	simm.s32 $0x10  }
0x92: {  	[smem:s4], [sflag:s15] =	dma.local [hbm:s2], $0x1  }
0x93: {  	_ =	swait.eq [sflag:s15], $0x1  }
0x94: {  	[sflag:s15] =	ssyncset.done $0x0  }
0x95: {  	[sflag:s15] =	ssyncadd.s32 $0xFFFFFFFF  }
0x96: {  	s16 =	sld [smem:$0x12];
	(tm) =	ssettm $0x1  }
0x97: {  	s17 =	sld [smem:$0x3FFB];
	_ =	sdelay $0x3  }
0x98: {  	_ =	strace s17  }
0x99: {  	s3 =	sld [smem:$0x3FFC];
	_ =	sdelay $0x3  }
0x9a: {  	_ =	strace s3  }
0x9b: {  	s3 =	sld [smem:$0x3FFD];
	_ =	sdelay $0x3  }
0x9c: {  	_ =	strace s3  }
0x9d: {  	_ =	strace $0x8FFFFFFF  }
0x9e: {  	s18 =	sld [smem:$0x3FDB];
	_ =	sdelay $0x1  }
0x9f: {  	s19 =	simm.s32 $_scs_section_size  }
0xa0: {  	s5 =	simm.s32 $_size__tile_overlayer_lowered;
	s6 =	simm.s32 $_tile_overlayer_lowered  }
0xa1: {  	s22 =	simm.s32 $0x1BFF;
	s21 =	sshll.u32 s6, $0x1;
	s3 =	sadd.s32 s19, s18  }
0xa2: {  	s7 =	simm.s32 $0x0;
	s20 =	sshll.u32 s5, $0x1;
	s5 =	sadd.s32 s21, s3  }
0xa3: {  	[timem:s7], [sflag:s22] =	dma.local [hbm:s5], s20  }
0xa4: {  	_ =	swait.ge [sflag:s22], s20  }
0xa5: {  	s4 =	ssub.s32 $0x0, s20;
	[sflag:s22] =	ssyncset.done $0x0  }
0xa6: {  	[sflag:s22] =	ssyncadd.s32 s4;
	_ =	sdelay $0x1  }
0xa7: {  	s23 =	simm.s32 $0x1B8B  }
0xa8: {  	_ =	swait.ge [sflag:s23], $0x1  }
0xa9: {  	[sflag:s23] =	ssyncset.done $0x0  }
0xaa: {  	s25 =	simm.s32 $0x1B8E;
	s24 =	sld [smem:$0x3FFE];
	[sflag:s23] =	ssyncadd.s32 $0xFFFFFFFF  }
0xab: {  	s26 =	simm.s32 $execute0_lowered;
	[smem:$0x3FD2] =	sst s25  }
0xac: {  	s5 =	sshll.u32 s26, $0x1;
	_ =	strace $0x80000049;
	[dreg:$0x1] =	wrdreg $0xFFFFFFFF  }
0xad: {  	s28 =	simm.s32 $_size_execute0_lowered;
	s3 =	sadd.s32 s3, s5;
	[dreg:$0x0] =	wrdreg $0x0  }
0xae: {  	s5 =	sshll.u32 s28, $0x1;
	[dreg:$0x2] =	wrdreg s3  }
0xaf: {  	[dreg:$0x3] =	wrdreg s5  }
0xb0: {  	[dreg:$0x4] =	wrdreg $0xC0  }
0xb1: {  	_ =	task [dreg:s7], $0x5FFFF  }
0xb2: {  	[dreg:$0x1] =	wrdreg $0xFFFFFFFF  }
0xb3: {  	[dreg:$0x0] =	wrdreg $0x60  }
0xb4: {  	[dreg:$0x2] =	wrdreg s24  }
0xb5: {  	[dreg:$0x3] =	wrdreg s16  }
0xb6: {  	[dreg:$0x4] =	wrdreg $0x9  }
0xb7: {  	_ =	task.clear_ibuf [dreg:s7], $0x5FFFF;
	_ =	strace $0x90000049  }
0xb8: {  	s29 =	simm.s32 $0x9;
	_ =	strace $0x8000004B  }
0xb9: {  	_ =	swait.ge [sflag:s29], $0x1  }
0xba: {  	[sflag:s29] =	ssyncadd.s32 $0xFFFFFFFF  }
0xbb: {  	_ =	strace $0x9000004B  }
0xbc: {  	_ =	sfence  }
0xbd: {  	s30 =	sld [smem:$0x0];
	_ =	sdelay $0x2  }
0xbe: {  	s31 =	sshll.u32 s1, $0xD;
	s1 =	sshrl.u32 s1, $0x2  }
0xbf: {  	s3 =	sand.u32 $0x4000, s31;
	s1 =	sadd.s32 s1, s30  }
0xc0: {  	s0 =	sor.u32 s3, s0;
	s1 =	sshll.u32 s1, $0x11  }
0xc1: {  	s0 =	sor.u32 s1, s0  }
0xc2: {  	s0 =	sadd.s32 $0x8F2B, s0  }
0xc3: {  	[sflag:s0] =	ssyncadd.remote.s32 $0x1  }
0xc4: {  	_ =	sfence.sel $0xFFFF  }
0xc5: {  	[dreg:$0x0] =	wrdreg $0xFFFFFFFF;
	(pc) =	sbr.abs _section_cstart, $3  }
0xc6: {  	[dreg:$0x1] =	wrdreg $0xFFFFFFFF  }
0xc7: {  	_ =	task.clear_ibuf [dreg:s7], $0x2FFFF;
	_ =	strace $0x9FFFFFFF  }
0xc8: {  	(tm) =	ssettm $0x7FFFFFFF  }
0xc9: {  	_ =	shalt  }
tec
execute0_lowered:
.L_overlay_start_1:
0x0: {  	(tag) =	ssettag $0x1  }
0x1: {  	s6 =	rddreg [dreg:$0x0]  }
0x2: {  	s1 =	rddreg [dreg:$0x1]  }
0x3: {  	s0 =	rddreg [dreg:$0x2];
	s3 =	simm.s32 $0x0;
	s5 =	srdreg.scid  }
0x4: {  	s2 =	stileid.u32;
	s11 =	simm.s32 $0x13880;
	s12 =	simm.s32 $0x13A80  }
0x5: {  	s13 =	simm.s32 $0x15A80;
	s14 =	simm.s32 $0x0;
	[smem:$0x7FF] =	sst s3  }
0x6: {  	s4 =	sadd.s32 $0x39000, s6;
	s7 =	sand.u32 $0x1, s5;
	s8 =	sshll.u32 s2, $0x1  }
0x7: {  	s5 =	sadd.s32 $0xC800, s6;
	s6 =	sadd.s32 $0xD5400, s6;
	s9 =	ssub.s32 $0x2, s7  }
0x8: {  	_ =	strace $0x8000004A;
	s7 =	sor.u32 s7, s8;
	s31 =	sshrl.u32 s9, $0x1  }
0x9: {  	v1 =	vlaneseq.u32;
	s10 =	ssub.s32 $0x290, s7;
	s7 =	sshll.u32 s7, $0x9;
	s9 =	ssub.s32 s9, s31  }
0xa: {  	v0 =	vshrl.u32 v1, $0x2;
	v1 =	vand.u32 $0x3, v1;
	s8 =	sshrl.u32 s10, $0x5;
	s10 =	simm.s32 $0x1;
	s9 =	smax.u32 s9, $0x1  }
.LBB2_1:
0xb: {  	[tilespmem:s3], [sflag:$0x1] =	stream.linear.gather [hbm4b:s1+s3], $0x13880, $0x38;
	[tilespmem:$0x16A80] =	vst v63  }
0xc: {  	_ =	swait.ge [sflag:s10], $0x13880  }
0xd: {  	[sflag:s10] =	ssyncset.done $0x0  }
0xe: {  	s15 =	simm.s32 $0x0;
	[sflag:s10] =	ssyncadd.s32 $0xFFFEC780  }
.LBB2_2:
0xf: {  	s16 =	sshll.u32 s15, $0xE  }
0x10: {  	s16 =	sor.u32 s7, s16  }
0x11: {  	s17 =	sshrl.u32 s16, $0x3  }
0x12: {  	s17 =	sadd.s32 s5, s17  }
0x13: {  	[tilespmem:s11], [sflag:$0x1] =	stream.linear.gather [hbm4b:s17+s3], $0x200, $0x38;
	[tilespmem:$0x16A80] =	vst v63  }
0x14: {  	s20 =	sshll.u32 s16, $0x1;
	_ =	swait.ge [sflag:s10], $0x200  }
0x15: {  	s18 =	simm.s32 $0xC;
	s17 =	sand.u32 $0x1FFFFC00, s20;
	[sflag:s10] =	ssyncset.done $0x0  }
0x16: {  	s19 =	simm.s32 $0x8;
	v2 =	vor.u32 s18, v0;
	s17 =	sadd.s32 s4, s17;
	[sflag:s10] =	ssyncadd.s32 $0xFFFFFE00  }
0x17: {  	v14 =	vor.u32 s19, v0;
	[tilespmem:s12], [sflag:$0x1] =	stream.linear.gather [hbm4b:s17+s3], $0x2000, $0x38;
	[tilespmem:$0x16A80] =	vst v63  }
0x18: {  	s21 =	simm.s32 $0x0;
	_ =	swait.ge [sflag:s10], $0x2000  }
0x19: {  	s22 =	simm.s32 $0x4;
	v6 =	vor.u32 s21, v0;
	[sflag:s10] =	ssyncset.done $0x0  }
0x1a: {  	v7 =	vor.u32 s22, v0;
	[sflag:s10] =	ssyncadd.s32 $0xFFFFE000  }
0x1b: {  	v3 =	vld.idx.msk [tilespmem:v2+s11+$0x0], $0xffff  }
0x1c: {  	v4 =	vld.idx.msk [tilespmem:v14+s11+$0x0], $0xffff  }
0x1d: {  	v5 =	vshll.u32 v6, $0x4  }
0x1e: {  	s23 =	simm.s32 $0x1C;
	v5 =	vor.u32 v1, v5;
	v10 =	vld.idx.msk [tilespmem:v6+s11+$0x0], $0xffff  }
0x1f: {  	v13 =	vor.u32 s23, v0;
	v8 =	vshll.u32 v7, $0x4;
	v12 =	vld.idx.msk [tilespmem:v7+s11+$0x0], $0xffff  }
0x20: {  	v8 =	vor.u32 v1, v8;
	v3 =	vshll.u32 v3, $0x3  }
0x21: {  	v4 =	vshll.u32 v4, $0x3;
	v9 =	vor.u32 v1, v3  }
0x22: {  	s24 =	simm.s32 $0x18;
	v16 =	vshll.u32 v2, $0x3;
	v7 =	vshll.u32 v7, $0x3;
	v11 =	vor.u32 v1, v4  }
0x23: {  	v10 =	vshll.u32 v10, $0x3;
	v4 =	vshll.u32 v2, $0x4;
	v3 =	vld.idx.msk [tilespmem:v5+s12+$0x0], $0xffff;
	v5 =	vor.u32 s24, v0  }
0x24: {  	s26 =	simm.s32 $0x14;
	v2 =	vor.u32 v1, v7;
	v7 =	vor.u32 v1, v10;
	v10 =	vshll.u32 v12, $0x3;
	v12 =	vld.idx.msk [tilespmem:v13+s11+$0x0], $0xffff  }
0x25: {  	v17 =	vor.u32 s26, v0;
	v15 =	vor.u32 v1, v4;
	v4 =	vshll.u32 v6, $0x3;
	v6 =	vld.idx.msk [tilespmem:v8+s12+$0x0], $0xffff  }
0x26: {  	s25 =	simm.s32 $0x10;
	v9 =	vld.idx.msk [tilespmem:v9+s3+$0x0], $0xffff  }
0x27: {  	v19 =	vshll.u32 v17, $0x4;
	v8 =	vor.u32 s25, v0;
	v11 =	vld.idx.msk [tilespmem:v11+s3+$0x0], $0xffff  }
0x28: {  	v21 =	vshll.u32 v13, $0x4;
	v24 =	vshll.u32 v14, $0x4;
	v10 =	vor.u32 v1, v10;
	v18 =	vld.idx.msk [tilespmem:v5+s11+$0x0], $0xffff  }
0x29: {  	v20 =	vor.u32 v1, v16;
	v24 =	vor.u32 v1, v24;
	v16 =	vshll.u32 v8, $0x4;
	v25 =	vld.idx.msk [tilespmem:v7+s3+$0x0], $0xffff  }
0x2a: {  	s29 =	simm.s32 $0x28;
	v23 =	vshll.u32 v17, $0x3;
	v19 =	vor.u32 v1, v19;
	v17 =	vld.idx.msk [tilespmem:v17+s11+$0x0], $0xffff;
	v16 =	vor.u32 v1, v16  }
0x2b: {  	v21 =	vor.u32 v1, v21;
	v7 =	vshll.u32 v12, $0x3;
	v12 =	vor.u32 s29, v0;
	v15 =	vld.idx.msk [tilespmem:v15+s12+$0x0], $0xffff  }
0x2c: {  	v22 =	vld.idx.msk [tilespmem:v8+s11+$0x0], $0xffff;
	v8 =	vshll.u32 v8, $0x3;
	v9 =	vadd.f32 $1.000000020e-16, v9;
	v11 =	vadd.f32 $1.000000020e-16, v11  }
0x2d: {  	v26 =	vld.idx.msk [tilespmem:v10+s3+$0x0], $0xffff;
	v10 =	vshll.u32 v18, $0x3;
	v18 =	vor.u32 v1, v7;
	v7 =	vor.u32 v1, v8  }
0x2e: {  	v8 =	vor.u32 v1, v23;
	v23 =	vadd.f32 $1.000000020e-16, v25;
	v25 =	vld.idx.msk [tilespmem:v24+s12+$0x0], $0xffff;
	(erf) = vrcp.f32 v9  }
0x2f: {  	s28 =	simm.s32 $0x2C;
	v14 =	vshll.u32 v14, $0x3;
	v9 =	vld.idx.msk [tilespmem:v16+s12+$0x0], $0xffff;
	v16 =	vor.u32 v1, v10;
	(erf) = vrcp.f32 v11  }
0x30: {  	s31 =	simm.s32 $0x24;
	v32 =	vor.u32 v1, v14;
	v17 =	vshll.u32 v17, $0x3;
	v10 =	vld.idx.msk [tilespmem:v19+s12+$0x0], $0xffff;
	v19 =	vor.u32 s28, v0  }
0x31: {  	s30 =	simm.s32 $0x20;
	v27 =	vor.u32 v1, v17;
	v24 =	vor.u32 s31, v0;
	v33 =	vld.idx.msk [tilespmem:v12+s11+$0x0], $0xffff;
	v22 =	vshll.u32 v22, $0x3  }
0x32: {  	v17 =	vadd.f32 $1.000000020e-16, v26;
	v11 =	vshll.u32 v13, $0x3;
	v13 =	vld.idx.msk [tilespmem:v21+s12+$0x0], $0xffff;
	v21 =	vor.u32 s30, v0  }
0x33: {  	v4 =	vor.u32 v1, v4;
	v22 =	vor.u32 v1, v22;
	(erf) = vrcp.f32 v23;
	v28 =	vld.idx.msk [tilespmem:v18+s3+$0x0], $0xffff  }
0x34: {  	v23 =	vshll.u32 v19, $0x4;
	v18 =	vshll.u32 v21, $0x4;
	(erf) = vrcp.f32 v17;
	v26 =	vld.idx.msk [tilespmem:v16+s3+$0x0], $0xffff  }
0x35: {  	v34 =	vor.u32 v1, v23;
	v30 =	vor.u32 v1, v18;
	v16 =	vshll.u32 v24, $0x4;
	v29 =	vld.idx.msk [tilespmem:v19+s11+$0x0], $0xffff  }
0x36: {  	v17 =	vshll.u32 v24, $0x3;
	v23 =	vshll.u32 v5, $0x4;
	v24 =	vld.idx.msk [tilespmem:v24+s11+$0x0], $0xffff;
	v31 =	vor.u32 v1, v16  }
0x37: {  	v11 =	vor.u32 v1, v11;
	v18 =	vor.u32 v1, v17;
	v23 =	vor.u32 v1, v23;
	v35 =	vld.idx.msk [tilespmem:v21+s11+$0x0], $0xffff;
	v14 =	vpop (erf)  }
0x38: {  	v16 =	vshll.u32 v21, $0x3;
	v21 =	vld.idx.msk [tilespmem:v22+s3+$0x0], $0xffff;
	v36 =	vmul.f32 v14, v15;
	v14 =	vpop (erf);
	v15 =	vshll.u32 v19, $0x3  }
0x39: {  	v22 =	vld.idx.msk [tilespmem:v27+s3+$0x0], $0xffff;
	v19 =	vmul.f32 v14, v25;
	v17 =	vor.u32 v1, v15;
	v15 =	vadd.f32 $1.000000020e-16, v28  }
0x3a: {  	v16 =	vor.u32 v1, v16;
	v26 =	vadd.f32 $1.000000020e-16, v26;
	v14 =	vld.idx.msk [tilespmem:v30+s12+$0x0], $0xffff;
	v25 =	vshll.u32 v29, $0x3  }
0x3b: {  	v25 =	vor.u32 v1, v25;
	[tilespmem:v32+s13+$0x0] =	vst.idx.msk $0xffff, v19;
	(erf) = vrcp.f32 v15;
	v15 =	vld.idx.msk [tilespmem:v31+s12+$0x0], $0xffff;
	v19 =	vshll.u32 v33, $0x3  }
0x3c: {  	s18 =	simm.s32 $0x3C;
	s17 =	simm.s32 $0x8;
	v27 =	vshll.u32 v35, $0x3;
	[tilespmem:v20+s13+$0x0] =	vst.idx.msk $0xffff, v36;
	v20 =	vpop (erf);
	(erf) = vrcp.f32 v26;
	v26 =	vor.u32 v1, v19;
	v19 =	vld.idx.msk [tilespmem:v34+s12+$0x0], $0xffff  }
.LBB2_3:
0x3d: {  	v28 =	vor.u32 s18, v0;
	v27 =	vor.u32 v1, v27;
	v34 =	vshll.u32 v24, $0x3;
	v29 =	vpop (erf)  }
0x3e: {  	s19 =	sadd.s32 $0xFFFFFFF8, s18;
	s20 =	sadd.s32 $0xFFFFFFFC, s18;
	s17 =	sadd.s32 $0x4, s17;
	v30 =	vmovc v7;
	v7 =	vmovc v16;
	v31 =	vmov v2;
	v2 =	vmov v8;
	v8 =	vmov v18  }
0x3f: {  	s21 =	sadd.s32 $0xFFFFFFF4, s18;
	v33 =	vmovc v11;
	v11 =	vmovc v17;
	v18 =	vor.u32 s19, v0;
	v16 =	vor.u32 s20, v0;
	p0 =	slt.u32 s17, $0x7C;
	v32 =	vor.u32 v1, v34  }
0x40: {  	v21 =	vadd.f32 $1.000000020e-16, v21;
	v24 =	vmovc v13;
	v17 =	vor.u32 s21, v0;
	v22 =	vadd.f32 $1.000000020e-16, v22;
	v23 =	vld.idx.msk [tilespmem:v23+s12+$0x0], $0xffff  }
0x41: {  	v35 =	vshll.u32 v28, $0x4;
	v40 =	vshll.u32 v17, $0x4;
	v34 =	vshll.u32 v18, $0x4;
	v25 =	vld.idx.msk [tilespmem:v25+s3+$0x0], $0xffff  }
0x42: {  	v39 =	vshll.u32 v5, $0x3;
	v5 =	vmovc v12;
	v12 =	vmovc v16;
	v36 =	vor.u32 v1, v40;
	v26 =	vld.idx.msk [tilespmem:v26+s3+$0x0], $0xffff;
	(erf) = vrcp.f32 v21  }
0x43: {  	v38 =	vor.u32 v1, v39;
	v34 =	vor.u32 v1, v34;
	v13 =	vmovc v19;
	v37 =	vld.idx.msk [tilespmem:v28+s11+$0x0], $0xffff;
	(erf) = vrcp.f32 v22  }
0x44: {  	v20 =	vmul.f32 v20, v3;
	v29 =	vmul.f32 v29, v6;
	v35 =	vor.u32 v1, v35;
	v19 =	vld.idx.msk [tilespmem:v16+s11+$0x0], $0xffff;
	v16 =	vpop (erf)  }
0x45: {  	v6 =	vshll.u32 v18, $0x3;
	v22 =	vshll.u32 v17, $0x3;
	v39 =	vld.idx.msk [tilespmem:v17+s11+$0x0], $0xffff;
	v40 =	vmul.f32 v16, v24;
	v17 =	vpop (erf)  }
0x46: {  	v3 =	vmovc v9;
	v21 =	vshll.u32 v28, $0x3;
	v16 =	vor.u32 v1, v22;
	v24 =	vld.idx.msk [tilespmem:v18+s11+$0x0], $0xffff;
	v23 =	vmul.f32 v17, v23  }
.Ltmp0:
0x47: {  	v9 =	vmovc v14;
	v18 =	vor.u32 v1, v6;
	v17 =	vor.u32 v1, v21;
	v25 =	vadd.f32 $1.000000020e-16, v25;
	v21 =	vld.idx.msk [tilespmem:v27+s3+$0x0], $0xffff;
	(pc) =	sbr.rel @p0 .LBB2_3-.Ltmp0, $4  }
0x48: {  	v6 =	vmovc v10;
	v10 =	vmov v15;
	v27 =	vshll.u32 v5, $0x4;
	v26 =	vadd.f32 $1.000000020e-16, v26;
	v22 =	vld.idx.msk [tilespmem:v32+s3+$0x0], $0xffff;
	[tilespmem:v38+s13+$0x0] =	vst.idx.msk $0xffff, v23  }
0x49: {  	v28 =	vshll.u32 v37, $0x3;
	v23 =	vor.u32 v1, v27;
	v14 =	vld.idx.msk [tilespmem:v36+s12+$0x0], $0xffff;
	(erf) = vrcp.f32 v25;
	[tilespmem:v4+s13+$0x0] =	vst.idx.msk $0xffff, v20  }
0x4a: {  	v32 =	vshll.u32 v19, $0x3;
	v25 =	vor.u32 v1, v28;
	v15 =	vld.idx.msk [tilespmem:v34+s12+$0x0], $0xffff;
	(erf) = vrcp.f32 v26;
	[tilespmem:v31+s13+$0x0] =	vst.idx.msk $0xffff, v29  }
0x4b: {  	s18 =	sadd.s32 $0x10, s18;
	v4 =	vmov v30;
	v27 =	vshll.u32 v39, $0x3;
	v26 =	vor.u32 v1, v32;
	v19 =	vld.idx.msk [tilespmem:v35+s12+$0x0], $0xffff;
	[tilespmem:v33+s13+$0x0] =	vst.idx.msk $0xffff, v40;
	v20 =	vpop (erf)  }
0x4c: {  	_ =	sdelay $0x3  }
0x4d: {  	v25 =	vld.idx.msk [tilespmem:v25+s3+$0x0], $0xffff  }
0x4e: {  	v27 =	vor.u32 v1, v27;
	v24 =	vshll.u32 v24, $0x3;
	v26 =	vld.idx.msk [tilespmem:v26+s3+$0x0], $0xffff  }
0x4f: {  	v24 =	vor.u32 v1, v24  }
0x50: {  	v21 =	vadd.f32 $1.000000020e-16, v21  }
0x51: {  	v22 =	vadd.f32 $1.000000020e-16, v22  }
0x52: {  	(erf) = vrcp.f32 v21;
	v25 =	vadd.f32 $1.000000020e-16, v25  }
0x53: {  	(erf) = vrcp.f32 v22;
	v50 =	vld.idx.msk [tilespmem:v27+s3+$0x0], $0xffff;
	v52 =	vadd.f32 $1.000000020e-16, v26  }
0x54: {  	v53 =	vshll.u32 v12, $0x4;
	v51 =	vld.idx.msk [tilespmem:v24+s3+$0x0], $0xffff;
	(erf) = vrcp.f32 v25  }
0x55: {  	v54 =	vor.u32 v1, v53;
	(erf) = vrcp.f32 v52;
	_ =	sdelay $0x2  }
0x56: {  	v55 =	vpop (erf);
	v21 =	vadd.f32 $1.000000020e-16, v50  }
0x57: {  	v23 =	vld.idx.msk [tilespmem:v23+s12+$0x0], $0xffff;
	v56 =	vpop (erf);
	v22 =	vadd.f32 $1.000000020e-16, v51  }
0x58: {  	v3 =	vmul.f32 v20, v3;
	v57 =	vpop (erf);
	v25 =	vld.idx.msk [tilespmem:v54+s12+$0x0], $0xffff;
	(erf) = vrcp.f32 v21  }
0x59: {  	v5 =	vshll.u32 v5, $0x3;
	v58 =	vpop (erf);
	(erf) = vrcp.f32 v22  }
0x5a: {  	v59 =	vshll.u32 v12, $0x3;
	v5 =	vor.u32 v1, v5;
	v60 =	vpop (erf)  }
0x5b: {  	v12 =	vor.u32 v1, v59;
	v6 =	vmul.f32 v55, v6;
	v61 =	vpop (erf)  }
0x5c: {  	[tilespmem:v4+s13+$0x0] =	vst.idx.msk $0xffff, v3;
	v13 =	vmul.f32 v56, v13;
	v21 =	vmul.f32 v57, v23;
	v3 =	vpop (erf)  }
0x5d: {  	[tilespmem:v2+s13+$0x0] =	vst.idx.msk $0xffff, v6;
	v2 =	vmul.f32 v3, v25;
	v3 =	vmul.f32 v58, v9  }
0x5e: {  	[tilespmem:v11+s13+$0x0] =	vst.idx.msk $0xffff, v13  }
0x5f: {  	[tilespmem:v5+s13+$0x0] =	vst.idx.msk $0xffff, v21  }
0x60: {  	v62 =	vmul.f32 v60, v10;
	[tilespmem:v12+s13+$0x0] =	vst.idx.msk $0xffff, v2  }
0x61: {  	v2 =	vmul.f32 v61, v19;
	[tilespmem:v7+s13+$0x0] =	vst.idx.msk $0xffff, v3;
	v3 =	vpop (erf)  }
0x62: {  	[tilespmem:v8+s13+$0x0] =	vst.idx.msk $0xffff, v62;
	v63 =	vpop (erf);
	v3 =	vmul.f32 v3, v14  }
0x63: {  	s15 =	sadd.s32 $0x1, s15;
	[tilespmem:v17+s13+$0x0] =	vst.idx.msk $0xffff, v2;
	v2 =	vmul.f32 v63, v15  }
0x64: {  	s16 =	sand.u32 $0x1FFFFE00, s16;
	p0 =	sne.s32 s15, s8;
	[tilespmem:v16+s13+$0x0] =	vst.idx.msk $0xffff, v3  }
.Ltmp1:
0x65: {  	s16 =	sadd.s32 s6, s16;
	[tilespmem:v18+s13+$0x0] =	vst.idx.msk $0xffff, v2;
	(pc) =	sbr.rel @p0 .LBB2_2-.Ltmp1, $4  }
0x66: {  	[hbm4b:s16+s3] =	stream.linear.scatter [tilespmem:s13], [sflag:$0x1], $0x1000, $0x38;
	[tilespmem:$0x16A80] =	vst v63  }
0x67: {  	_ =	swait.ge [sflag:s10], $0x1000  }
0x68: {  	[sflag:s10] =	ssyncset.done $0x0  }
0x69: {  	[sflag:s10] =	ssyncadd.s32 $0xFFFFF000  }
0x6a: {  	s14 =	sadd.s32 $0x1, s14  }
0x6b: {  	p0 =	sne.s32 s14, s9  }
.Ltmp2:
0x6c: {  	_ = 	snop;
	(pc) =	sbr.rel @p0 .LBB2_1-.Ltmp2, $1  }
0x6d: {  	_ =	sdelay $0x3  }
0x6e: {  	_ =	sfence.sel $0x180000  }
0x6f: {  	[bflag:$0x0] =	sbarrier.arrive $0xFFFF  }
0x70: {  	p0 =	sne.s32 s2, $0x0;
	_ =	strace $0x9000004A  }
0x71: {  	s0 =	sadd.s32 @!p0 $0x100000, s0;
	[bflag:$0x2] =	sbarrier.arrive $0xFFFF  }
0x72: {  	[sflag:s0] =	ssyncadd.tile.s32 @!p0 $0x1;
	_ =	shalt  }
.Lfunc_end2:
_tile_overlayer_lowered:
.L_overlay_start_2:
0x73: {  	(tag) =	ssettag $0x2  }
0x74: {  	s0 =	rddreg [dreg:$0x0];
	s2 =	stileid.u32  }
0x75: {  	s1 =	rddreg [dreg:$0x1];
	p0 =	sne.s32 s2, $0x0  }
0x76: {  	s3 =	rddreg [dreg:$0x2];
	[bflag:$0x3] =	sbarrier.arrive $0xFFFF;
	s2 =	simm.s32 @!p0 $0x1C01  }
0x77: {  	[timem:s3], [sflag:s2] =	dma.local @!p0 [hbm:s0], s1  }
0x78: {  	s0 =	simm.s32 @!p0 $0x1  }
0x79: {  	_ =	swait.ge @!p0 [sflag:s0], s1  }
0x7a: {  	s1 =	ssub.s32 @!p0 $0x0, s1;
	[sflag:s0] =	ssyncset.done @!p0 $0x0  }
0x7b: {  	[sflag:s0] =	ssyncadd.s32 @!p0 s1  }
0x7c: {  	[bflag:$0x3] =	sbarrier.arrive $0xFFFF  }
0x7d: {  	_ =	shalt  }

// kernel: kernel.7.cloned.1.call-start
scs
__scs_entry_jumppad:
0x0: {  	(pc) =	sbr.rel $0x88, $3  }
0x1: {  	(tag) =	ssettag $0x0;
	lr =	simm.s32 $0x1  }
0x2: {  	[smem:$0x3F95] =	sst lr;
	_ =	strace $0xD0000000  }
0x3: {  	_ = 	snop  }
0x4: {  	_ = 	snop  }
0x5: {  	_ = 	snop  }
0x6: {  	_ = 	snop  }
0x7: {  	_ = 	snop  }
__scs_overlays_trampoline_lowered:
0x8: {  	[smem:$0x3FA4] =	sst s0  }
0x9: {  	[smem:$0x3FA5] =	sst s1  }
0xa: {  	[smem:$0x3FA6] =	sst s2  }
0xb: {  	[smem:$0x3FA7] =	sst s3  }
0xc: {  	[smem:$0x3FA8] =	sst s4  }
0xd: {  	[smem:$0x3FA9] =	sst s5  }
0xe: {  	[smem:$0x3FAA] =	sst s6  }
0xf: {  	[smem:$0x3FAB] =	sst s7  }
0x10: {  	[smem:$0x3FAC] =	sst s8  }
0x11: {  	[smem:$0x3FAD] =	sst s9;
	s0 =	simm.s32 @!p0 $0x0  }
0x12: {  	s1 =	sld [smem:$0x3F93];
	s0 =	simm.s32 @p0 $0x1  }
0x13: {  	[smem:$0x3FAE] =	sst s0;
	s0 =	simm.s32 @!p1 $0x0  }
0x14: {  	s2 =	sld [smem:$0x3F92];
	s0 =	simm.s32 @p1 $0x1  }
0x15: {  	[smem:$0x3FAF] =	sst s0;
	s0 =	simm.s32 @!p2 $0x0  }
0x16: {  	s3 =	sld [smem:$0x3FDB];
	s0 =	simm.s32 @p2 $0x1  }
0x17: {  	s4 =	simm.s32 $0x1BF5;
	[smem:$0x3FB1] =	sst s0  }
0x18: {  	s0 =	sld [smem:$0x3F94];
	_ =	swait.ge [sflag:s4], $0x0  }
0x19: {  	s7 =	sld [smem:$0x3F95]  }
0x1a: {  	s8 =	sadd.s32 $0xFFFFE003, lr  }
0x1b: {  	s9 =	sadd.s32 $0xFFFFFEF7, lr;
	s5 =	simm.s32 $0xFFFFFFFF;
	p2 =	slt.u32 s8, $0xFFFFF086  }
0x1c: {  	p1 =	slt.u32 s9, $0xF7A;
	s5 =	simm.s32 @!p2 $0x0  }
0x1d: {  	s5 =	simm.s32 @p1 $0x1;
	p0 =	seq.s32 s7, s2  }
0x1e: {  	s7 =	smul.u32 @!p0 $0xF7A, s2;
	p2 =	seq.s32 @!p0 s5, $0x0  }
0x1f: {  	s9 =	smul.u32 $0xF7A, s1;
	s8 =	simm.s32 @!p0 $0x1BF5;
	p2 =	por !p2, p0  }
0x20: {  	[sflag:s8] =	ssyncset.s32 @!p0 $0xFFFFF086;
	s6 =	sadd.s32 @!p0 s3, s7;
	s7 =	simm.s32 @!p0 $0x108  }
0x21: {  	s3 =	sadd.s32 s3, s9;
	s6 =	sadd.s32 @!p0 $0x88, s6;
	s7 =	simm.s32 @p2 $0x1082  }
0x22: {  	[simem:s7], [sflag:s8] =	dma.local @!p0 [hbm:s6], $0xF7A  }
0x23: {  	s9 =	sor.u32 $0xD0000000, s2;
	s6 =	simm.s32 $0x108;
	_ =	swait.ge @!p0 [sflag:s8], $0x0  }
0x24: {  	s3 =	sadd.s32 $0x88, s3;
	s6 =	simm.s32 @!p1 $0x1082;
	[sflag:s4] =	ssyncset.s32 $0xFFFFF086  }
0x25: {  	[simem:s6], [sflag:s4] =	dma.local [hbm:s3], $0xF7A  }
0x26: {  	[smem:$0x3F95] =	sst s1;
	(tag) =	ssettag s2;
	_ =	strace s9  }
0x27: {  	s1 =	sld [smem:$0x3FA5]  }
0x28: {  	s2 =	sld [smem:$0x3FA6]  }
0x29: {  	s4 =	sld [smem:$0x3FA8]  }
0x2a: {  	p0 =	seq.s32 s5, $0x0;
	s5 =	sld [smem:$0x3FA9]  }
0x2b: {  	s6 =	sld [smem:$0x3FAA]  }
0x2c: {  	s7 =	sld [smem:$0x3FAB]  }
0x2d: {  	s3 =	simm.s32 $0x108;
	s8 =	sld [smem:$0x3FAC]  }
0x2e: {  	s3 =	simm.s32 @!p0 $0x1082;
	s9 =	sld [smem:$0x3FAD]  }
0x2f: {  	lr =	sadd.s32 s0, s3;
	s0 =	sld [smem:$0x3FA4]  }
0x30: {  	s3 =	sld [smem:$0x3FA7]  }
0x31: {  	[smem:$0x3FB0] =	sst s10  }
0x32: {  	s10 =	sld [smem:$0x3FAE];
	_ =	sdelay $0x3  }
0x33: {  	p0 =	seq.s32 s10, $0x1;
	s10 =	sld [smem:$0x3FB0];
	_ =	sdelay $0x3  }
0x34: {  	[smem:$0x3FB0] =	sst s10  }
0x35: {  	s10 =	sld [smem:$0x3FAF];
	_ =	sdelay $0x3  }
0x36: {  	p1 =	seq.s32 s10, $0x1;
	s10 =	sld [smem:$0x3FB0];
	_ =	sdelay $0x3  }
0x37: {  	[smem:$0x3FB0] =	sst s10  }
0x38: {  	s10 =	sld [smem:$0x3FB1]  }
0x39: {  	_ = 	snop;
	(pc) =	sbr.ind lr, $3  }
0x3a: {  	_ = 	snop  }
0x3b: {  	_ = 	snop  }
0x3c: {  	p2 =	seq.s32 s10, $0x1;
	s10 =	sld [smem:$0x3FB0]  }
0x3d: {  	_ =	shalt  }
0x3e: {  	_ =	shalt  }
0x3f: {  	_ =	shalt  }
0x40: {  	_ =	shalt  }
0x41: {  	_ =	shalt  }
0x42: {  	_ =	shalt  }
0x43: {  	_ =	shalt  }
0x44: {  	_ =	shalt  }
0x45: {  	_ =	shalt  }
0x46: {  	_ =	shalt  }
0x47: {  	_ =	shalt  }
0x48: {  	_ =	shalt  }
0x49: {  	_ =	shalt  }
0x4a: {  	_ =	shalt  }
0x4b: {  	_ =	shalt  }
0x4c: {  	_ =	shalt  }
0x4d: {  	_ =	shalt  }
0x4e: {  	_ =	shalt  }
0x4f: {  	_ =	shalt  }
0x50: {  	_ =	shalt  }
0x51: {  	_ =	shalt  }
0x52: {  	_ =	shalt  }
0x53: {  	_ =	shalt  }
0x54: {  	_ =	shalt  }
0x55: {  	_ =	shalt  }
0x56: {  	_ =	shalt  }
0x57: {  	_ =	shalt  }
0x58: {  	_ =	shalt  }
0x59: {  	_ =	shalt  }
0x5a: {  	_ =	shalt  }
0x5b: {  	_ =	shalt  }
0x5c: {  	_ =	shalt  }
0x5d: {  	_ =	shalt  }
0x5e: {  	_ =	shalt  }
0x5f: {  	_ =	shalt  }
0x60: {  	_ =	shalt  }
0x61: {  	_ =	shalt  }
0x62: {  	_ =	shalt  }
0x63: {  	_ =	shalt  }
0x64: {  	_ =	shalt  }
0x65: {  	_ =	shalt  }
0x66: {  	_ =	shalt  }
0x67: {  	_ =	shalt  }
0x68: {  	_ =	shalt  }
0x69: {  	_ =	shalt  }
0x6a: {  	_ =	shalt  }
0x6b: {  	_ =	shalt  }
0x6c: {  	_ =	shalt  }
0x6d: {  	_ =	shalt  }
0x6e: {  	_ =	shalt  }
0x6f: {  	_ =	shalt  }
0x70: {  	_ =	shalt  }
0x71: {  	_ =	shalt  }
0x72: {  	_ =	shalt  }
0x73: {  	_ =	shalt  }
0x74: {  	_ =	shalt  }
0x75: {  	_ =	shalt  }
0x76: {  	_ =	shalt  }
0x77: {  	_ =	shalt  }
0x78: {  	_ =	shalt  }
0x79: {  	_ =	shalt  }
0x7a: {  	_ =	shalt  }
0x7b: {  	_ =	shalt  }
0x7c: {  	_ =	shalt  }
0x7d: {  	_ =	shalt  }
0x7e: {  	_ =	shalt  }
0x7f: {  	_ =	shalt  }
0x80: {  	_ =	shalt  }
0x81: {  	_ =	shalt  }
0x82: {  	_ =	shalt  }
0x83: {  	_ =	shalt  }
0x84: {  	_ =	shalt  }
0x85: {  	_ =	shalt  }
0x86: {  	_ =	shalt  }
0x87: {  	_ =	shalt  }
.Lfunc_end0:
.L_simem_size_0:
called_computation_lowered:
.L_overlay_start_0:
0x88: {  	s2 =	sld [smem:$0x3FD9]  }
0x89: {  	s3 =	sld [smem:$0x3FFE];
	_ =	sdelay $0x1  }
0x8a: {  	s1 =	srdreg.scid  }
0x8b: {  	s0 =	sand.u32 $0x1, s1  }
0x8c: {  	s14 =	sshll.u32 s0, $0xA;
	s2 =	sadd.s32 s3, s2  }
0x8d: {  	s2 =	sadd.s32 s2, s14  }
0x8e: {  	[smem:$0x3FBC] =	sst s2  }
0x8f: {  	_ = 	snop  }
0x90: {  	s2 =	sld [smem:$0x3FD0];
	_ =	sdelay $0x2  }
0x91: {  	s15 =	simm.s32 $0xA;
	s4 =	simm.s32 $0x10  }
0x92: {  	[smem:s4], [sflag:s15] =	dma.local [hbm:s2], $0x1  }
0x93: {  	_ =	swait.eq [sflag:s15], $0x1  }
0x94: {  	s16 =	sld [smem:$0x10];
	[sflag:s15] =	ssyncset.done $0x0  }
0x95: {  	s17 =	sld [smem:$0x11];
	[sflag:s15] =	ssyncadd.s32 $0xFFFFFFFF  }
0x96: {  	s18 =	sld [smem:$0x12];
	(tm) =	ssettm $0x1  }
0x97: {  	s5 =	sld [smem:$0x3FFB];
	_ =	sdelay $0x3  }
0x98: {  	_ =	strace s5  }
0x99: {  	s5 =	sld [smem:$0x3FFC];
	_ =	sdelay $0x3  }
0x9a: {  	_ =	strace s5  }
0x9b: {  	s5 =	sld [smem:$0x3FFD];
	_ =	sdelay $0x3  }
0x9c: {  	_ =	strace s5  }
0x9d: {  	_ =	strace $0x8FFFFFFF  }
0x9e: {  	s19 =	sld [smem:$0x3FDB];
	_ =	sdelay $0x1  }
0x9f: {  	s6 =	simm.s32 $_scs_section_size  }
0xa0: {  	s7 =	simm.s32 $_size__tile_overlayer_lowered;
	s8 =	simm.s32 $_tile_overlayer_lowered  }
0xa1: {  	s22 =	simm.s32 $0x1BFF;
	s21 =	sshll.u32 s8, $0x1;
	s5 =	sadd.s32 s6, s19  }
0xa2: {  	s9 =	simm.s32 $0x0;
	s20 =	sshll.u32 s7, $0x1;
	s7 =	sadd.s32 s21, s5  }
0xa3: {  	[timem:s9], [sflag:s22] =	dma.local [hbm:s7], s20  }
0xa4: {  	_ =	swait.ge [sflag:s22], s20  }
0xa5: {  	s6 =	ssub.s32 $0x0, s20;
	[sflag:s22] =	ssyncset.done $0x0  }
0xa6: {  	[sflag:s22] =	ssyncadd.s32 s6;
	_ =	sdelay $0x1  }
0xa7: {  	s23 =	simm.s32 $0x1B8B  }
0xa8: {  	_ =	swait.ge [sflag:s23], $0x1  }
0xa9: {  	[sflag:s23] =	ssyncset.done $0x0  }
0xaa: {  	s25 =	simm.s32 $0x1B8E;
	s24 =	sld [smem:$0x3FFE];
	[sflag:s23] =	ssyncadd.s32 $0xFFFFFFFF  }
0xab: {  	s26 =	simm.s32 $execute0_lowered;
	[smem:$0x3FD2] =	sst s25  }
0xac: {  	s7 =	sshll.u32 s26, $0x1;
	_ =	strace $0x80000046;
	[dreg:$0x1] =	wrdreg $0xFFFFFFFF  }
0xad: {  	s28 =	simm.s32 $_size_execute0_lowered;
	s5 =	sadd.s32 s5, s7;
	[dreg:$0x0] =	wrdreg $0x0  }
0xae: {  	s7 =	sshll.u32 s28, $0x1;
	[dreg:$0x2] =	wrdreg s5  }
0xaf: {  	[dreg:$0x3] =	wrdreg s7  }
0xb0: {  	[dreg:$0x4] =	wrdreg $0xC0  }
0xb1: {  	_ =	task [dreg:s9], $0x5FFFF  }
0xb2: {  	[dreg:$0x1] =	wrdreg $0xFFFFFFFF  }
0xb3: {  	[dreg:$0x0] =	wrdreg $0x60  }
0xb4: {  	[dreg:$0x2] =	wrdreg s18  }
0xb5: {  	[dreg:$0x3] =	wrdreg s16  }
0xb6: {  	[dreg:$0x4] =	wrdreg s24  }
0xb7: {  	[dreg:$0x5] =	wrdreg s17  }
0xb8: {  	[dreg:$0x6] =	wrdreg $0x0  }
0xb9: {  	[dreg:$0x7] =	wrdreg $0x9C400  }
0xba: {  	[dreg:$0x8] =	wrdreg $0x9  }
0xbb: {  	_ =	task.clear_ibuf [dreg:s9], $0x9FFFF;
	_ =	strace $0x90000046  }
0xbc: {  	s29 =	simm.s32 $0x9;
	_ =	strace $0x80000048  }
0xbd: {  	_ =	swait.ge [sflag:s29], $0x1  }
0xbe: {  	[sflag:s29] =	ssyncadd.s32 $0xFFFFFFFF  }
0xbf: {  	_ =	strace $0x90000048  }
0xc0: {  	_ =	sfence  }
0xc1: {  	s30 =	sld [smem:$0x0];
	_ =	sdelay $0x2  }
0xc2: {  	s31 =	sshll.u32 s1, $0xD;
	s1 =	sshrl.u32 s1, $0x2  }
0xc3: {  	s3 =	sand.u32 $0x4000, s31;
	s1 =	sadd.s32 s1, s30  }
0xc4: {  	s0 =	sor.u32 s3, s0;
	s1 =	sshll.u32 s1, $0x11  }
0xc5: {  	s0 =	sor.u32 s1, s0  }
0xc6: {  	s0 =	sadd.s32 $0x8F2B, s0  }
0xc7: {  	[sflag:s0] =	ssyncadd.remote.s32 $0x1  }
0xc8: {  	_ =	sfence.sel $0xFFFF  }
0xc9: {  	[dreg:$0x0] =	wrdreg $0xFFFFFFFF;
	(pc) =	sbr.abs _section_cstart, $3  }
0xca: {  	[dreg:$0x1] =	wrdreg $0xFFFFFFFF  }
0xcb: {  	_ =	task.clear_ibuf [dreg:s9], $0x2FFFF;
	_ =	strace $0x9FFFFFFF  }
0xcc: {  	(tm) =	ssettm $0x7FFFFFFF  }
0xcd: {  	_ =	shalt  }
tec
execute0_lowered:
.L_overlay_start_1:
0x0: {  	(tag) =	ssettag $0x1  }
0x1: {  	s1 =	rddreg [dreg:$0x2]  }
0x2: {  	s5 =	rddreg [dreg:$0x3]  }
0x3: {  	s3 =	rddreg [dreg:$0x4]  }
0x4: {  	s4 =	rddreg [dreg:$0x5];
	s8 =	stileid.u32;
	s0 =	simm.s32 $0x0  }
0x5: {  	s6 =	srdreg.scid;
	s28 =	simm.s32 $0x1;
	s29 =	simm.s32 $0x2  }
0x6: {  	s30 =	simm.s32 $0x200;
	s31 =	simm.s32 $0xC790;
	s10 =	smul.u32 $0x9C00, s8  }
0x7: {  	[smem:$0x7FF] =	sst s0;
	s11 =	smul.u32 $0x7D00, s8;
	s12 =	sand.u32 $0x1, s6  }
0x8: {  	s6 =	sadd.s32 $0x2A00, s1;
	s7 =	sadd.s32 $0xC800, s1;
	s22 =	sadd.s32 $0x16600, s1  }
0x9: {  	s18 =	sshll.u32 s8, $0x1;
	s24 =	sshll.u32 s8, $0x6;
	s26 =	sadd.s32 $0x9C000, s3  }
0xa: {  	p0 =	sne.s32 s8, $0x0;
	p1 =	sgt.u32 s8, $0x4;
	s8 =	simm.s32 $0x0  }
0xb: {  	_ =	strace $0x80000047;
	s9 =	smul.u32 $0x27100, s12;
	[dreg:$0x7] =	wrdreg s22  }
0xc: {  	s15 =	ssub.s32 $0x2, s12;
	s18 =	sor.u32 s12, s18;
	s12 =	smul.u32 $0x9C400, s12  }
0xd: {  	s2 =	sor.u32 $0x1C03, s24;
	[dreg:$0xb] =	wrdreg s26;
	s13 =	sshrl.u32 s10, $0x3  }
0xe: {  	s14 =	sshrl.u32 s11, $0x3;
	s17 =	sshrl.u32 s15, $0x1;
	s23 =	sadd.s32 s10, s3  }
0xf: {  	[dreg:$0xa] =	wrdreg s2;
	s13 =	sadd.s32 s13, s1;
	s9 =	sadd.s32 s11, s9  }
0x10: {  	s14 =	sadd.s32 s14, s1;
	s15 =	ssub.s32 s15, s17;
	[dreg:$0x8] =	wrdreg s23  }
0x11: {  	s17 =	sadd.s32 s10, s12;
	s20 =	sshrl.u32 s12, $0x3;
	s9 =	sshrl.u32 s9, $0x3  }
0x12: {  	s25 =	sadd.s32 $0x16800, s13;
	s13 =	sadd.s32 s11, s4;
	s19 =	sadd.s32 $0x2A200, s14  }
0x13: {  	s22 =	sadd.s32 s5, s20;
	s26 =	smax.u32 s15, $0x1;
	[dreg:$0x9] =	wrdreg s25  }
0x14: {  	s14 =	simm.s32 $0x1C790;
	s16 =	sadd.s32 s9, s1;
	[dreg:$0xd] =	wrdreg s13  }
0x15: {  	s9 =	sadd.s32 $0x39000, s1;
	s1 =	sadd.s32 $0x2A000, s1;
	[dreg:$0xe] =	wrdreg s19  }
0x16: {  	s23 =	sadd.s32 $0x13800, s22;
	s25 =	ssub.s32 $0x290, s18;
	[dreg:$0x12] =	wrdreg s26  }
.Ltmp0:
0x17: {  	s26 =	simm.s32 $0xC590;
	[dreg:$0xc] =	wrdreg s1;
	(pc) =	sbr.rel .LBB2_1-.Ltmp0, $4  }
0x18: {  	v2 =	vlaneseq.u32;
	s1 =	sshrl.u32 s17, $0x3;
	s17 =	sshll.u32 s18, $0x9;
	[dreg:$0x10] =	wrdreg s23  }
0x19: {  	v1 =	vshrl.u32 v2, $0x2;
	s24 =	sadd.s32 $0x2F200, s16;
	s23 =	simm.s32 $0x3;
	s16 =	simm.s32 $0x0  }
0x1a: {  	v1 =	vmul.u32 $0x10, v1;
	s21 =	sadd.s32 s5, s1;
	[dreg:$0x11] =	wrdreg s24;
	s1 =	simm.s32 $0x14790  }
0x1b: {  	v0 =	vimm.f32 $0.0e+00;
	vm0 =	vcmask $0x3F3C;
	v2 =	vand.u32 $0x3, v2;
	[dreg:$0xf] =	wrdreg s21;
	s21 =	sshrl.u32 s25, $0x5;
	s25 =	simm.s32 $0xC390  }
.LBB2_23:
0x1c: {  	[bflag:$0x0] =	sbarrier.arrive $0xFFFF  }
0x1d: {  	s2 =	rddreg [dreg:$0xa]  }
0x1e: {  	s0 =	rddreg [dreg:$0xf]  }
0x1f: {  	s5 =	rddreg [dreg:$0x14]  }
0x20: {  	[hbm:s0], [sflag:s2] =	dma.local [spmem:s5], $0x1380  }
0x21: {  	_ =	swait.ge [sflag:s23], $0x1380  }
0x22: {  	[sflag:s23] =	ssyncset.done $0x0;
	s0 =	rddreg [dreg:$0xb]  }
0x23: {  	s5 =	rddreg [dreg:$0x10];
	[sflag:s23] =	ssyncadd.s32 $0xFFFFEC80;
	s0 =	sshrl.u32 @!p0 s0, $0x3  }
0x24: {  	[hbm:s5], [sflag:s2] =	dma.local @!p0 [spmem:s0], $0x80  }
0x25: {  	s0 =	simm.s32 @!p0 $0x3  }
0x26: {  	_ =	swait.ge @!p0 [sflag:s0], $0x80  }
0x27: {  	[sflag:s0] =	ssyncset.done @!p0 $0x0  }
0x28: {  	[sflag:s0] =	ssyncadd.s32 @!p0 $0xFFFFFF80;
	s0 =	rddreg [dreg:$0xd]  }
0x29: {  	s5 =	rddreg [dreg:$0x11];
	s0 =	sshrl.u32 @p2 s0, $0x3  }
0x2a: {  	[hbm:s5], [sflag:s2] =	dma.local @p2 [spmem:s0], $0xFA0  }
0x2b: {  	s0 =	simm.s32 @p2 $0x3  }
0x2c: {  	_ =	swait.ge @p2 [sflag:s0], $0xFA0  }
0x2d: {  	s8 =	rddreg [dreg:$0x13]  }
0x2e: {  	s24 =	rddreg [dreg:$0x12];
	s8 =	sadd.s32 $0x1, s8  }
0x2f: {  	p3 =	sne.s32 s8, s24  }
.Ltmp1:
0x30: {  	_ = 	snop;
	(pc) =	sbr.rel @!p3 .LBB2_24-.Ltmp1, $3  }
0x31: {  	_ =	sdelay $0x1  }
0x32: {  	[sflag:s0] =	ssyncset.done @p2 $0x0  }
0x33: {  	[sflag:s0] =	ssyncadd.s32 @p2 $0xFFFFF060  }
.LBB2_1:
0x34: {  	s0 =	rddreg [dreg:$0x8]  }
0x35: {  	s24 =	rddreg [dreg:$0x9];
	s5 =	sshrl.u32 s0, $0x3  }
.Ltmp2:
0x36: {  	[dreg:$0x14] =	wrdreg s5;
	(pc) =	sbr.rel @!p0 .LBB2_2-.Ltmp2, $4  }
0x37: {  	[spmem:s5], [sflag:s2] =	dma.local [hbm:s24], $0x1380  }
0x38: {  	_ =	swait.ge [sflag:s23], $0x1380  }
0x39: {  	[sflag:s23] =	ssyncset.done $0x0  }
0x3a: {  	[dreg:$0x13] =	wrdreg s8;
	[sflag:s23] =	ssyncadd.s32 $0xFFFFEC80  }
.Ltmp3:
0x3b: {  	(pc) =	sbr.rel @p1 .LBB2_5-.Ltmp3, $4  }
.Ltmp4:
0x3c: {  	(pc) =	sbr.rel @!p1 .LBB2_4-.Ltmp4, $4  }
0x3d: {  	_ = 	snop  }
0x3e: {  	_ = 	snop  }
0x3f: {  	p2 =	por $0x0, $0x0  }
0x40: {  	_ = 	snop  }
.LBB2_2:
0x41: {  	s0 =	rddreg [dreg:$0xb]  }
0x42: {  	s24 =	rddreg [dreg:$0xc];
	s5 =	sshrl.u32 s0, $0x3  }
0x43: {  	[spmem:s5], [sflag:s2] =	dma.local [hbm:s24], $0x80  }
0x44: {  	_ =	swait.ge [sflag:s23], $0x80  }
0x45: {  	[sflag:s23] =	ssyncset.done $0x0  }
0x46: {  	[sflag:s23] =	ssyncadd.s32 $0xFFFFFF80  }
.LBB2_4:
0x47: {  	s0 =	rddreg [dreg:$0xd]  }
0x48: {  	s24 =	rddreg [dreg:$0xe];
	s5 =	sshrl.u32 s0, $0x3  }
0x49: {  	[spmem:s5], [sflag:s2] =	dma.local [hbm:s24], $0xFA0  }
0x4a: {  	_ =	swait.ge [sflag:s23], $0xFA0  }
0x4b: {  	[sflag:s23] =	ssyncset.done $0x0  }
0x4c: {  	p2 =	por $0x1, $0x1;
	[sflag:s23] =	ssyncadd.s32 $0xFFFFF060  }
.LBB2_5:
0x4d: {  	s0 =	simm.s32 $0x0;
	s2 =	rddreg [dreg:$0x7];
	s5 =	simm.s32 $0xC350  }
0x4e: {  	[tilespmem:s5], [sflag:$0x3] =	stream.linear.gather [hbm4b:s2+s0], $0x40, $0x38;
	[tilespmem:$0x1E790] =	vst v63  }
0x4f: {  	_ =	swait.ge [sflag:s23], $0x40  }
0x50: {  	[sflag:s23] =	ssyncset.done $0x0  }
0x51: {  	s5 =	simm.s32 $0x1C7B0;
	[sflag:s23] =	ssyncadd.s32 $0xFFFFFFC0  }
0x52: {  	[tilespmem:s5+$0xFFFFFFE0] =	vst v0  }
0x53: {  	[tilespmem:s5+$0x10] =	vst v0  }
0x54: {  	s8 =	simm.s32 $0x0;
	[tilespmem:s5+$0x0] =	vst v0  }
.LBB2_6:
0x55: {  	s8 =	sadd.s32 $0x4, s8  }
0x56: {  	[tilespmem:s5+$0xFFFFFFF0] =	vst v0;
	s5 =	sadd.s32 $0x40, s5;
	p3 =	slt.u32 s8, $0x1FC  }
.Ltmp5:
0x57: {  	[tilespmem:s5+$0xFFFFFFE0] =	vst v0;
	(pc) =	sbr.rel @p3 .LBB2_6-.Ltmp5, $3  }
0x58: {  	_ =	sdelay $0x1  }
0x59: {  	[tilespmem:s5+$0x10] =	vst v0  }
0x5a: {  	[tilespmem:s5+$0x0] =	vst v0  }
0x5b: {  	[tilespmem:s5+$0xFFFFFFF0] =	vst v0  }
0x5c: {  	[bflag:$0x0] =	sbarrier.arrive $0xFFFF  }
0x5d: {  	v4 =	vld [tilespmem:$0xC360]  }
0x5e: {  	v6 =	vld [tilespmem:$0xC380];
	_ =	sdelay $0x1  }
0x5f: {  	v3 =	vld [tilespmem:$0xC350]  }
0x60: {  	s8 =	simm.s32 $0x0;
	v5 =	vld [tilespmem:$0xC370]  }
.LBB2_8:
0x61: {  	s5 =	sshll.u32 s8, $0xE  }
0x62: {  	s10 =	sor.u32 s17, s5  }
0x63: {  	s5 =	sshrl.u32 s10, $0x3  }
0x64: {  	s11 =	sadd.s32 s6, s5  }
0x65: {  	[tilespmem:s25], [sflag:$0x1] =	stream.linear.gather [hbm4b:s11+s16], $0x200, $0x38;
	[tilespmem:$0x1E790] =	vst v63  }
0x66: {  	s5 =	sadd.s32 s7, s5  }
0x67: {  	[tilespmem:s26], [sflag:$0x2] =	stream.linear.gather [hbm4b:s5+s16], $0x200, $0x38;
	[tilespmem:$0x1E790] =	vst v63  }
0x68: {  	_ =	swait.ge [sflag:s28], $0x200  }
0x69: {  	[sflag:s28] =	ssyncset.done $0x0  }
0x6a: {  	[sflag:s28] =	ssyncadd.s32 $0xFFFFFE00  }
0x6b: {  	_ =	swait.ge [sflag:s29], $0x200  }
0x6c: {  	[sflag:s29] =	ssyncset.done $0x0  }
0x6d: {  	[sflag:s29] =	ssyncadd.s32 $0xFFFFFE00  }
0x6e: {  	s0 =	rddreg [dreg:$0x0]  }
0x6f: {  	[tilespmem:s31], [sflag:$0x1] =	stream.indirect.gather [hbm4b:s0+s30], $0x40, s25, s30, $0xb8;
	[tilespmem:$0x1E790] =	vst v63  }
0x70: {  	s19 =	rddreg [dreg:$0x1]  }
0x71: {  	[tilespmem:s1], [sflag:$0x2] =	stream.indirect.gather [hbm4b:s19+s30], $0x40, s26, s30, $0xb8;
	[tilespmem:$0x1E790] =	vst v63  }
0x72: {  	_ =	swait.ge [sflag:s28], $0x8000  }
0x73: {  	[sflag:s28] =	ssyncset.done $0x0  }
0x74: {  	[sflag:s28] =	ssyncadd.s32 $0xFFFF8000  }
0x75: {  	_ =	swait.ge [sflag:s29], $0x8000  }
0x76: {  	[sflag:s29] =	ssyncset.done $0x0  }
0x77: {  	s15 =	simm.s32 $0xC810;
	[sflag:s29] =	ssyncadd.s32 $0xFFFF8000  }
0x78: {  	s5 =	simm.s32 $0x14810;
	v7 =	vld [tilespmem:s15+$0xFFFFFF80]  }
0x79: {  	v8 =	vld [tilespmem:s5+$0xFFFFFF80]  }
0x7a: {  	v9 =	vld [tilespmem:s15+$0x40]  }
0x7b: {  	v10 =	vld [tilespmem:s15+$0x0]  }
0x7c: {  	v11 =	vld [tilespmem:s5+$0x0]  }
0x7d: {  	v12 =	vld [tilespmem:s5+$0x40]  }
0x7e: {  	v7 =	vadd.f32 v8, v7;
	_ =	sdelay $0x1  }
0x7f: {  	v8 =	vmul.f32 $2.000000030e-01, v7  }
0x80: {  	v10 =	vadd.f32 v11, v10  }
0x81: {  	v7 =	vmax.f32 v7, v8;
	v8 =	vadd.f32 v12, v9  }
0x82: {  	v9 =	vmul.f32 $2.000000030e-01, v10;
	v7 =	vmul.f32 v7, v3  }
0x83: {  	v11 =	vmul.f32 $2.000000030e-01, v8  }
0x84: {  	(xrf2) =	vadd.scan.msk.f32 $0xffff, v7;
	v7 =	vmax.f32 v10, v9  }
0x85: {  	v8 =	vmax.f32 v8, v11;
	v7 =	vmul.f32 v7, v3  }
0x86: {  	v8 =	vmul.f32 v8, v3  }
0x87: {  	(xrf2) =	vadd.scan.msk.f32 $0xffff, v7  }
0x88: {  	(xrf2) =	vadd.scan.msk.f32 $0xffff, v8;
	_ =	sdelay $0x2  }
0x89: {  	s20 =	simm.s32 $0x0;
	s19 =	simm.s32 $0xC910  }
0x8a: {  	v14 =	vld [tilespmem:s19+$0xFFFFFF80];
	v7 =	vmov s20  }
0x8b: {  	s22 =	simm.s32 $0x30;
	v12 =	vld [tilespmem:s19+$0x0]  }
0x8c: {  	v17 =	vmov s22;
	v9 =	vld [tilespmem:s5+$0xFFFFFFC0]  }
0x8d: {  	v10 =	vld [tilespmem:s15+$0xFFFFFFC0];
	s20 =	simm.s32 $0x14910  }
0x8e: {  	v15 =	vld [tilespmem:s20+$0xFFFFFF80];
	v8, _, _ =	vpop (xrf2)  }
0x8f: {  	s24 =	simm.s32 $0x20;
	v19 =	vld [tilespmem:s20+$0x0];
	[tilespmem:v7+s14+$0x0] =	vst.idx.msk vm0, v8;
	v13, _, _ =	vpop (xrf2)  }
0x90: {  	v8 =	vmov s24;
	v11 =	vld [tilespmem:s15+$0xFFFFFF90];
	v16, _, _ =	vpop (xrf2)  }
0x91: {  	v18 =	vld [tilespmem:s5+$0xFFFFFF90];
	[tilespmem:v17+s14+$0x0] =	vst.idx.msk vm0, v16  }
0x92: {  	v16 =	vld [tilespmem:s5+$0x50]  }
0x93: {  	v9 =	vadd.f32 v9, v10;
	v20 =	vld [tilespmem:s15+$0x50];
	_ =	sdelay $0x1  }
0x94: {  	v10 =	vadd.f32 v15, v14;
	[tilespmem:v8+s14+$0x0] =	vst.idx.msk vm0, v13;
	v13 =	vmul.f32 $2.000000030e-01, v9  }
0x95: {  	v15 =	vld [tilespmem:s19+$0x40];
	v11 =	vadd.f32 v18, v11  }
0x96: {  	v12 =	vadd.f32 v19, v12;
	v14 =	vld [tilespmem:s15+$0x10];
	v18 =	vmul.f32 $2.000000030e-01, v10;
	v9 =	vmax.f32 v9, v13  }
0x97: {  	v13 =	vmul.f32 $2.000000030e-01, v11;
	v9 =	vmul.f32 v9, v3;
	v16 =	vadd.f32 v16, v20;
	v20 =	vld [tilespmem:s20+$0x40]  }
0x98: {  	v19 =	vld [tilespmem:s5+$0x10];
	v10 =	vmax.f32 v10, v18;
	v18 =	vmul.f32 $2.000000030e-01, v12  }
0x99: {  	v10 =	vmul.f32 v10, v3;
	v11 =	vmax.f32 v11, v13;
	(xrf2) =	vadd.scan.msk.f32 $0xffff, v9;
	v13 =	vmul.f32 $2.000000030e-01, v16  }
0x9a: {  	v9 =	vmax.f32 v12, v18;
	v11 =	vmul.f32 v11, v4  }
0x9b: {  	(xrf2) =	vadd.scan.msk.f32 $0xffff, v10;
	v9 =	vmul.f32 v9, v3;
	v10 =	vmax.f32 v16, v13  }
0x9c: {  	(xrf2) =	vadd.scan.msk.f32 $0xffff, v11;
	v10 =	vmul.f32 v10, v4;
	v12 =	vadd.f32 v20, v15  }
0x9d: {  	v11 =	vadd.f32 v19, v14;
	(xrf2) =	vadd.scan.msk.f32 $0xffff, v9  }
0x9e: {  	s0 =	simm.s32 $0x10;
	(xrf2) =	vadd.scan.msk.f32 $0xffff, v10;
	v10 =	vmul.f32 $2.000000030e-01, v12  }
0x9f: {  	v24 =	vmov s0;
	v9 =	vmul.f32 $2.000000030e-01, v11  }
0xa0: {  	v10 =	vmax.f32 v12, v10  }
0xa1: {  	v9 =	vmax.f32 v11, v9;
	v10 =	vmul.f32 v10, v3  }
0xa2: {  	s2 =	simm.s32 $0x40;
	v11 =	vmul.f32 v9, v4  }
0xa3: {  	s11 =	simm.s32 $0xCA10;
	v9 =	vmov s2;
	v12, _, _ =	vpop (xrf2)  }
0xa4: {  	v21 =	vld [tilespmem:s11+$0x0];
	(xrf2) =	vadd.scan.msk.f32 $0xffff, v11;
	v11 =	vor.u32 $0x1, v17;
	[tilespmem:v24+s14+$0x0] =	vst.idx.msk vm0, v12  }
0xa5: {  	(xrf2) =	vadd.scan.msk.f32 $0xffff, v10;
	v12 =	vld [tilespmem:s15+$0xFFFFFFD0];
	v10, _, _ =	vpop (xrf2)  }
0xa6: {  	v18 =	vld [tilespmem:s5+$0xFFFFFFD0];
	v15, _, _ =	vpop (xrf2)  }
0xa7: {  	v14 =	vld [tilespmem:s19+$0xFFFFFFC0];
	v16, _, _ =	vpop (xrf2)  }
0xa8: {  	v13 =	vld [tilespmem:s20+$0xFFFFFFC0];
	[tilespmem:v9+s14+$0x0] =	vst.idx.msk vm0, v10;
	v10, _, _ =	vpop (xrf2)  }
0xa9: {  	v22 =	vld [tilespmem:s11+$0xFFFFFF80];
	[tilespmem:v11+s14+$0x0] =	vst.idx.msk vm0, v10  }
0xaa: {  	s12 =	simm.s32 $0x70;
	v11 =	vld [tilespmem:s15+$0x60]  }
0xab: {  	s18 =	simm.s32 $0x14A10;
	v12 =	vadd.f32 v18, v12;
	v10 =	vmov s12;
	v20 =	vld [tilespmem:s5+$0x60]  }
0xac: {  	v23 =	vld [tilespmem:s18+$0xFFFFFF80]  }
0xad: {  	v13 =	vadd.f32 v13, v14;
	v14 =	vld [tilespmem:s18+$0x0];
	v26 =	vmul.f32 $2.000000030e-01, v12  }
0xae: {  	v19 =	vld [tilespmem:s19+$0xFFFFFF90];
	v18, _, _ =	vpop (xrf2)  }
0xaf: {  	v27 =	vld [tilespmem:s20+$0xFFFFFF90];
	v12 =	vmax.f32 v12, v26;
	v25, _, _ =	vpop (xrf2)  }
0xb0: {  	s12 =	simm.s32 $0x60;
	v12 =	vmul.f32 v12, v4;
	[tilespmem:v10+s14+$0x0] =	vst.idx.msk vm0, v25;
	v20 =	vadd.f32 v20, v11  }
0xb1: {  	v28 =	vmul.f32 $2.000000030e-01, v13;
	v25 =	vld [tilespmem:s20+$0x50];
	v11 =	vmov s12  }
0xb2: {  	v26 =	vld [tilespmem:s19+$0x50];
	(xrf2) =	vadd.scan.msk.f32 $0xffff, v12;
	v12 =	vadd.f32 v23, v22;
	v30 =	vmul.f32 $2.000000030e-01, v20  }
0xb3: {  	v29 =	vor.u32 $0x1, v8;
	v13 =	vmax.f32 v13, v28;
	v14 =	vadd.f32 v14, v21  }
0xb4: {  	v19 =	vadd.f32 v27, v19;
	v23 =	vmul.f32 $2.000000030e-01, v12;
	v20 =	vmax.f32 v20, v30  }
0xb5: {  	v13 =	vmul.f32 v13, v3;
	v20 =	vmul.f32 v20, v5  }
0xb6: {  	v21 =	vmul.f32 $2.000000030e-01, v19;
	v12 =	vmax.f32 v12, v23;
	[tilespmem:v11+s14+$0x0] =	vst.idx.msk vm0, v16;
	v16 =	vmul.f32 $2.000000030e-01, v14  }
0xb7: {  	v25 =	vadd.f32 v25, v26;
	v12 =	vmul.f32 v12, v3;
	(xrf2) =	vadd.scan.msk.f32 $0xffff, v20  }
0xb8: {  	[tilespmem:v29+s14+$0x0] =	vst.idx.msk vm0, v18;
	v19 =	vmax.f32 v19, v21;
	v21 =	vld [tilespmem:s11+$0x40];
	(xrf2) =	vadd.scan.msk.f32 $0xffff, v13;
	v13 =	vmax.f32 v14, v16  }
0xb9: {  	v22 =	vor.u32 $0x1, v24;
	v20 =	vmul.f32 $2.000000030e-01, v25;
	v14 =	vld [tilespmem:s15+$0x20];
	(xrf2) =	vadd.scan.msk.f32 $0xffff, v12;
	v12 =	vmul.f32 v13, v3  }
0xba: {  	v18 =	vmul.f32 v19, v4;
	v16 =	vld [tilespmem:s5+$0x20]  }
0xbb: {  	v23 =	vld [tilespmem:s19+$0x10];
	v13 =	vmax.f32 v25, v20  }
0xbc: {  	v19 =	vld [tilespmem:s20+$0x10];
	v13 =	vmul.f32 v13, v4;
	(xrf2) =	vadd.scan.msk.f32 $0xffff, v18;
	v18 =	vor.u32 $0x1, v7  }
0xbd: {  	v20 =	vld [tilespmem:s18+$0x40];
	(xrf2) =	vadd.scan.msk.f32 $0xffff, v12;
	v12, _, _ =	vpop (xrf2)  }
0xbe: {  	s13 =	simm.s32 $0x50;
	(xrf2) =	vadd.scan.msk.f32 $0xffff, v13;
	[tilespmem:v22+s14+$0x0] =	vst.idx.msk vm0, v12  }
0xbf: {  	v14 =	vadd.f32 v16, v14;
	v12 =	vmov s13;
	v22 =	vld [tilespmem:s15+$0xFFFFFFE0]  }
0xc0: {  	v25 =	vld [tilespmem:s5+$0xFFFFFFE0]  }
0xc1: {  	v16 =	vadd.f32 v19, v23;
	[tilespmem:v18+s14+$0x0] =	vst.idx.msk vm0, v15;
	v15 =	vor.u32 $0x2, v17;
	v19 =	vmul.f32 $2.000000030e-01, v14  }
0xc2: {  	v20 =	vadd.f32 v20, v21;
	v21, _, _ =	vpop (xrf2)  }
0xc3: {  	v28 =	vmul.f32 $2.000000030e-01, v16;
	v14 =	vmax.f32 v14, v19;
	v27, _, _ =	vpop (xrf2)  }
0xc4: {  	v26 =	vor.u32 $0x1, v10;
	v14 =	vmul.f32 v14, v5;
	[tilespmem:v12+s14+$0x0] =	vst.idx.msk vm0, v27  }
0xc5: {  	v30 =	vmul.f32 $2.000000030e-01, v20;
	v16 =	vmax.f32 v16, v28;
	v31, _, _ =	vpop (xrf2);
	v22 =	vadd.f32 v25, v22;
	v25 =	vld [tilespmem:s19+$0xFFFFFFD0]  }
0xc6: {  	s22 =	simm.s32 $0x80;
	v19, _, _ =	vpop (xrf2);
	[tilespmem:v15+s14+$0x0] =	vst.idx.msk vm0, v21;
	v15 =	vmul.f32 v16, v4;
	v16 =	vld [tilespmem:s20+$0xFFFFFFD0]  }
0xc7: {  	v13 =	vmov s22;
	v20 =	vmax.f32 v20, v30;
	v27, _, _ =	vpop (xrf2);
	v21 =	vld [tilespmem:s15+$0x70]  }
0xc8: {  	v20 =	vmul.f32 v20, v3;
	(xrf2) =	vadd.scan.msk.f32 $0xffff, v14;
	v30 =	vld [tilespmem:s5+$0x70];
	v14, _, _ =	vpop (xrf2)  }
0xc9: {  	v29 =	vld [tilespmem:s11+$0xFFFFFFC0];
	(xrf2) =	vadd.scan.msk.f32 $0xffff, v15;
	[tilespmem:v26+s14+$0x0] =	vst.idx.msk vm0, v14  }
0xca: {  	v28 =	vmul.f32 $2.000000030e-01, v22;
	(xrf2) =	vadd.scan.msk.f32 $0xffff, v20;
	v15 =	vld [tilespmem:s19+$0x60]  }
0xcb: {  	v20 =	vld [tilespmem:s20+$0x60]  }
0xcc: {  	v23 =	vld [tilespmem:s18+$0xFFFFFFC0];
	s22 =	simm.s32 $0xCB10;
	[tilespmem:v13+s14+$0x0] =	vst.idx.msk vm0, v31;
	v14 =	vmax.f32 v22, v28  }
0xcd: {  	v40 =	vld [tilespmem:s22+$0x0];
	v14 =	vmul.f32 v14, v5;
	v16 =	vadd.f32 v16, v25;
	v21 =	vadd.f32 v30, v21  }
0xce: {  	v22 =	vld [tilespmem:s11+$0xFFFFFF90]  }
0xcf: {  	s24 =	simm.s32 $0xB0;
	s13 =	simm.s32 $0x14B10;
	v28 =	vld [tilespmem:s22+$0xFFFFFF80];
	(xrf2) =	vadd.scan.msk.f32 $0xffff, v14;
	v25 =	vmul.f32 $2.000000030e-01, v16;
	v32 =	vmul.f32 $2.000000030e-01, v21  }
0xd0: {  	v30 =	vld [tilespmem:s13+$0xFFFFFF80];
	v14 =	vmov s24;
	v15 =	vadd.f32 v20, v15  }
0xd1: {  	v16 =	vmax.f32 v16, v25;
	v20 =	vld [tilespmem:s18+$0xFFFFFF90];
	v21 =	vmax.f32 v21, v32  }
0xd2: {  	v18 =	vld [tilespmem:s15+$0xFFFFFFA0];
	v16 =	vmul.f32 v16, v4;
	v36, _, _ =	vpop (xrf2);
	v38 =	vmul.f32 $2.000000030e-01, v15  }
0xd3: {  	v33 =	vld [tilespmem:s5+$0xFFFFFFA0];
	v62, _, _ =	vpop (xrf2)  }
0xd4: {  	v63 =	vld [tilespmem:s22+$0xFFFFFFC0];
	v23 =	vadd.f32 v23, v29;
	(xrf2) =	vadd.scan.msk.f32 $0xffff, v16;
	v16 =	vmul.f32 v21, v6;
	v21, _, _ =	vpop (xrf2);
	v15 =	vmax.f32 v15, v38  }
0xd5: {  	v37 =	vld [tilespmem:s13+$0xFFFFFFC0];
	v25 =	vor.u32 $0x2, v24;
	v28 =	vadd.f32 v30, v28;
	[tilespmem:v14+s14+$0x0] =	vst.idx.msk vm0, v21;
	v21 =	vmul.f32 v15, v5  }
0xd6: {  	v29 =	vld [tilespmem:s13+$0x40];
	v30 =	vmul.f32 $2.000000030e-01, v23;
	(xrf2) =	vadd.scan.msk.f32 $0xffff, v16;
	v20 =	vadd.f32 v20, v22  }
0xd7: {  	v39 =	vor.u32 $0x1, v11;
	v26 =	vld [tilespmem:s22+$0x40];
	v16 =	vmul.f32 $2.000000030e-01, v28;
	(xrf2) =	vadd.scan.msk.f32 $0xffff, v21  }
0xd8: {  	s0 =	simm.s32 $0xA0;
	v18 =	vadd.f32 v33, v18;
	v41 =	vld [tilespmem:s18+$0x50];
	v22 =	vmax.f32 v23, v30;
	v42 =	vmul.f32 $2.000000030e-01, v20  }
0xd9: {  	v15 =	vmov s0;
	v30 =	vld [tilespmem:s13+$0x0];
	v22 =	vmul.f32 v22, v3;
	v23, _, _ =	vpop (xrf2);
	v21 =	vmax.f32 v28, v16  }
0xda: {  	v43 =	vld [tilespmem:s11+$0x50];
	[tilespmem:v25+s14+$0x0] =	vst.idx.msk vm0, v23;
	v23 =	vmul.f32 $2.000000030e-01, v18;
	v49 =	vmul.f32 v21, v3;
	v20 =	vmax.f32 v20, v42  }
0xdb: {  	(xrf2) =	vadd.scan.msk.f32 $0xffff, v22;
	v28 =	vld [tilespmem:s15+$0xFFFFFFF0];
	v20 =	vmul.f32 v20, v4  }
0xdc: {  	v44 =	vld [tilespmem:s5+$0xFFFFFFF0];
	v18 =	vmax.f32 v18, v23;
	(xrf2) =	vadd.scan.msk.f32 $0xffff, v49  }
0xdd: {  	[tilespmem:v39+s14+$0x0] =	vst.idx.msk vm0, v62;
	v18 =	vmul.f32 v18, v5;
	(xrf2) =	vadd.scan.msk.f32 $0xffff, v20;
	v20 =	vor.u32 $0x2, v10  }
0xde: {  	v35 =	vor.u32 $0x1, v9;
	v39 =	vld [tilespmem:s19+$0x20];
	[tilespmem:v15+s14+$0x0] =	vst.idx.msk vm0, v27;
	v27 =	vadd.f32 v30, v40  }
0xdf: {  	v34 =	vor.u32 $0x2, v7;
	v48 =	vor.u32 $0x1, v12;
	v52 =	vld [tilespmem:s20+$0x20];
	v50 =	vadd.f32 v41, v43;
	v51, _, _ =	vpop (xrf2);
	(xrf2) =	vadd.scan.msk.f32 $0xffff, v18  }
0xe0: {  	v29 =	vadd.f32 v29, v26;
	v53 =	vmul.f32 $2.000000030e-01, v27;
	v18 =	vadd.f32 v37, v63;
	v41, _, _ =	vpop (xrf2)  }
0xe1: {  	v31 =	vor.u32 $0x2, v8;
	v23 =	vld [tilespmem:s11+$0x10];
	v54 =	vmul.f32 $2.000000030e-01, v50;
	v28 =	vadd.f32 v44, v28;
	v46, _, _ =	vpop (xrf2)  }
0xe2: {  	v56 =	vmul.f32 $2.000000030e-01, v29;
	v57 =	vld [tilespmem:s18+$0x10];
	v27 =	vmax.f32 v27, v53;
	v55 =	vmul.f32 $2.000000030e-01, v18;
	[tilespmem:v20+s14+$0x0] =	vst.idx.msk vm0, v46  }
0xe3: {  	s2 =	simm.s32 $0x90;
	[tilespmem:v35+s14+$0x0] =	vst.idx.msk vm0, v19;
	v32 =	vmax.f32 v50, v54;
	v58 =	vmul.f32 v27, v3;
	v45 =	vmul.f32 $2.000000030e-01, v28;
	v60 =	vld [tilespmem:s19+$0x70]  }
0xe4: {  	v16 =	vmov s2;
	[tilespmem:v48+s14+$0x0] =	vst.idx.msk vm0, v51;
	v37 =	vadd.f32 v52, v39;
	v32 =	vmul.f32 v32, v4;
	v62 =	vld [tilespmem:s20+$0x70]  }
0xe5: {  	s24 =	simm.s32 $0xC0;
	(xrf2) =	vadd.scan.msk.f32 $0xffff, v58;
	v20 =	vmax.f32 v29, v56;
	v29 =	vmax.f32 v18, v55;
	v18 =	vmax.f32 v28, v45  }
0xe6: {  	v40 =	vld [tilespmem:s19+$0xFFFFFFE0];
	v48 =	vmul.f32 $2.000000030e-01, v37;
	v61, _, _ =	vpop (xrf2);
	(xrf2) =	vadd.scan.msk.f32 $0xffff, v32;
	v28 =	vmul.f32 v18, v6;
	v18 =	vmov s24  }
0xe7: {  	v17 =	vor.u32 $0x3, v17;
	[tilespmem:v31+s14+$0x0] =	vst.idx.msk vm0, v36;
	v26 =	vor.u32 $0x1, v15;
	v59 =	vld [tilespmem:s20+$0xFFFFFFE0];
	v31, _, _ =	vpop (xrf2)  }
0xe8: {  	s0 =	simm.s32 $0xE0;
	v50 =	vld [tilespmem:s5+$0x30];
	v32 =	vmax.f32 v37, v48;
	v63 =	vmul.f32 v20, v3;
	v20 =	vadd.f32 v57, v23;
	v49, _, _ =	vpop (xrf2)  }
0xe9: {  	v19 =	vmov s0;
	v23 =	vld [tilespmem:s15+$0x30];
	[tilespmem:v16+s14+$0x0] =	vst.idx.msk vm0, v61;
	v32 =	vmul.f32 v32, v5;
	v51, _, _ =	vpop (xrf2);
	v42 =	vadd.f32 v62, v60  }
0xea: {  	v39 =	vld [tilespmem:s11+$0xFFFFFFD0];
	(xrf2) =	vadd.scan.msk.f32 $0xffff, v28;
	v28 =	vmul.f32 v29, v3;
	v29 =	vmul.f32 $2.000000030e-01, v20;
	[tilespmem:v34+s14+$0x0] =	vst.idx.msk vm0, v51  }
0xeb: {  	v21 =	vor.u32 $0x2, v11;
	v30 =	vor.u32 $0x1, v13;
	v54 =	vld [tilespmem:s18+$0xFFFFFFD0];
	[tilespmem:v18+s14+$0x0] =	vst.idx.msk vm0, v31;
	v31 =	vmul.f32 $2.000000030e-01, v42  }
0xec: {  	v52 =	vor.u32 $0x1, v14;
	v33 =	vadd.f32 v59, v40;
	v29 =	vmax.f32 v20, v29;
	(xrf2) =	vadd.scan.msk.f32 $0xffff, v32;
	v55 =	vld [tilespmem:s5+$0xFFFFFFB0]  }
0xed: {  	v59 =	vor.u32 $0x3, v24;
	v56 =	vmul.f32 v29, v4;
	v57 =	vld [tilespmem:s15+$0xFFFFFFB0];
	v24 =	vmax.f32 v42, v31  }
0xee: {  	v25 =	vor.u32 $0x2, v12;
	v22 =	vor.u32 $0x2, v9;
	v53 =	vmul.f32 $2.000000030e-01, v33  }
0xef: {  	s2 =	simm.s32 $0xF0;
	v27 =	vor.u32 $0x1, v16;
	[tilespmem:v17+s14+$0x0] =	vst.idx.msk vm0, v41;
	v38 =	vadd.f32 v50, v23;
	(xrf2) =	vadd.scan.msk.f32 $0xffff, v56;
	v60, _, _ =	vpop (xrf2)  }
0xf0: {  	v20 =	vmov s2;
	v17 =	vmax.f32 v33, v53;
	[tilespmem:v30+s14+$0x0] =	vst.idx.msk vm0, v49;
	v29 =	vld [tilespmem:s19+$0xFFFFFFA0];
	v37 =	vmul.f32 v24, v6;
	v24, _, _ =	vpop (xrf2)  }
0xf1: {  	v30 =	vor.u32 $0x2, v16;
	v34 =	vld [tilespmem:s22+$0xFFFFFF90];
	v35 =	vadd.f32 v54, v39;
	v61 =	vmul.f32 $2.000000030e-01, v38;
	[tilespmem:v52+s14+$0x0] =	vst.idx.msk vm0, v24  }
0xf2: {  	s24 =	simm.s32 $0xD0;
	v33 =	vor.u32 $0x2, v14;
	v58 =	vmul.f32 v17, v5;
	v36 =	vadd.f32 v55, v57;
	(xrf2) =	vadd.scan.msk.f32 $0xffff, v63;
	v39 =	vld [tilespmem:s11+$0x60]  }
0xf3: {  	v17 =	vmov s24;
	v62 =	vmul.f32 $2.000000030e-01, v35;
	v38 =	vmax.f32 v38, v61;
	v40 =	vld [tilespmem:s18+$0x60]  }
0xf4: {  	v23 =	vor.u32 $0x2, v15;
	v31 =	vld [tilespmem:s11+$0xFFFFFFA0];
	[tilespmem:v19+s14+$0x0] =	vst.idx.msk vm0, v60;
	v38 =	vmul.f32 v38, v6;
	v63, _, _ =	vpop (xrf2);
	v41 =	vmul.f32 $2.000000030e-01, v36  }
0xf5: {  	s12 =	simm.s32 $0xCC10;
	s5 =	simm.s32 $0x10;
	s15 =	simm.s32 $0x14C10;
	v32 =	vld [tilespmem:s22+$0x10];
	v35 =	vmax.f32 v35, v62;
	v24 =	vor.u32 $0x2, v13;
	(xrf2) =	vadd.scan.msk.f32 $0xffff, v58;
	[tilespmem:v59+s14+$0x0] =	vst.idx.msk vm0, v63  }
.LBB2_9:
0xf6: {  	v42 =	vld [tilespmem:s12+$0x40];
	p3 =	slt.u32 s5, $0x1FC;
	v43 =	vmul.f32 v35, v4;
	v35, _, _ =	vpop (xrf2);
	v36 =	vmax.f32 v36, v41;
	s24 =	smov.u32 s5;
	s5 =	sadd.s32 $0x4, s5  }
0xf7: {  	v41 =	vld [tilespmem:s15+$0xFFFFFFC0];
	v44 =	vmul.f32 v36, v6  }
0xf8: {  	v36 =	vor.u32 $0x1, v18;
	v45 =	vld [tilespmem:s15+$0x40];
	v39 =	vadd.f32 v40, v39;
	(xrf2) =	vadd.scan.msk.f32 $0xffff, v38  }
0xf9: {  	v38 =	vld [tilespmem:s12+$0x0];
	v40, _, _ =	vpop (xrf2)  }
0xfa: {  	v46 =	vld [tilespmem:s12+$0xFFFFFF80];
	v47 =	vmul.f32 $2.000000030e-01, v39  }
0xfb: {  	v48 =	vld [tilespmem:s15+$0xFFFFFF80];
	(xrf2) =	vadd.scan.msk.f32 $0xffff, v44  }
0xfc: {  	v44 =	vld [tilespmem:s13+$0xFFFFFF90];
	v49, _, _ =	vpop (xrf2);
	v39 =	vmax.f32 v39, v47  }
0xfd: {  	v50 =	vor.u32 $0x1, v19;
	v47 =	vld [tilespmem:s12+$0xFFFFFFC0];
	[tilespmem:v20+s14+$0x0] =	vst.idx.msk vm0, v49;
	v39 =	vmul.f32 v39, v5  }
0xfe: {  	[tilespmem:v26+s14+$0x0] =	vst.idx.msk vm0, v40;
	(xrf2) =	vadd.scan.msk.f32 $0xffff, v43;
	v40 =	vld [tilespmem:s20+$0xFFFFFFA0];
	v26 =	vmov v50  }
0xff: {  	v43 =	vld [tilespmem:s13+$0x50];
	v49, _, _ =	vpop (xrf2)  }
0x100: {  	v52 =	vor.u32 $0x3, v8;
	v50 =	vor.u32 $0x1, v17;
	v51 =	vld [tilespmem:s22+$0x50];
	[tilespmem:v25+s14+$0x0] =	vst.idx.msk vm0, v49;
	v49 =	vor.u32 $0x3, v7;
	v7 =	vmovc v9;
	v9 =	vmovc v13  }
0x101: {  	v8 =	vmovc v11;
	v11 =	vmov v15;
	v13 =	vmov v18;
	v53 =	vld [tilespmem:s15+$0x0];
	v34 =	vadd.f32 v44, v34;
	(xrf2) =	vadd.scan.msk.f32 $0xffff, v37  }
0x102: {  	v15 =	vmov v19;
	v25 =	vmov v30;
	v37 =	vld [tilespmem:s19+$0xFFFFFFF0];
	v18, _, _ =	vpop (xrf2)  }
0x103: {  	v19 =	vadd.f32 v48, v46;
	v30 =	vmul.f32 $2.000000030e-01, v34;
	v40 =	vadd.f32 v40, v29;
	v44 =	vld [tilespmem:s20+$0xFFFFFFF0];
	v29 =	vmovc v31  }
0x104: {  	v31 =	vadd.f32 v41, v47;
	v41 =	vadd.f32 v45, v42;
	(xrf2) =	vadd.scan.msk.f32 $0xffff, v39;
	v39 =	vor.u32 $0x3, v10;
	v10 =	vmovc v14  }
0x105: {  	v42 =	vmul.f32 $2.000000030e-01, v19;
	v30 =	vmax.f32 v34, v30;
	v34 =	vadd.f32 v43, v51;
	[tilespmem:v52+s14+$0x0] =	vst.idx.msk vm0, v18;
	v14, _, _ =	vpop (xrf2)  }
0x106: {  	v18 =	vmul.f32 $2.000000030e-01, v31;
	v43 =	vmul.f32 $2.000000030e-01, v41;
	v38 =	vadd.f32 v53, v38;
	v45 =	vld [tilespmem:s11+$0x20];
	[tilespmem:v49+s14+$0x0] =	vst.idx.msk vm0, v14;
	v14 =	vmovc v20  }
0x107: {  	v19 =	vmax.f32 v19, v42;
	v20 =	vmul.f32 v30, v4;
	v30 =	vmul.f32 $2.000000030e-01, v34;
	(xrf2) =	vadd.scan.msk.f32 $0xffff, v28;
	v42 =	vld [tilespmem:s18+$0x20]  }
0x108: {  	v19 =	vmul.f32 v19, v3;
	v28 =	vmax.f32 v41, v43;
	v46 =	vmul.f32 $2.000000030e-01, v38;
	v41, _, _ =	vpop (xrf2)  }
0x109: {  	v18 =	vmax.f32 v31, v18;
	v31 =	vmul.f32 $2.000000030e-01, v40;
	v43 =	vmul.f32 v28, v3;
	[tilespmem:v27+s14+$0x0] =	vst.idx.msk vm0, v41  }
0x10a: {  	s24 =	sshll.u32 s24, $0x4;
	v28 =	vmul.f32 v18, v3;
	v27 =	vmovc v50;
	v38 =	vmax.f32 v38, v46;
	(xrf2) =	vadd.scan.msk.f32 $0xffff, v19;
	v41 =	vld [tilespmem:s11+$0xFFFFFFE0]  }
0x10b: {  	s0 =	sadd.s32 $0x10, s24;
	s2 =	sadd.s32 $0x20, s24;
	v18 =	vmov s24;
	s24 =	sadd.s32 $0x30, s24;
	v37 =	vadd.f32 v44, v37;
	v38 =	vmul.f32 v38, v3;
	v46 =	vld [tilespmem:s13+$0x10];
	v44, _, _ =	vpop (xrf2)  }
0x10c: {  	v30 =	vmax.f32 v34, v30;
	v31 =	vmax.f32 v40, v31;
	v19 =	vmov s2;
	v34 =	vld [tilespmem:s18+$0xFFFFFFE0];
	[tilespmem:v39+s14+$0x0] =	vst.idx.msk vm0, v44  }
0x10d: {  	v30 =	vmul.f32 v30, v4;
	v39 =	vmul.f32 $2.000000030e-01, v37;
	(xrf2) =	vadd.scan.msk.f32 $0xffff, v20;
	v20 =	vadd.f32 v42, v45  }
0x10e: {  	v44 =	vmul.f32 v31, v5;
	v40, _, _ =	vpop (xrf2)  }
0x10f: {  	v42 =	vmul.f32 $2.000000030e-01, v20;
	[tilespmem:v33+s14+$0x0] =	vst.idx.msk vm0, v40;
	v33 =	vmax.f32 v37, v39  }
0x110: {  	v32 =	vadd.f32 v46, v32;
	v37 =	vld [tilespmem:s11+$0x70];
	v33 =	vmul.f32 v33, v6;
	(xrf2) =	vadd.scan.msk.f32 $0xffff, v44  }
0x111: {  	v39 =	vor.u32 $0x1, v14;
	v31, _, _ =	vpop (xrf2);
	v34 =	vadd.f32 v34, v41;
	v20 =	vmax.f32 v20, v42;
	v40 =	vld [tilespmem:s18+$0x70]  }
0x112: {  	v41 =	vmul.f32 $2.000000030e-01, v32;
	v42 =	vmul.f32 v20, v5  }
0x113: {  	v20 =	vmov s24;
	v44 =	vmul.f32 $2.000000030e-01, v34  }
0x114: {  	v45, _, _ =	vpop (xrf2);
	(xrf2) =	vadd.scan.msk.f32 $0xffff, v38;
	v32 =	vmax.f32 v32, v41  }
0x115: {  	[tilespmem:v18+s14+$0x0] =	vst.idx.msk vm0, v45;
	v38 =	vmul.f32 v32, v4;
	v32 =	vmax.f32 v34, v44  }
0x116: {  	v34 =	vld [tilespmem:s12+$0xFFFFFF90];
	v44 =	vmul.f32 v32, v5;
	v32 =	vadd.f32 v40, v37;
	[tilespmem:v21+s14+$0x0] =	vst.idx.msk vm0, v35;
	v21 =	vmov v23  }
0x117: {  	v23, _, _ =	vpop (xrf2);
	(xrf2) =	vadd.scan.msk.f32 $0xffff, v30;
	v35 =	vld [tilespmem:s19+$0x30]  }
0x118: {  	v40 =	vmov s0;
	[tilespmem:v36+s14+$0x0] =	vst.idx.msk vm0, v23;
	v23 =	vor.u32 $0x2, v15;
	v37 =	vmul.f32 $2.000000030e-01, v32  }
0x119: {  	v30 =	vor.u32 $0x2, v17;
	[tilespmem:v17+s14+$0x0] =	vst.idx.msk vm0, v31;
	v41 =	vld [tilespmem:s20+$0x30]  }
0x11a: {  	v31 =	vld [tilespmem:s22+$0xFFFFFFA0];
	v32 =	vmax.f32 v32, v37;
	v36, _, _ =	vpop (xrf2);
	(xrf2) =	vadd.scan.msk.f32 $0xffff, v33  }
0x11b: {  	v33 =	vld [tilespmem:s22+$0xFFFFFFD0];
	v37 =	vmul.f32 v32, v6;
	[tilespmem:v22+s14+$0x0] =	vst.idx.msk vm0, v36;
	v22 =	vmov v24  }
0x11c: {  	v36 =	vld [tilespmem:s20+$0xFFFFFFB0];
	s20 =	smov.u32 s18;
	s18 =	smov.u32 s13;
	s13 =	smov.u32 s15  }
0x11d: {  	v45 =	vld [tilespmem:s18+$0xFFFFFFD0];
	(xrf2) =	vadd.scan.msk.f32 $0xffff, v42  }
0x11e: {  	v24 =	vor.u32 $0x2, v13;
	v32, _, _ =	vpop (xrf2);
	v42 =	vld [tilespmem:s19+$0xFFFFFFB0];
	v35 =	vadd.f32 v41, v35;
	s19 =	smov.u32 s11;
	s11 =	smov.u32 s22;
	s22 =	smov.u32 s12  }
0x11f: {  	[tilespmem:v19+s14+$0x0] =	vst.idx.msk vm0, v32  }
0x120: {  	v46 =	vor.u32 $0x3, v12;
	v12 =	vmovc v16;
	v16 =	vmov v17;
	v32 =	vld [tilespmem:s12+$0x10];
	(xrf2) =	vadd.scan.msk.f32 $0xffff, v38;
	v38 =	vmul.f32 $2.000000030e-01, v35  }
0x121: {  	v17 =	vmov v40;
	v41, _, _ =	vpop (xrf2)  }
.Ltmp6:
0x122: {  	v45 =	vadd.f32 v45, v33;
	[tilespmem:v39+s14+$0x0] =	vst.idx.msk vm0, v41;
	v33 =	vmax.f32 v35, v38;
	(pc) =	sbr.rel @p3 .LBB2_9-.Ltmp6, $4  }
0x123: {  	(xrf2) =	vadd.scan.msk.f32 $0xffff, v43;
	v39 =	vld [tilespmem:s11+$0x60];
	v36 =	vadd.f32 v36, v42;
	v38 =	vmul.f32 v33, v6  }
0x124: {  	v33 =	vor.u32 $0x2, v14;
	v35 =	vmul.f32 $2.000000030e-01, v45;
	v40 =	vld [tilespmem:s18+$0x60];
	v42, _, _ =	vpop (xrf2)  }
0x125: {  	v41 =	vmul.f32 $2.000000030e-01, v36;
	[tilespmem:v46+s14+$0x0] =	vst.idx.msk vm0, v42  }
0x126: {  	s15 =	sadd.s32 $0x100, s15;
	s12 =	sadd.s32 $0x100, s12;
	v35 =	vmax.f32 v45, v35;
	(xrf2) =	vadd.scan.msk.f32 $0xffff, v44  }
0x127: {  	_ =	sdelay $0x3  }
0x128: {  	v42, _, _ =	vpop (xrf2)  }
0x129: {  	v44 =	vld [tilespmem:s13+$0xFFFFFF90];
	v43, _, _ =	vpop (xrf2)  }
0x12a: {  	v61 =	vld [tilespmem:s20+$0xFFFFFFA0];
	v60, _, _ =	vpop (xrf2)  }
0x12b: {  	v36 =	vmax.f32 v36, v41;
	[tilespmem:v20+s14+$0x0] =	vst.idx.msk vm0, v60  }
0x12c: {  	v36 =	vmul.f32 v36, v6;
	v39 =	vadd.f32 v40, v39;
	v40 =	vld [tilespmem:s13+$0x50]  }
0x12d: {  	v35 =	vmul.f32 v35, v4;
	(xrf2) =	vadd.scan.msk.f32 $0xffff, v38;
	v63 =	vld [tilespmem:s22+$0x50]  }
0x12e: {  	v62 =	vmul.f32 $2.000000030e-01, v39;
	v34 =	vadd.f32 v44, v34;
	(xrf2) =	vadd.scan.msk.f32 $0xffff, v36  }
0x12f: {  	v29 =	vadd.f32 v61, v29;
	(xrf2) =	vadd.scan.msk.f32 $0xffff, v35  }
0x130: {  	v38 =	vmax.f32 v39, v62;
	v46 =	vmul.f32 $2.000000030e-01, v34  }
0x131: {  	v45 =	vmul.f32 v38, v5;
	v47 =	vmul.f32 $2.000000030e-01, v29  }
0x132: {  	(xrf2) =	vadd.scan.msk.f32 $0xffff, v37;
	v34 =	vmax.f32 v34, v46;
	v36 =	vadd.f32 v40, v63  }
0x133: {  	(xrf2) =	vadd.scan.msk.f32 $0xffff, v45;
	v29 =	vmax.f32 v29, v47;
	v34 =	vmul.f32 v34, v4  }
0x134: {  	v48, _, _ =	vpop (xrf2);
	(xrf2) =	vadd.scan.msk.f32 $0xffff, v28;
	v50 =	vmul.f32 v29, v5;
	v49 =	vmul.f32 $2.000000030e-01, v36  }
0x135: {  	[tilespmem:v21+s14+$0x0] =	vst.idx.msk vm0, v42;
	(xrf2) =	vadd.scan.msk.f32 $0xffff, v34  }
0x136: {  	v58 =	vld [tilespmem:s13+$0x10];
	[tilespmem:v26+s14+$0x0] =	vst.idx.msk vm0, v43;
	(xrf2) =	vadd.scan.msk.f32 $0xffff, v50;
	v52 =	vmax.f32 v36, v49  }
0x137: {  	v42 =	vld [tilespmem:s19+$0x30];
	[tilespmem:v25+s14+$0x0] =	vst.idx.msk vm0, v48;
	v25, _, _ =	vpop (xrf2);
	v34 =	vmul.f32 v52, v4  }
0x138: {  	v54 =	vld [tilespmem:s11+$0x20];
	v26, _, _ =	vpop (xrf2)  }
0x139: {  	v56 =	vld [tilespmem:s18+$0x20];
	v55, _, _ =	vpop (xrf2);
	(xrf2) =	vadd.scan.msk.f32 $0xffff, v34  }
0x13a: {  	v51 =	vld [tilespmem:s19+$0xFFFFFFF0]  }
0x13b: {  	v53 =	vld [tilespmem:s20+$0xFFFFFFF0]  }
0x13c: {  	v63 =	vld [tilespmem:s20+$0x30];
	[tilespmem:v27+s14+$0x0] =	vst.idx.msk vm0, v55;
	v27, _, _ =	vpop (xrf2)  }
0x13d: {  	v57 =	vld [tilespmem:s11+$0xFFFFFFE0];
	v59, _, _ =	vpop (xrf2)  }
0x13e: {  	v60 =	vld [tilespmem:s18+$0xFFFFFFE0];
	[tilespmem:v33+s14+$0x0] =	vst.idx.msk vm0, v59;
	v61, _, _ =	vpop (xrf2)  }
0x13f: {  	v21 =	vor.u32 $0x1, v20;
	v33 =	vld [tilespmem:s11+$0x70];
	v41, _, _ =	vpop (xrf2)  }
0x140: {  	v62 =	vld [tilespmem:s18+$0x70];
	[tilespmem:v17+s14+$0x0] =	vst.idx.msk vm0, v61;
	v48, _, _ =	vpop (xrf2)  }
0x141: {  	v49 =	vld [tilespmem:s22+$0xFFFFFFD0];
	[tilespmem:v22+s14+$0x0] =	vst.idx.msk vm0, v48  }
0x142: {  	v32 =	vadd.f32 v58, v32;
	v28 =	vadd.f32 v53, v51;
	v50 =	vld [tilespmem:s20+$0xFFFFFFB0]  }
0x143: {  	v22 =	vadd.f32 v56, v54;
	v52 =	vld [tilespmem:s19+$0xFFFFFFB0];
	v53, _, _ =	vpop (xrf2)  }
0x144: {  	v51 =	vmul.f32 $2.000000030e-01, v28;
	v55 =	vmul.f32 $2.000000030e-01, v32;
	[tilespmem:v21+s14+$0x0] =	vst.idx.msk vm0, v53;
	v21 =	vld [tilespmem:s13+$0xFFFFFFD0]  }
0x145: {  	v58 =	vadd.f32 v63, v42;
	v54 =	vmul.f32 $2.000000030e-01, v22;
	v56 =	vld [tilespmem:s22+$0x60]  }
0x146: {  	v28 =	vmax.f32 v28, v51;
	v32 =	vmax.f32 v32, v55;
	v34 =	vadd.f32 v60, v57;
	v43 =	vld [tilespmem:s13+$0x60]  }
0x147: {  	v59 =	vmul.f32 $2.000000030e-01, v58;
	v28 =	vmul.f32 v28, v6;
	v22 =	vmax.f32 v22, v54  }
0x148: {  	v57 =	vmul.f32 $2.000000030e-01, v34;
	v22 =	vmul.f32 v22, v5;
	v35 =	vadd.f32 v50, v52  }
0x149: {  	v32 =	vmul.f32 v32, v4;
	(xrf2) =	vadd.scan.msk.f32 $0xffff, v28;
	v28 =	vmax.f32 v58, v59  }
0x14a: {  	v60 =	vld [tilespmem:s18+$0xFFFFFFA0];
	v34 =	vmax.f32 v34, v57;
	(xrf2) =	vadd.scan.msk.f32 $0xffff, v22;
	v22 =	vmul.f32 $2.000000030e-01, v35;
	v21 =	vadd.f32 v21, v49  }
0x14b: {  	v33 =	vadd.f32 v62, v33;
	v34 =	vmul.f32 v34, v5;
	v62 =	vadd.f32 v43, v56  }
0x14c: {  	v28 =	vmul.f32 v28, v6;
	(xrf2) =	vadd.scan.msk.f32 $0xffff, v32;
	v22 =	vmax.f32 v35, v22;
	v61 =	vmul.f32 $2.000000030e-01, v21  }
0x14d: {  	(xrf2) =	vadd.scan.msk.f32 $0xffff, v34;
	v22 =	vmul.f32 v22, v6;
	v40 =	vmul.f32 $2.000000030e-01, v62  }
0x14e: {  	v63 =	vmul.f32 $2.000000030e-01, v33;
	(xrf2) =	vadd.scan.msk.f32 $0xffff, v28;
	v21 =	vmax.f32 v21, v61  }
0x14f: {  	v42 =	vadd.f32 v60, v31;
	(xrf2) =	vadd.scan.msk.f32 $0xffff, v22;
	v21 =	vmul.f32 v21, v4;
	v22 =	vmax.f32 v62, v40  }
0x150: {  	v33 =	vmax.f32 v33, v63;
	v22 =	vmul.f32 v22, v5  }
0x151: {  	v44 =	vor.u32 $0x1, v18;
	v43 =	vmul.f32 v33, v6;
	(xrf2) =	vadd.scan.msk.f32 $0xffff, v21;
	v21 =	vmul.f32 $2.000000030e-01, v42;
	_ =	sdelay $0x1  }
0x152: {  	(xrf2) =	vadd.scan.msk.f32 $0xffff, v43;
	v21 =	vmax.f32 v42, v21  }
0x153: {  	(xrf2) =	vadd.scan.msk.f32 $0xffff, v22;
	v22, _, _ =	vpop (xrf2);
	v21 =	vmul.f32 v21, v5  }
0x154: {  	v46 =	vor.u32 $0x1, v19;
	v45, _, _ =	vpop (xrf2)  }
0x155: {  	[tilespmem:v44+s14+$0x0] =	vst.idx.msk vm0, v41;
	v47, _, _ =	vpop (xrf2);
	(xrf2) =	vadd.scan.msk.f32 $0xffff, v21  }
0x156: {  	v63 =	vld [tilespmem:s13+$0xFFFFFFA0]  }
0x157: {  	v33 =	vld [tilespmem:s22+$0xFFFFFFA0];
	[tilespmem:v23+s14+$0x0] =	vst.idx.msk vm0, v45  }
0x158: {  	v21 =	vor.u32 $0x1, v17;
	v23 =	vld [tilespmem:s11+$0x30]  }
0x159: {  	v48, _, _ =	vpop (xrf2);
	[tilespmem:v46+s14+$0x0] =	vst.idx.msk vm0, v47;
	v57 =	vld [tilespmem:s18+$0x30]  }
0x15a: {  	v49 =	vor.u32 $0x2, v20;
	v34, _, _ =	vpop (xrf2);
	v51 =	vld [tilespmem:s22+$0x20]  }
0x15b: {  	[tilespmem:v30+s14+$0x0] =	vst.idx.msk vm0, v48;
	v53 =	vld [tilespmem:s13+$0x20];
	v32, _, _ =	vpop (xrf2)  }
0x15c: {  	v31 =	vld [tilespmem:s11+$0xFFFFFFF0];
	v52, _, _ =	vpop (xrf2)  }
0x15d: {  	v50 =	vld [tilespmem:s18+$0xFFFFFFF0];
	[tilespmem:v21+s14+$0x0] =	vst.idx.msk vm0, v52;
	v21, _, _ =	vpop (xrf2)  }
0x15e: {  	v36 =	vld [tilespmem:s22+$0xFFFFFFE0];
	v54, _, _ =	vpop (xrf2)  }
0x15f: {  	v55 =	vld [tilespmem:s13+$0xFFFFFFE0];
	[tilespmem:v49+s14+$0x0] =	vst.idx.msk vm0, v54;
	v56, _, _ =	vpop (xrf2)  }
0x160: {  	v30 =	vld [tilespmem:s22+$0x70];
	[tilespmem:v24+s14+$0x0] =	vst.idx.msk vm0, v56  }
0x161: {  	v28 =	vld [tilespmem:s18+$0xFFFFFFB0]  }
0x162: {  	v59 =	vld [tilespmem:s11+$0xFFFFFFB0]  }
0x163: {  	v58 =	vadd.f32 v50, v31;
	v62 =	vld [tilespmem:s13+$0x70]  }
0x164: {  	v23 =	vadd.f32 v57, v23;
	v60 =	vadd.f32 v53, v51  }
0x165: {  	v61 =	vmul.f32 $2.000000030e-01, v58;
	v45 =	vadd.f32 v55, v36  }
0x166: {  	v33 =	vadd.f32 v63, v33;
	v47 =	vmul.f32 $2.000000030e-01, v23;
	v44 =	vmul.f32 $2.000000030e-01, v60  }
0x167: {  	v24 =	vmax.f32 v58, v61;
	v36 =	vmul.f32 $2.000000030e-01, v45;
	v28 =	vadd.f32 v28, v59  }
0x168: {  	v31 =	vmax.f32 v60, v44;
	v24 =	vmul.f32 v24, v6;
	v30 =	vadd.f32 v62, v30  }
0x169: {  	v46 =	vmul.f32 v31, v5;
	v35 =	vmax.f32 v45, v36;
	v48 =	vmul.f32 $2.000000030e-01, v28  }
0x16a: {  	v23 =	vmax.f32 v23, v47;
	(xrf2) =	vadd.scan.msk.f32 $0xffff, v24;
	v37 =	vmul.f32 $2.000000030e-01, v30;
	v35 =	vmul.f32 v35, v5  }
0x16b: {  	v50 =	vmul.f32 $2.000000030e-01, v33;
	v23 =	vmul.f32 v23, v6;
	(xrf2) =	vadd.scan.msk.f32 $0xffff, v46;
	v49 =	vmax.f32 v28, v48  }
0x16c: {  	v51 =	vmax.f32 v30, v37;
	(xrf2) =	vadd.scan.msk.f32 $0xffff, v35;
	v24 =	vmul.f32 v49, v6  }
0x16d: {  	v29 =	vmul.f32 v51, v6;
	(xrf2) =	vadd.scan.msk.f32 $0xffff, v23;
	v23 =	vmax.f32 v33, v50  }
0x16e: {  	v23 =	vmul.f32 v23, v5;
	(xrf2) =	vadd.scan.msk.f32 $0xffff, v24  }
0x16f: {  	(xrf2) =	vadd.scan.msk.f32 $0xffff, v29  }
0x170: {  	(xrf2) =	vadd.scan.msk.f32 $0xffff, v23  }
0x171: {  	v53 =	vor.u32 $0x2, v19  }
0x172: {  	v23 =	vor.u32 $0x2, v17;
	_ =	sdelay $0x1  }
0x173: {  	v52, _, _ =	vpop (xrf2)  }
0x174: {  	v54, _, _ =	vpop (xrf2)  }
0x175: {  	v56 =	vor.u32 $0x2, v18;
	[tilespmem:v53+s14+$0x0] =	vst.idx.msk vm0, v54;
	v55, _, _ =	vpop (xrf2)  }
0x176: {  	[tilespmem:v23+s14+$0x0] =	vst.idx.msk vm0, v55;
	v23, _, _ =	vpop (xrf2)  }
0x177: {  	v28 =	vld [tilespmem:s22+$0x30];
	v57, _, _ =	vpop (xrf2)  }
0x178: {  	v61 =	vld [tilespmem:s13+$0x30];
	v59, _, _ =	vpop (xrf2)  }
0x179: {  	v30 =	vld [tilespmem:s22+$0xFFFFFFF0];
	v60, _, _ =	vpop (xrf2)  }
0x17a: {  	v58 =	vld [tilespmem:s13+$0xFFFFFFF0];
	[tilespmem:v56+s14+$0x0] =	vst.idx.msk vm0, v60  }
0x17b: {  	v29 =	vld [tilespmem:s13+$0xFFFFFFB0]  }
0x17c: {  	v31 =	vld [tilespmem:s22+$0xFFFFFFB0];
	_ =	sdelay $0x2  }
0x17d: {  	v30 =	vadd.f32 v58, v30  }
0x17e: {  	v28 =	vadd.f32 v61, v28  }
0x17f: {  	v8 =	vor.u32 $0x3, v8;
	v35 =	vmul.f32 $2.000000030e-01, v30;
	v29 =	vadd.f32 v29, v31  }
0x180: {  	v7 =	vor.u32 $0x3, v7;
	v62 =	vmul.f32 $2.000000030e-01, v28  }
0x181: {  	v10 =	vor.u32 $0x3, v10;
	v30 =	vmax.f32 v30, v35;
	v63 =	vmul.f32 $2.000000030e-01, v29  }
0x182: {  	v12 =	vor.u32 $0x3, v12;
	v28 =	vmax.f32 v28, v62;
	v30 =	vmul.f32 v30, v6  }
0x183: {  	v11 =	vor.u32 $0x3, v11;
	v28 =	vmul.f32 v28, v6;
	v29 =	vmax.f32 v29, v63  }
0x184: {  	[tilespmem:v8+s14+$0x0] =	vst.idx.msk vm0, v25;
	v8 =	vor.u32 $0x3, v9;
	(xrf2) =	vadd.scan.msk.f32 $0xffff, v30;
	v9 =	vmul.f32 v29, v6  }
0x185: {  	[tilespmem:v7+s14+$0x0] =	vst.idx.msk vm0, v26;
	v7 =	vor.u32 $0x3, v14;
	(xrf2) =	vadd.scan.msk.f32 $0xffff, v28  }
0x186: {  	[tilespmem:v10+s14+$0x0] =	vst.idx.msk vm0, v27;
	v10 =	vor.u32 $0x3, v16;
	(xrf2) =	vadd.scan.msk.f32 $0xffff, v9  }
0x187: {  	[tilespmem:v12+s14+$0x0] =	vst.idx.msk vm0, v22;
	v9 =	vor.u32 $0x3, v15  }
0x188: {  	[tilespmem:v11+s14+$0x0] =	vst.idx.msk vm0, v34;
	v11 =	vor.u32 $0x3, v13  }
0x189: {  	[tilespmem:v8+s14+$0x0] =	vst.idx.msk vm0, v32;
	v8 =	vor.u32 $0x3, v20  }
0x18a: {  	[tilespmem:v7+s14+$0x0] =	vst.idx.msk vm0, v21;
	v7 =	vor.u32 $0x3, v17  }
0x18b: {  	[tilespmem:v10+s14+$0x0] =	vst.idx.msk vm0, v52;
	v10 =	vor.u32 $0x3, v19  }
0x18c: {  	s0 =	simm.s32 $0x0;
	s2 =	simm.s32 $0x4;
	p6 =	por $0x1, $0x1;
	[tilespmem:v9+s14+$0x0] =	vst.idx.msk vm0, v23;
	v9 =	vor.u32 $0x3, v18  }
.Ltmp7:
0x18d: {  	s5 =	simm.s32 $0x8;
	v12 =	vmov s2;
	[tilespmem:v11+s14+$0x0] =	vst.idx.msk vm0, v57;
	v11 =	vmov s0;
	(pc) =	sbr.rel @!p6 .LBB2_11-.Ltmp7, $4  }
0x18e: {  	v12 =	vshll.u32 v12, $0x4;
	v13 =	vmov s5;
	[tilespmem:v8+s14+$0x0] =	vst.idx.msk vm0, v59;
	v11 =	vshll.u32 v11, $0x4;
	v8, _, _ =	vpop (xrf2)  }
0x18f: {  	s24 =	simm.s32 $0xC;
	[tilespmem:v7+s14+$0x0] =	vst.idx.msk vm0, v8;
	v7, _, _ =	vpop (xrf2);
	v8 =	vor.u32 v1, v11;
	v11 =	vor.u32 v1, v12;
	v12 =	vshll.u32 v13, $0x4  }
0x190: {  	p3 =	por $0x0, $0x0;
	v13 =	vmov s24;
	[tilespmem:v10+s14+$0x0] =	vst.idx.msk vm0, v7;
	v10 =	vor.u32 v2, v8;
	v8 =	vor.u32 v1, v12;
	v7, _, _ =	vpop (xrf2)  }
0x191: {  	p4 =	por $0x0, $0x0;
	p5 =	por $0x0, $0x0;
	s5 =	simm.s32 $0x1C;
	v12 =	vor.u32 v2, v11;
	v23 =	vshll.u32 v13, $0x4;
	[tilespmem:v9+s14+$0x0] =	vst.idx.msk vm0, v7;
	v9 =	vor.u32 v2, v8  }
0x192: {  	_ = 	snop  }
0x193: {  	v7 =	vor.u32 v1, v23  }
0x194: {  	s0 =	simm.s32 $0x10;
	p6 =	por $0x1, $0x1;
	v13 =	vor.u32 v2, v7  }
.Ltmp8:
0x195: {  	s2 =	simm.s32 $0x14;
	s11 =	simm.s32 $0x18;
	v15 =	vmov s5;
	v7 =	vmov s0;
	(pc) =	sbr.rel @!p6 .LBB2_13-.Ltmp8, $4  }
0x196: {  	v14 =	vld.idx.msk [tilespmem:v10+s14+$0x0], $0xffff;
	v8 =	vmov s2;
	v11 =	vmov s11;
	v23 =	vshll.u32 v15, $0x4  }
0x197: {  	v17 =	vld.idx.msk [tilespmem:v12+s14+$0x0], $0xffff;
	v7 =	vshll.u32 v7, $0x4;
	v8 =	vshll.u32 v8, $0x4;
	v11 =	vshll.u32 v11, $0x4  }
0x198: {  	v18 =	vld.idx.msk [tilespmem:v9+s14+$0x0], $0xffff;
	v7 =	vor.u32 v1, v7;
	v8 =	vor.u32 v1, v8;
	v11 =	vor.u32 v1, v11  }
0x199: {  	s5 =	simm.s32 $0x2C;
	p3 =	por $0x1, $0x1;
	v7 =	vor.u32 v2, v7;
	v8 =	vor.u32 v2, v8;
	v11 =	vor.u32 v2, v11;
	v16 =	vld.idx.msk [tilespmem:v13+s14+$0x0], $0xffff  }
0x19a: {  	_ =	sdelay $0x1  }
0x19b: {  	v14 =	vmul.f32 $1.442695020e+00, v14  }
0x19c: {  	v18 =	vmul.f32 $1.442695020e+00, v18  }
0x19d: {  	v19 =	vmul.f32 $1.442695020e+00, v17;
	(erf) = vpow2.f32 v14  }
0x19e: {  	v25 =	vmul.f32 $1.442695020e+00, v16;
	(erf) = vpow2.f32 v18  }
0x19f: {  	(erf) = vpow2.f32 v19  }
0x1a0: {  	(erf) = vpow2.f32 v25  }
0x1a1: {  	s2 =	simm.s32 $0x24  }
0x1a2: {  	s0 =	simm.s32 $0x20;
	v15 =	vor.u32 v1, v23;
	v20 =	vmov s2  }
0x1a3: {  	p6 =	por $0x1, $0x1;
	v15 =	vor.u32 v2, v15;
	v17 =	vmov s0;
	v20 =	vshll.u32 v20, $0x4  }
.Ltmp9:
0x1a4: {  	s24 =	simm.s32 $0x28;
	v17 =	vshll.u32 v17, $0x4;
	v20 =	vor.u32 v1, v20;
	(pc) =	sbr.rel @!p6 .LBB2_15-.Ltmp9, $4  }
0x1a5: {  	v14 =	vld.idx.msk [tilespmem:v7+s14+$0x0], $0xffff;
	v17 =	vor.u32 v1, v17;
	v24 =	vor.u32 v2, v20;
	v20 =	vmov s24  }
0x1a6: {  	v22 =	vor.u32 v2, v17;
	v17 =	vld.idx.msk [tilespmem:v8+s14+$0x0], $0xffff;
	v20 =	vshll.u32 v20, $0x4  }
0x1a7: {  	v23 =	vmov s5;
	v18 =	vld.idx.msk [tilespmem:v11+s14+$0x0], $0xffff;
	v20 =	vor.u32 v1, v20  }
0x1a8: {  	s5 =	simm.s32 $0x3C;
	p4 =	por $0x1, $0x1;
	v23 =	vshll.u32 v23, $0x4;
	v16 =	vld.idx.msk [tilespmem:v15+s14+$0x0], $0xffff;
	v21 =	vor.u32 v2, v20  }
0x1a9: {  	s2 =	simm.s32 $0x34  }
0x1aa: {  	v19 =	vor.u32 v1, v23;
	v23 =	vmov s2  }
0x1ab: {  	v26 =	vor.u32 v2, v19;
	v19 =	vshll.u32 v23, $0x4  }
0x1ac: {  	s24 =	simm.s32 $0x38;
	v19 =	vor.u32 v1, v19  }
0x1ad: {  	s0 =	simm.s32 $0x30;
	v14 =	vmul.f32 $1.442695020e+00, v14;
	v27 =	vor.u32 v2, v19;
	v19 =	vmov s24  }
0x1ae: {  	v20 =	vmul.f32 $1.442695020e+00, v17;
	v17 =	vmov s0;
	v19 =	vshll.u32 v19, $0x4  }
0x1af: {  	v17 =	vshll.u32 v17, $0x4;
	v18 =	vmul.f32 $1.442695020e+00, v18;
	v19 =	vor.u32 v1, v19  }
0x1b0: {  	p6 =	por $0x1, $0x1;
	(erf) = vpow2.f32 v14;
	v14 =	vld.idx.msk [tilespmem:v22+s14+$0x0], $0xffff;
	v17 =	vor.u32 v1, v17  }
.Ltmp10:
0x1b1: {  	v23 =	vpop (erf);
	v25 =	vmul.f32 $1.442695020e+00, v16;
	v29 =	vor.u32 v2, v17;
	v17 =	vld.idx.msk [tilespmem:v24+s14+$0x0], $0xffff;
	(erf) = vpow2.f32 v18;
	(pc) =	sbr.rel @!p6 .LBB2_17-.Ltmp10, $4  }
0x1b2: {  	(erf) = vpow2.f32 v20;
	v20 =	vpop (erf);
	v28 =	vor.u32 v2, v19;
	v19 =	vmov v12  }
0x1b3: {  	[tilespmem:v9+s14+$0x0] =	vst.idx.msk $0xffff, v20;
	v20 =	vmov v13  }
0x1b4: {  	v30 =	vmov s5;
	v18 =	vld.idx.msk [tilespmem:v21+s14+$0x0], $0xffff  }
0x1b5: {  	s5 =	simm.s32 $0xC;
	s11 =	simm.s32 $0x4C;
	p5 =	por $0x1, $0x1;
	[tilespmem:v10+s14+$0x0] =	vst.idx.msk $0xffff, v23;
	v23 =	vshll.u32 v30, $0x4;
	v16 =	vld.idx.msk [tilespmem:v26+s14+$0x0], $0xffff;
	(erf) = vpow2.f32 v25;
	v25 =	vpop (erf)  }
.LBB2_18:
0x1b6: {  	v23 =	vor.u32 v1, v23;
	v34 =	vmul.f32 $1.442695020e+00, v14;
	v31 =	vmul.f32 $1.442695020e+00, v17;
	v17 =	vpop (erf)  }
0x1b7: {  	s0 =	sadd.s32 $0xFFFFFFF4, s11;
	s2 =	sadd.s32 $0xFFFFFFF8, s11;
	s12 =	sadd.s32 $0xFFFFFFFC, s11;
	[tilespmem:v19+s14+$0x0] =	vst.idx.msk $0xffff, v25;
	v25 =	vmovc v7;
	v7 =	vmovc v22;
	v22 =	vmov v29;
	v19 =	vmov v8;
	v8 =	vmov v24  }
0x1b8: {  	s5 =	sadd.s32 $0x4, s5;
	v35 =	vmov s0;
	v32 =	vmov s2;
	v14 =	vld.idx.msk [tilespmem:v29+s14+$0x0], $0xffff;
	[tilespmem:v20+s14+$0x0] =	vst.idx.msk $0xffff, v17;
	v20 =	vmovc v15;
	v15 =	vmovc v26;
	v26 =	vor.u32 v2, v23  }
0x1b9: {  	v24 =	vmovc v27;
	v30 =	vmovc v11;
	p6 =	slt.u32 s5, $0x7C;
	v23 =	vshll.u32 v35, $0x4;
	v29 =	vshll.u32 v32, $0x4;
	v17 =	vld.idx.msk [tilespmem:v27+s14+$0x0], $0xffff;
	(erf) = vpow2.f32 v34  }
.Ltmp11:
0x1ba: {  	v32 =	vmul.f32 $1.442695020e+00, v18;
	v34 =	vor.u32 v1, v23;
	v23 =	vor.u32 v1, v29;
	v33 =	vpop (erf);
	(pc) =	sbr.rel @p6 .LBB2_18-.Ltmp11, $4  }
0x1bb: {  	v11 =	vmovc v21;
	v21 =	vmovc v28;
	v18 =	vmov s12;
	v29 =	vor.u32 v2, v34;
	v27 =	vor.u32 v2, v23  }
0x1bc: {  	v23 =	vshll.u32 v18, $0x4;
	v34 =	vmul.f32 $1.442695020e+00, v16;
	v18 =	vld.idx.msk [tilespmem:v28+s14+$0x0], $0xffff;
	(erf) = vpow2.f32 v32  }
0x1bd: {  	v23 =	vor.u32 v1, v23;
	v32 =	vmov s11;
	v16 =	vld.idx.msk [tilespmem:v26+s14+$0x0], $0xffff;
	(erf) = vpow2.f32 v31;
	[tilespmem:v25+s14+$0x0] =	vst.idx.msk $0xffff, v33;
	v25 =	vpop (erf)  }
0x1be: {  	s11 =	sadd.s32 $0x10, s11;
	v28 =	vor.u32 v2, v23;
	v23 =	vshll.u32 v32, $0x4;
	(erf) = vpow2.f32 v34;
	[tilespmem:v30+s14+$0x0] =	vst.idx.msk $0xffff, v25;
	v25 =	vpop (erf)  }
0x1bf: {  	v31 =	vmov v7  }
0x1c0: {  	v32 =	vmovc v8;
	v33 =	vmovc v15;
	v34 =	vmov v11;
	v30 =	vmov v22;
	v7 =	vmov v29  }
0x1c1: {  	v29 =	vmovc v24;
	v15 =	vmovc v26;
	v8 =	vmov v27;
	v26 =	vmov v21;
	v11 =	vmov v28  }
.LBB2_20:
0x1c2: {  	_ =	sdelay $0x1  }
0x1c3: {  	v21 =	vor.u32 v1, v23  }
0x1c4: {  	v14 =	vmul.f32 @p3 $1.442695020e+00, v14;
	v21 =	vor.u32 v2, v21  }
0x1c5: {  	v22 =	vld.idx.msk [tilespmem:v7+s14+$0x0], $0xffff;
	v18 =	vmul.f32 @p3 $1.442695020e+00, v18  }
0x1c6: {  	v23 =	vld.idx.msk [tilespmem:v11+s14+$0x0], $0xffff;
	v17 =	vmul.f32 @p3 $1.442695020e+00, v17;
	v24 =	vpop @p5 (erf);
	(erf) = vpow2.f32 @p3 v14  }
0x1c7: {  	v16 =	vmul.f32 @p3 $1.442695020e+00, v16;
	(erf) = vpow2.f32 @p3 v18  }
0x1c8: {  	v28 =	vld.idx.msk [tilespmem:v8+s14+$0x0], $0xffff;
	v14 =	vmov @p3 v30;
	v30 =	vmov @p4 v32;
	v32 =	vpop @p4 (erf);
	(erf) = vpow2.f32 @p3 v17  }
0x1c9: {  	v18 =	vld.idx.msk [tilespmem:v21+s14+$0x0], $0xffff  }
0x1ca: {  	v17 =	vmov @p4 v34;
	(erf) = vpow2.f32 @p3 v16;
	v22 =	vmul.f32 $1.442695020e+00, v22  }
0x1cb: {  	[tilespmem:v19+s14+$0x0] =	vst.idx.msk @p5 $0xffff, v25;
	v16 =	vpsel p4, v30, v0;
	v19 =	vpop @p4 (erf);
	v10 =	vpsel p3, v14, v10;
	v14 =	vmul.f32 $1.442695020e+00, v23  }
0x1cc: {  	v9 =	vpsel p3, v26, v9;
	[tilespmem:v20+s14+$0x0] =	vst.idx.msk @p5 $0xffff, v24;
	v20 =	vpop @p4 (erf);
	(erf) = vpow2.f32 v22  }
0x1cd: {  	v27 =	vmovc @p4 v31;
	v40 =	vmul.f32 $1.442695020e+00, v28;
	(erf) = vpow2.f32 v14;
	v14 =	vpsel p4, v20, v0  }
0x1ce: {  	v31 =	vmov @p4 v33;
	v13 =	vpsel p3, v15, v13;
	v15 =	vpop @p4 (erf);
	v18 =	vmul.f32 $1.442695020e+00, v18  }
0x1cf: {  	v12 =	vpsel p3, v29, v12;
	v23 =	vpsel p4, v31, v0;
	(erf) = vpow2.f32 v40;
	[tilespmem:v17+s14+$0x0] =	vst.idx.msk @p4 $0xffff, v19;
	v17 =	vpop @p3 (erf)  }
0x1d0: {  	v12 =	vpsel p3, v12, v0;
	[tilespmem:v16+s14+$0x0] =	vst.idx.msk @p4 $0xffff, v14;
	v14 =	vpop @p3 (erf);
	(erf) = vpow2.f32 v18  }
0x1d1: {  	v13 =	vpsel p3, v13, v0;
	[tilespmem:v10+s14+$0x0] =	vst.idx.msk @p3 $0xffff, v17;
	v10 =	vpop @p3 (erf)  }
0x1d2: {  	[tilespmem:v9+s14+$0x0] =	vst.idx.msk @p3 $0xffff, v14;
	v9 =	vpsel p3, v10, v0  }
0x1d3: {  	[tilespmem:v27+s14+$0x0] =	vst.idx.msk @p4 $0xffff, v32  }
0x1d4: {  	[tilespmem:v23+s14+$0x0] =	vst.idx.msk @p4 $0xffff, v15  }
0x1d5: {  	[tilespmem:v12+s14+$0x0] =	vst.idx.msk @p3 $0xffff, v9;
	v9 =	vpop @p3 (erf)  }
0x1d6: {  	[tilespmem:v13+s14+$0x0] =	vst.idx.msk @p3 $0xffff, v9;
	v9 =	vpop (erf)  }
0x1d7: {  	[tilespmem:v7+s14+$0x0] =	vst.idx.msk $0xffff, v9;
	v7 =	vpop (erf)  }
0x1d8: {  	[tilespmem:v11+s14+$0x0] =	vst.idx.msk $0xffff, v7;
	v7 =	vpop (erf)  }
0x1d9: {  	[tilespmem:v8+s14+$0x0] =	vst.idx.msk $0xffff, v7;
	v7 =	vpop (erf)  }
0x1da: {  	[tilespmem:v21+s14+$0x0] =	vst.idx.msk $0xffff, v7  }
0x1db: {  	[spmem:s4] =	stream.indirect.scatter.add.f32 [tilespmem:s14], [sflag:$0x3], $0x10, s26, s30, $0xb8;
	[tilespmem:$0x1E790] =	vst v63  }
0x1dc: {  	s0 =	sshll.u32 s10, $0x1;
	s2 =	simm.s32 $0x30;
	_ =	swait.ge [sflag:s23], $0x2000  }
0x1dd: {  	s5 =	simm.s32 $0x0;
	s0 =	sand.u32 $0x1FFFFC00, s0;
	[sflag:s23] =	ssyncset.done $0x0  }
0x1de: {  	s13 =	simm.s32 $0x0;
	s0 =	sadd.s32 s9, s0;
	v7 =	vmov s2;
	[sflag:s23] =	ssyncadd.s32 $0xFFFFE000  }
0x1df: {  	[hbm4b:s0+s5] =	stream.linear.scatter [tilespmem:s14], [sflag:$0x3], $0x2000, $0x38;
	[tilespmem:$0x1E790] =	vst v63  }
0x1e0: {  	s15 =	simm.s32 $0x10;
	v10 =	vmov s13;
	_ =	swait.ge [sflag:s23], $0x2000  }
0x1e1: {  	s18 =	simm.s32 $0x20;
	v11 =	vmov s15;
	[sflag:s23] =	ssyncset.done $0x0  }
0x1e2: {  	v12 =	vmov s18;
	[sflag:s23] =	ssyncadd.s32 $0xFFFFE000  }
0x1e3: {  	s10 =	simm.s32 $0xC810;
	v8 =	vld.idx.msk [tilespmem:v7+s14+$0x0], $0xffff  }
0x1e4: {  	v9 =	vld [tilespmem:s10+$0x40]  }
0x1e5: {  	v13 =	vld.idx.msk [tilespmem:v10+s14+$0x0], $0xffff  }
0x1e6: {  	v14 =	vld.idx.msk [tilespmem:v11+s14+$0x0], $0xffff  }
0x1e7: {  	s24 =	simm.s32 $0x60;
	v16 =	vld.idx.msk [tilespmem:v12+s14+$0x0], $0xffff  }
0x1e8: {  	v45 =	vmov s24;
	v17 =	vld [tilespmem:s10+$0xFFFFFF80]  }
0x1e9: {  	v18 =	vld [tilespmem:s10+$0x0]  }
0x1ea: {  	v19 =	vld [tilespmem:s10+$0x50]  }
0x1eb: {  	v22 =	vld [tilespmem:s10+$0xFFFFFF90]  }
0x1ec: {  	v43 =	vld [tilespmem:s10+$0x70]  }
0x1ed: {  	s11 =	simm.s32 $0xC910;
	v15 =	vor.u32 $0x1, v7;
	v46 =	vld.idx.msk [tilespmem:v45+s14+$0x0], $0xffff  }
0x1ee: {  	v47 =	vld [tilespmem:s11+$0xFFFFFF80]  }
0x1ef: {  	v49 =	vld [tilespmem:s11+$0xFFFFFFC0];
	v8 =	vmul.f32 v9, v8  }
0x1f0: {  	v50 =	vld [tilespmem:s11+$0x0]  }
0x1f1: {  	v9 =	vld [tilespmem:s10+$0xFFFFFFC0];
	[tilespmem:s10+$0x40] =	vst v8  }
0x1f2: {  	v8 =	vld.idx.msk [tilespmem:v15+s14+$0x0], $0xffff;
	v15 =	vor.u32 $0x1, v10  }
0x1f3: {  	v51 =	vld [tilespmem:s11+$0xFFFFFF90]  }
0x1f4: {  	v21 =	vor.u32 $0x1, v12;
	v36 =	vld [tilespmem:s11+$0xFFFFFFD0];
	v13 =	vmul.f32 v17, v13  }
0x1f5: {  	v53 =	vld [tilespmem:s11+$0x50]  }
0x1f6: {  	v54 =	vld [tilespmem:s11+$0x10];
	[tilespmem:s10+$0xFFFFFF80] =	vst v13;
	v13 =	vmul.f32 v18, v16;
	v9 =	vmul.f32 v9, v14;
	v14 =	vor.u32 $0x2, v7  }
0x1f7: {  	v15 =	vld.idx.msk [tilespmem:v15+s14+$0x0], $0xffff  }
0x1f8: {  	v16 =	vld [tilespmem:s10+$0x10];
	[tilespmem:s10+$0x0] =	vst v13;
	v8 =	vmul.f32 v19, v8  }
0x1f9: {  	v13 =	vld.idx.msk [tilespmem:v21+s14+$0x0], $0xffff  }
0x1fa: {  	v20 =	vor.u32 $0x1, v11;
	v19 =	vld [tilespmem:s10+$0x60];
	[tilespmem:s10+$0x50] =	vst v8  }
0x1fb: {  	s19 =	simm.s32 $0x40;
	v8 =	vor.u32 $0x2, v10;
	v14 =	vld.idx.msk [tilespmem:v14+s14+$0x0], $0xffff  }
0x1fc: {  	s20 =	simm.s32 $0x70;
	v23 =	vmov s19;
	v62 =	vld [tilespmem:s11+$0x60];
	v15 =	vmul.f32 v22, v15  }
0x1fd: {  	v41 =	vmov s20;
	v17 =	vld [tilespmem:s10+$0xFFFFFFD0];
	[tilespmem:s10+$0xFFFFFFC0] =	vst v9  }
0x1fe: {  	v21 =	vld [tilespmem:s10+$0xFFFFFFA0];
	[tilespmem:s10+$0xFFFFFF90] =	vst v15;
	v15 =	vor.u32 $0x3, v7  }
0x1ff: {  	s22 =	simm.s32 $0x50;
	v9 =	vld.idx.msk [tilespmem:v20+s14+$0x0], $0xffff;
	v13 =	vmul.f32 v16, v13  }
0x200: {  	v44 =	vmov s22;
	v16 =	vld.idx.msk [tilespmem:v8+s14+$0x0], $0xffff;
	v8 =	vmul.f32 v19, v14  }
0x201: {  	[tilespmem:s10+$0x10] =	vst v13;
	v13 =	vld.idx.msk [tilespmem:v23+s14+$0x0], $0xffff  }
0x202: {  	v14 =	vld.idx.msk [tilespmem:v41+s14+$0x0], $0xffff;
	[tilespmem:s10+$0x60] =	vst v8  }
0x203: {  	v20 =	vor.u32 $0x2, v12;
	v42 =	vld.idx.msk [tilespmem:v15+s14+$0x0], $0xffff  }
0x204: {  	v15 =	vld [tilespmem:s11+$0x40]  }
0x205: {  	v18 =	vor.u32 $0x2, v11;
	v19 =	vld.idx.msk [tilespmem:v44+s14+$0x0], $0xffff  }
0x206: {  	v22 =	vld [tilespmem:s10+$0xFFFFFFE0]  }
0x207: {  	v48 =	vor.u32 $0x1, v41;
	v9 =	vmul.f32 v17, v9;
	v17 =	vld [tilespmem:s10+$0x20]  }
0x208: {  	v35 =	vor.u32 $0x1, v44;
	v20 =	vld.idx.msk [tilespmem:v20+s14+$0x0], $0xffff  }
0x209: {  	[tilespmem:s10+$0xFFFFFFD0] =	vst v9;
	v7 =	vld [tilespmem:s10+$0xFFFFFFB0];
	v14 =	vmul.f32 v15, v14  }
0x20a: {  	v18 =	vld.idx.msk [tilespmem:v18+s14+$0x0], $0xffff;
	v19 =	vmul.f32 v49, v19  }
0x20b: {  	v9 =	vld [tilespmem:s10+$0xFFFFFFF0];
	v13 =	vmul.f32 v47, v13;
	v15 =	vor.u32 $0x1, v23;
	[tilespmem:s11+$0x40] =	vst v14  }
0x20c: {  	[tilespmem:s11+$0xFFFFFFC0] =	vst v19;
	v14 =	vor.u32 $0x1, v45;
	v52 =	vld.idx.msk [tilespmem:v48+s14+$0x0], $0xffff  }
0x20d: {  	v11 =	vor.u32 $0x3, v11;
	[tilespmem:s11+$0xFFFFFF80] =	vst v13;
	v13 =	vmul.f32 v50, v46;
	v19 =	vld.idx.msk [tilespmem:v35+s14+$0x0], $0xffff  }
0x20e: {  	v61 =	vor.u32 $0x3, v12;
	v8 =	vld [tilespmem:s10+$0x30]  }
0x20f: {  	v56 =	vor.u32 $0x2, v41;
	[tilespmem:s11+$0x0] =	vst v13;
	v13 =	vld [tilespmem:s11+$0xFFFFFFA0];
	v18 =	vmul.f32 v22, v18  }
0x210: {  	v63 =	vor.u32 $0x3, v10;
	v10 =	vmul.f32 v17, v20;
	v55 =	vld.idx.msk [tilespmem:v15+s14+$0x0], $0xffff  }
0x211: {  	v22 =	vor.u32 $0x2, v44;
	[tilespmem:s10+$0xFFFFFFE0] =	vst v18;
	v57 =	vld.idx.msk [tilespmem:v14+s14+$0x0], $0xffff;
	v14 =	vmul.f32 v53, v52  }
0x212: {  	[tilespmem:s10+$0x20] =	vst v10;
	v12 =	vmul.f32 v36, v19;
	v19 =	vld.idx.msk [tilespmem:v11+s14+$0x0], $0xffff  }
0x213: {  	v11 =	vmul.f32 v21, v16;
	v16 =	vld.idx.msk [tilespmem:v61+s14+$0x0], $0xffff;
	[tilespmem:s11+$0x50] =	vst v14  }
0x214: {  	v58 =	vor.u32 $0x2, v23;
	v33 =	vld.idx.msk [tilespmem:v56+s14+$0x0], $0xffff  }
0x215: {  	v60 =	vor.u32 $0x2, v45;
	v17 =	vmul.f32 v43, v42;
	v15 =	vld [tilespmem:s11+$0xFFFFFFE0];
	[tilespmem:s11+$0xFFFFFFD0] =	vst v12  }
0x216: {  	[tilespmem:s10+$0xFFFFFFA0] =	vst v11;
	v21 =	vld.idx.msk [tilespmem:v22+s14+$0x0], $0xffff;
	v59 =	vmul.f32 v51, v55  }
0x217: {  	[tilespmem:s10+$0x70] =	vst v17;
	v22 =	vor.u32 $0x3, v41;
	v17 =	vld.idx.msk [tilespmem:v63+s14+$0x0], $0xffff;
	v29 =	vmul.f32 v54, v57  }
0x218: {  	v14 =	vld [tilespmem:s11+$0x20];
	[tilespmem:s11+$0xFFFFFF90] =	vst v59  }
0x219: {  	v10 =	vor.u32 $0x3, v23;
	v18 =	vld.idx.msk [tilespmem:v58+s14+$0x0], $0xffff;
	[tilespmem:s11+$0x10] =	vst v29;
	v23 =	vmul.f32 v62, v33  }
0x21a: {  	s12 =	simm.s32 $0xC;
	s13 =	simm.s32 $0x80;
	s5 =	simm.s32 $0xC910;
	v12 =	vor.u32 $0x3, v44;
	v11 =	vor.u32 $0x3, v45;
	v20 =	vld.idx.msk [tilespmem:v60+s14+$0x0], $0xffff  }
.LBB2_21:
0x21b: {  	p3 =	slt.u32 s12, $0x1FC;
	v24 =	vmov s13;
	s0 =	sadd.s32 $0x10, s13;
	s2 =	sadd.s32 $0x30, s13;
	v25 =	vld [tilespmem:s11+$0xFFFFFFB0];
	[tilespmem:s11+$0x60] =	vst v23;
	v9 =	vmul.f32 v9, v19  }
0x21c: {  	v19 =	vor.u32 $0x1, v24;
	v23 =	vmov s0;
	s0 =	sadd.s32 $0x20, s13;
	v26 =	vmov s2;
	v22 =	vld.idx.msk [tilespmem:v22+s14+$0x0], $0xffff  }
0x21d: {  	v27 =	vor.u32 $0x1, v23;
	v28 =	vor.u32 $0x2, v23;
	v29 =	vmov s0;
	v30 =	vld [tilespmem:s11+$0x70];
	[tilespmem:s10+$0xFFFFFFF0] =	vst v9  }
0x21e: {  	v31 =	vor.u32 $0x2, v24;
	v32 =	vor.u32 $0x1, v29;
	v33 =	vor.u32 $0x2, v29;
	v9 =	vld [tilespmem:s11+$0xFFFFFFF0]  }
0x21f: {  	v15 =	vmul.f32 v15, v21;
	v34 =	vor.u32 $0x3, v23;
	v14 =	vmul.f32 v14, v20;
	v20 =	vld [tilespmem:s11+$0x30]  }
0x220: {  	v13 =	vmul.f32 v13, v18;
	v35 =	vor.u32 $0x3, v29;
	v21 =	vld.idx.msk [tilespmem:v24+s14+$0x0], $0xffff;
	v24 =	vor.u32 $0x3, v24  }
0x221: {  	v16 =	vmul.f32 v8, v16;
	s11 =	sadd.s32 $0x100, s11;
	v18 =	vld.idx.msk [tilespmem:v26+s14+$0x0], $0xffff;
	[tilespmem:s5+$0xFFFFFFE0] =	vst v15;
	v15 =	vmul.f32 v7, v17;
	v7 =	vmov v25  }
0x222: {  	v17 =	vld [tilespmem:s11+$0x40];
	[tilespmem:s5+$0x20] =	vst v14;
	v22 =	vmul.f32 v30, v22  }
0x223: {  	v14 =	vld.idx.msk [tilespmem:v23+s14+$0x0], $0xffff;
	[tilespmem:s5+$0xFFFFFFA0] =	vst v13  }
0x224: {  	v13 =	vld.idx.msk [tilespmem:v29+s14+$0x0], $0xffff;
	[tilespmem:s5+$0x70] =	vst v22;
	v8 =	vmov v20  }
0x225: {  	v22 =	vor.u32 $0x1, v26;
	v20 =	vld [tilespmem:s11+$0xFFFFFF80];
	[tilespmem:s10+$0x30] =	vst v16  }
0x226: {  	v16 =	vld [tilespmem:s11+$0xFFFFFFC0];
	[tilespmem:s10+$0xFFFFFFB0] =	vst v15;
	s10 =	smov.u32 s5;
	s5 =	smov.u32 s11  }
0x227: {  	v15 =	vld [tilespmem:s11+$0x0];
	v17 =	vmul.f32 v17, v18  }
0x228: {  	v18 =	vld [tilespmem:s11+$0xFFFFFF90]  }
0x229: {  	v23 =	vld [tilespmem:s11+$0xFFFFFFD0];
	[tilespmem:s11+$0x40] =	vst v17  }
0x22a: {  	v17 =	vmul.f32 v20, v21;
	v20 =	vld.idx.msk [tilespmem:v22+s14+$0x0], $0xffff  }
0x22b: {  	v14 =	vmul.f32 v16, v14;
	v16 =	vld [tilespmem:s11+$0x50]  }
0x22c: {  	[tilespmem:s11+$0xFFFFFF80] =	vst v17;
	v13 =	vmul.f32 v15, v13;
	v17 =	vld [tilespmem:s11+$0x10]  }
0x22d: {  	v19 =	vld.idx.msk [tilespmem:v19+s14+$0x0], $0xffff;
	[tilespmem:s11+$0xFFFFFFC0] =	vst v14  }
0x22e: {  	v22 =	vor.u32 $0x2, v26;
	v21 =	vld.idx.msk [tilespmem:v27+s14+$0x0], $0xffff;
	[tilespmem:s11+$0x0] =	vst v13  }
0x22f: {  	v25 =	vld.idx.msk [tilespmem:v32+s14+$0x0], $0xffff  }
0x230: {  	v13 =	vld [tilespmem:s11+$0xFFFFFFA0];
	v16 =	vmul.f32 v16, v20  }
0x231: {  	v15 =	vld [tilespmem:s11+$0xFFFFFFE0]  }
0x232: {  	v14 =	vld [tilespmem:s11+$0x20];
	[tilespmem:s11+$0x50] =	vst v16  }
0x233: {  	v16 =	vmul.f32 v18, v19;
	v27 =	vld.idx.msk [tilespmem:v22+s14+$0x0], $0xffff  }
0x234: {  	v20 =	vmul.f32 v23, v21;
	v23 =	vld [tilespmem:s11+$0x60]  }
0x235: {  	[tilespmem:s11+$0xFFFFFF90] =	vst v16;
	v16 =	vmul.f32 v17, v25;
	v19 =	vld.idx.msk [tilespmem:v12+s14+$0x0], $0xffff;
	v12 =	vmov v34  }
.Ltmp12:
0x236: {  	v18 =	vld.idx.msk [tilespmem:v31+s14+$0x0], $0xffff;
	[tilespmem:s11+$0xFFFFFFD0] =	vst v20;
	(pc) =	sbr.rel @p3 .LBB2_21-.Ltmp12, $4  }
0x237: {  	v22 =	vor.u32 $0x3, v26;
	v21 =	vld.idx.msk [tilespmem:v28+s14+$0x0], $0xffff;
	[tilespmem:s11+$0x10] =	vst v16  }
0x238: {  	v20 =	vld.idx.msk [tilespmem:v33+s14+$0x0], $0xffff  }
0x239: {  	v23 =	vmul.f32 v23, v27;
	v16 =	vld.idx.msk [tilespmem:v11+s14+$0x0], $0xffff;
	v11 =	vmov v35  }
0x23a: {  	s13 =	sshll.u32 s12, $0x4;
	s12 =	sadd.s32 $0x4, s12;
	v17 =	vld.idx.msk [tilespmem:v10+s14+$0x0], $0xffff;
	v10 =	vmov v24  }
0x23b: {  	v25 =	vld [tilespmem:s11+$0xFFFFFFB0]  }
0x23c: {  	v26 =	vld [tilespmem:s11+$0x70]  }
0x23d: {  	v28 =	vld [tilespmem:s11+$0xFFFFFFF0]  }
0x23e: {  	[tilespmem:s11+$0x60] =	vst v23;
	v30 =	vld [tilespmem:s11+$0x30]  }
0x23f: {  	s24 =	sadd.s32 $0x100, s11;
	v22 =	vld.idx.msk [tilespmem:v22+s14+$0x0], $0xffff  }
0x240: {  	s0 =	sadd.s32 $0x30, s13;
	v33 =	vld [tilespmem:s24+$0x40]  }
0x241: {  	v54 =	vmov s0;
	v36 =	vld [tilespmem:s24+$0xFFFFFF80]  }
0x242: {  	s20 =	sadd.s32 $0x10, s13;
	v38 =	vld [tilespmem:s24+$0xFFFFFFC0]  }
0x243: {  	s22 =	sadd.s32 $0x20, s13;
	v27 =	vmov s20;
	v39 =	vld [tilespmem:s24+$0x0]  }
0x244: {  	v29 =	vmov s22;
	v40 =	vld [tilespmem:s24+$0xFFFFFF90]  }
0x245: {  	v24 =	vmov s13;
	v56 =	vld [tilespmem:s24+$0xFFFFFFD0]  }
0x246: {  	v32 =	vld.idx.msk [tilespmem:v54+s14+$0x0], $0xffff  }
0x247: {  	v58 =	vld [tilespmem:s24+$0x50]  }
0x248: {  	v34 =	vld.idx.msk [tilespmem:v27+s14+$0x0], $0xffff  }
0x249: {  	v37 =	vor.u32 $0x1, v54;
	v35 =	vld.idx.msk [tilespmem:v29+s14+$0x0], $0xffff  }
0x24a: {  	v31 =	vld.idx.msk [tilespmem:v24+s14+$0x0], $0xffff  }
0x24b: {  	v60 =	vld [tilespmem:s24+$0x10];
	v41 =	vor.u32 $0x1, v27;
	v32 =	vmul.f32 v33, v32  }
0x24c: {  	v63 =	vld [tilespmem:s24+$0xFFFFFFE0];
	v57 =	vor.u32 $0x1, v29  }
0x24d: {  	v55 =	vor.u32 $0x1, v24;
	v45 =	vld [tilespmem:s24+$0x20];
	v34 =	vmul.f32 v38, v34;
	[tilespmem:s24+$0x40] =	vst v32  }
0x24e: {  	v59 =	vmul.f32 v39, v35;
	v37 =	vld.idx.msk [tilespmem:v37+s14+$0x0], $0xffff  }
0x24f: {  	v48 =	vld [tilespmem:s24+$0x60];
	v31 =	vmul.f32 v36, v31;
	[tilespmem:s24+$0xFFFFFFC0] =	vst v34  }
0x250: {  	v13 =	vmul.f32 v13, v18;
	[tilespmem:s24+$0x0] =	vst v59;
	v34 =	vld.idx.msk [tilespmem:v41+s14+$0x0], $0xffff  }
0x251: {  	v15 =	vmul.f32 v15, v21;
	v61 =	vor.u32 $0x2, v54;
	[tilespmem:s24+$0xFFFFFF80] =	vst v31;
	v36 =	vld.idx.msk [tilespmem:v57+s14+$0x0], $0xffff  }
0x252: {  	v14 =	vmul.f32 v14, v20;
	[tilespmem:s5+$0xFFFFFFA0] =	vst v13;
	v33 =	vld.idx.msk [tilespmem:v55+s14+$0x0], $0xffff  }
0x253: {  	v44 =	vor.u32 $0x2, v27;
	[tilespmem:s5+$0xFFFFFFE0] =	vst v15;
	v10 =	vld.idx.msk [tilespmem:v10+s14+$0x0], $0xffff;
	v37 =	vmul.f32 v58, v37  }
0x254: {  	v46 =	vor.u32 $0x2, v29;
	v12 =	vld.idx.msk [tilespmem:v12+s14+$0x0], $0xffff;
	[tilespmem:s5+$0x20] =	vst v14  }
0x255: {  	v62 =	vor.u32 $0x2, v24;
	v11 =	vld.idx.msk [tilespmem:v11+s14+$0x0], $0xffff;
	v47 =	vmul.f32 v56, v34;
	[tilespmem:s24+$0x50] =	vst v37  }
0x256: {  	v49 =	vmul.f32 v60, v36;
	v31 =	vld.idx.msk [tilespmem:v61+s14+$0x0], $0xffff  }
0x257: {  	v39 =	vld [tilespmem:s24+$0xFFFFFFA0];
	v33 =	vmul.f32 v40, v33;
	[tilespmem:s24+$0xFFFFFFD0] =	vst v47  }
0x258: {  	[tilespmem:s24+$0x10] =	vst v49;
	v51 =	vld.idx.msk [tilespmem:v44+s14+$0x0], $0xffff  }
0x259: {  	v52 =	vor.u32 $0x3, v54;
	v8 =	vmul.f32 v8, v16;
	[tilespmem:s24+$0xFFFFFF90] =	vst v33;
	v53 =	vld.idx.msk [tilespmem:v46+s14+$0x0], $0xffff  }
0x25a: {  	v9 =	vmul.f32 v9, v19;
	v50 =	vld.idx.msk [tilespmem:v62+s14+$0x0], $0xffff  }
0x25b: {  	[tilespmem:s10+$0x30] =	vst v8;
	v8 =	vld [tilespmem:s24+$0xFFFFFFF0];
	v55 =	vor.u32 $0x3, v27;
	v54 =	vmul.f32 v48, v31  }
0x25c: {  	[tilespmem:s10+$0xFFFFFFF0] =	vst v9;
	v7 =	vmul.f32 v7, v17;
	v57 =	vld [tilespmem:s24+$0xFFFFFFB0];
	v58 =	vor.u32 $0x3, v29  }
0x25d: {  	v59 =	vor.u32 $0x3, v24;
	v60 =	vld [tilespmem:s24+$0x70];
	v18 =	vmul.f32 v63, v51;
	[tilespmem:s24+$0x60] =	vst v54  }
0x25e: {  	[tilespmem:s10+$0xFFFFFFB0] =	vst v7;
	v14 =	vmul.f32 v45, v53;
	v13 =	vld.idx.msk [tilespmem:v52+s14+$0x0], $0xffff  }
0x25f: {  	v61 =	vld [tilespmem:s24+$0x30];
	v15 =	vmul.f32 v39, v50;
	[tilespmem:s24+$0xFFFFFFE0] =	vst v18  }
0x260: {  	v10 =	vmul.f32 v25, v10;
	[tilespmem:s24+$0x20] =	vst v14;
	v62 =	vld.idx.msk [tilespmem:v55+s14+$0x0], $0xffff  }
0x261: {  	v12 =	vmul.f32 v28, v12;
	[tilespmem:s24+$0xFFFFFFA0] =	vst v15;
	v9 =	vld.idx.msk [tilespmem:v58+s14+$0x0], $0xffff  }
0x262: {  	v11 =	vmul.f32 v30, v11;
	[tilespmem:s5+$0xFFFFFFB0] =	vst v10;
	v63 =	vld.idx.msk [tilespmem:v59+s14+$0x0], $0xffff  }
0x263: {  	[tilespmem:s5+$0xFFFFFFF0] =	vst v12;
	v7 =	vmul.f32 v60, v13  }
0x264: {  	[tilespmem:s5+$0x30] =	vst v11;
	v56 =	vmul.f32 v26, v22  }
0x265: {  	[tilespmem:s24+$0x70] =	vst v7;
	v7 =	vmul.f32 v8, v62  }
0x266: {  	[tilespmem:s5+$0x70] =	vst v56;
	v8 =	vmul.f32 v61, v9  }
0x267: {  	[tilespmem:s24+$0xFFFFFFF0] =	vst v7;
	v7 =	vmul.f32 v57, v63  }
0x268: {  	s8 =	sadd.s32 $0x1, s8;
	[tilespmem:s24+$0x30] =	vst v8  }
0x269: {  	p3 =	sne.s32 s8, s21;
	[tilespmem:s24+$0xFFFFFFB0] =	vst v7  }
0x26a: {  	[spmem:s3] =	stream.indirect.scatter.add.f32 [tilespmem:s31], [sflag:$0x3], $0x40, s26, s30, $0xb8;
	[tilespmem:$0x1E790] =	vst v63  }
.Ltmp13:
0x26b: {  	_ = 	snop;
	(pc) =	sbr.rel @p3 .LBB2_8-.Ltmp13, $4  }
.Ltmp14:
0x26c: {  	_ = 	snop;
	(pc) =	sbr.rel @!p3 .LBB2_23-.Ltmp14, $4  }
0x26d: {  	_ =	swait.ge [sflag:s23], $0x8000  }
0x26e: {  	[sflag:s23] =	ssyncset.done $0x0  }
0x26f: {  	[sflag:s23] =	ssyncadd.s32 $0xFFFF8000  }
0x270: {  	_ = 	snop  }
.LBB2_11:
.Ltmp15:
0x271: {  	(pc) =	sbr.rel .LBB2_20-.Ltmp15, $2  }
0x272: {  	_ =	sdelay $0x2  }
0x273: {  	v7 =	vmov v10;
	v8 =	vmov v12;
	v11 =	vmov v9  }
.LBB2_13:
.Ltmp16:
0x274: {  	(pc) =	sbr.rel .LBB2_20-.Ltmp16, $2  }
0x275: {  	_ =	sdelay $0x2  }
0x276: {  	v30 =	vmovc v10;
	v29 =	vmov v12;
	v15 =	vmov v13;
	v26 =	vmov v9  }
.LBB2_15:
.Ltmp17:
0x277: {  	(pc) =	sbr.rel .LBB2_20-.Ltmp17, $3  }
0x278: {  	_ =	sdelay $0x1  }
0x279: {  	v30 =	vmovc v7;
	v29 =	vmovc v8;
	v26 =	vmov v11;
	v31 =	vmov v10;
	v7 =	vmov v22  }
0x27a: {  	v32 =	vmovc v12;
	v33 =	vmovc v13;
	v8 =	vmov v24;
	v34 =	vmov v9;
	v11 =	vmov v21  }
.LBB2_17:
.Ltmp18:
0x27b: {  	(pc) =	sbr.rel .LBB2_20-.Ltmp18, $4  }
0x27c: {  	_ = 	snop  }
0x27d: {  	v31 =	vmov v7;
	v32 =	vmov v8;
	v33 =	vmov v15  }
0x27e: {  	v34 =	vmovc v11;
	v19 =	vmovc v12;
	v30 =	vmov v22;
	v7 =	vmov v29;
	v29 =	vmov v24  }
0x27f: {  	v20 =	vmovc v13;
	v15 =	vmovc v26;
	v8 =	vmov v27;
	v26 =	vmov v21;
	v11 =	vmov v28  }
.LBB2_24:
0x280: {  	_ =	sfence.sel $0x180000  }
0x281: {  	[bflag:$0x0] =	sbarrier.arrive $0xFFFF  }
0x282: {  	_ =	strace $0x90000047  }
0x283: {  	[bflag:$0x2] =	sbarrier.arrive $0xFFFF  }
0x284: {  	s0 =	rddreg [dreg:$0x6]  }
0x285: {  	s0 =	sadd.s32 @!p0 $0x100000, s0  }
0x286: {  	[sflag:s0] =	ssyncadd.tile.s32 @!p0 $0x1;
	_ =	shalt  }
.Lfunc_end2:
_tile_overlayer_lowered:
.L_overlay_start_2:
0x287: {  	(tag) =	ssettag $0x2  }
0x288: {  	s0 =	rddreg [dreg:$0x0];
	s2 =	stileid.u32  }
0x289: {  	s1 =	rddreg [dreg:$0x1];
	p0 =	sne.s32 s2, $0x0  }
0x28a: {  	s3 =	rddreg [dreg:$0x2];
	[bflag:$0x3] =	sbarrier.arrive $0xFFFF;
	s2 =	simm.s32 @!p0 $0x1C03  }
0x28b: {  	[timem:s3], [sflag:s2] =	dma.local @!p0 [hbm:s0], s1  }
0x28c: {  	s0 =	simm.s32 @!p0 $0x3  }
0x28d: {  	_ =	swait.ge @!p0 [sflag:s0], s1  }
0x28e: {  	s1 =	ssub.s32 @!p0 $0x0, s1;
	[sflag:s0] =	ssyncset.done @!p0 $0x0  }
0x28f: {  	[sflag:s0] =	ssyncadd.s32 @!p0 s1  }
0x290: {  	[bflag:$0x3] =	sbarrier.arrive $0xFFFF  }
0x291: {  	_ =	shalt  }

</sc_bundles>
